<compile_context>
chip_gen: v7x
topology: tpu7x:2x2x1
jax: 0.10.2.dev20260603
libtpu: 0.0.44.dev20260713+nightly
codegen_flags: <defaults>
</compile_context>

<pallas_src>
import functools

import jax
import jax.numpy as jnp
from jax import lax
from jax.experimental import pallas as pl
from jax.experimental.pallas import tpu as pltpu
from jax.experimental.pallas import tpu_sc as plsc

NUM_CORES = 2
NUM_SUBCORES = 16
NUM_WORKERS = NUM_CORES * NUM_SUBCORES


def _round_up(a, b):
    return (a + b - 1) // b * b


CHUNK = 128


def _make_deg_kernel(n_pad, nch):
    ept = n_pad // NUM_SUBCORES
    mesh = plsc.VectorSubcoreMesh(core_axis_name="c", subcore_axis_name="s")

    @functools.partial(
        pl.kernel,
        mesh=mesh,
        out_type=[jax.ShapeDtypeStruct((n_pad,), jnp.float32),
                  jax.ShapeDtypeStruct((n_pad,), jnp.float32)],
        scratch_types=[
            pltpu.VMEM((nch, CHUNK), jnp.int32),
            pltpu.VMEM((CHUNK,), jnp.float32),
            pltpu.VMEM((ept,), jnp.float32),
            pltpu.VMEM_SHARED((n_pad,), jnp.float32),
        ],
    )
    def deg_kernel(dstp_hbm, out0_hbm, out1_hbm, dst_v, ones_v, zbuf, deg_sh):
        c = lax.axis_index("c")
        s = lax.axis_index("s")
        wid = c * NUM_SUBCORES + s
        pltpu.sync_copy(dstp_hbm.at[wid], dst_v)

        zeros16 = jnp.zeros((16,), jnp.float32)
        ones16 = jnp.ones((16,), jnp.float32)
        for i in range(CHUNK // 16):
            ones_v[pl.ds(i * 16, 16)] = ones16

        def zero_body(k, _):
            zbuf[pl.ds(k * 16, 16)] = zeros16
            return 0

        lax.fori_loop(0, ept // 16, zero_body, 0)
        pltpu.sync_copy(zbuf, deg_sh.at[pl.ds(s * ept, ept)])
        plsc.subcore_barrier()

        def scat_body(j, _):
            pltpu.sync_copy(ones_v, deg_sh.at[dst_v.at[j]], add=True)
            return 0

        lax.fori_loop(0, nch, scat_body, 0)
        plsc.subcore_barrier()

        @pl.when(c == 0)
        def _():
            pltpu.sync_copy(deg_sh.at[pl.ds(s * ept, ept)],
                            out0_hbm.at[pl.ds(s * ept, ept)])

        @pl.when(c == 1)
        def _():
            pltpu.sync_copy(deg_sh.at[pl.ds(s * ept, ept)],
                            out1_hbm.at[pl.ds(s * ept, ept)])

    return deg_kernel


def _matmul_body(x_ref, w1_ref, deg0_ref, deg1_ref, h_ref, dinv_ref):
    deg = deg0_ref[...] + deg1_ref[...] + 1.0
    dinv = lax.rsqrt(deg)
    h = jnp.dot(x_ref[...], w1_ref[...], preferred_element_type=jnp.float32)
    h_ref[...] = h * dinv
    dinv_ref[...] = dinv


def _run_matmul(x, W1, deg0, deg1, n_pad, blk=2000):
    g = x.shape[0] // blk
    return pl.pallas_call(
        _matmul_body,
        grid=(g,),
        in_specs=[
            pl.BlockSpec((blk, 128), lambda i: (i, 0)),
            pl.BlockSpec((128, 128), lambda i: (0, 0)),
            pl.BlockSpec((blk, 1), lambda i: (i, 0)),
            pl.BlockSpec((blk, 1), lambda i: (i, 0)),
        ],
        out_specs=[
            pl.BlockSpec((blk, 128), lambda i: (i, 0)),
            pl.BlockSpec((blk, 1), lambda i: (i, 0)),
        ],
        out_shape=[
            jax.ShapeDtypeStruct((n_pad, 128), jnp.float32),
            jax.ShapeDtypeStruct((n_pad, 1), jnp.float32),
        ],
    )(x, W1, deg0, deg1)


ECH = 80


def _make_edge_kernel(n_pad, cpt):
    rpt = n_pad // NUM_SUBCORES
    ns_c = cpt // 8
    mesh = plsc.VectorSubcoreMesh(core_axis_name="c", subcore_axis_name="s")

    @functools.partial(
        pl.kernel,
        mesh=mesh,
        out_type=jax.ShapeDtypeStruct((NUM_CORES, n_pad, 128), jnp.float32),
        scratch_types=[
            pltpu.VMEM((8, ECH), jnp.int32),
            pltpu.VMEM((8, ECH), jnp.int32),
            pltpu.VMEM((8, ECH), jnp.int32),
            pltpu.VMEM((8, ECH), jnp.int32),
            pltpu.VMEM((ECH, 128), jnp.float32),
            pltpu.VMEM((ECH, 128), jnp.float32),
            pltpu.VMEM((ECH, 128), jnp.float32),
            pltpu.VMEM((ECH, 128), jnp.float32),
            pltpu.VMEM_SHARED((n_pad, 128), jnp.float32),
            pltpu.SemaphoreType.DMA,
            pltpu.SemaphoreType.DMA,
            pltpu.SemaphoreType.DMA,
            pltpu.SemaphoreType.DMA,
            pltpu.SemaphoreType.DMA,
        ],
    )
    def edge_kernel(h_hbm, srcp_hbm, dstp_hbm, zrow_hbm, out_hbm,
                    sidx_a, didx_a, sidx_b, didx_b,
                    buf0, buf1, buf2, buf3, acc_sh,
                    gsem0, gsem1, gsem2, gsem3, isem):
        c = lax.axis_index("c")
        s = lax.axis_index("s")
        wid = c * NUM_SUBCORES + s
        rs = s * rpt
        off = wid * cpt
        ns = ns_c

        pltpu.sync_copy(zrow_hbm, acc_sh.at[pl.ds(rs, rpt)])

        pltpu.sync_copy(srcp_hbm.at[pl.ds(off, 8)], sidx_a)
        pltpu.sync_copy(dstp_hbm.at[pl.ds(off, 8)], didx_a)
        plsc.subcore_barrier()
        bufs = (buf0, buf1, buf2, buf3)
        gsems = (gsem0, gsem1, gsem2, gsem3)
        sidxs = (sidx_a, sidx_b)
        didxs = (didx_a, didx_b)
        for k in range(3):
            pltpu.async_copy(h_hbm.at[sidx_a.at[k]], bufs[k], gsems[k])

        def stripe_pair(i, _):
            for p in range(2):
                t = i * 2 + p
                sidx, didx = sidxs[p], didxs[p]
                nsidx, ndidx = sidxs[1 - p], didxs[1 - p]
                nbase = off + (t + 1) * 8

                @pl.when(t + 1 < ns)
                def _():
                    pltpu.async_copy(srcp_hbm.at[pl.ds(nbase, 8)], nsidx,
                                     isem)
                    pltpu.async_copy(dstp_hbm.at[pl.ds(nbase, 8)], ndidx,
                                     isem)

                for cc in range(8):
                    b = cc % 4
                    pf = (cc + 3) % 4
                    if cc < 5:
                        pltpu.async_copy(h_hbm.at[sidx.at[cc + 3]],
                                         bufs[pf], gsems[pf])
                    elif cc == 5:
                        @pl.when(t + 1 < ns)
                        def _():
                            pltpu.make_async_copy(
                                srcp_hbm.at[pl.ds(nbase, 8)], nsidx,
                                isem).wait()
                            pltpu.make_async_copy(
                                dstp_hbm.at[pl.ds(nbase, 8)], ndidx,
                                isem).wait()
                            pltpu.async_copy(h_hbm.at[nsidx.at[0]],
                                             bufs[pf], gsems[pf])
                    else:
                        @pl.when(t + 1 < ns)
                        def _():
                            pltpu.async_copy(h_hbm.at[nsidx.at[cc - 5]],
                                             bufs[pf], gsems[pf])
                    pltpu.make_async_copy(h_hbm.at[sidx.at[cc]],
                                          bufs[b], gsems[b]).wait()
                    pltpu.sync_copy(bufs[b], acc_sh.at[didx.at[cc]],
                                    add=True)
            return 0

        lax.fori_loop(0, ns // 2, stripe_pair, 0)
        plsc.subcore_barrier()
        pltpu.sync_copy(acc_sh.at[pl.ds(rs, rpt)],
                        out_hbm.at[c, pl.ds(rs, rpt)])

    return edge_kernel


def _make_pool_body(num_blocks, num_graphs, num_classes):
    def pool_body(acc_ref, h_ref, dinv_ref, b1_ref, batch_ref, w2_ref,
                  b2_ref, out_ref, pool_sc):
        j = pl.program_id(0)

        @pl.when(j == 0)
        def _():
            pool_sc[...] = jnp.full_like(pool_sc[...], -jnp.inf)

        a = acc_ref[0] + acc_ref[1] + h_ref[...]
        z = jnp.maximum(a * dinv_ref[...] + b1_ref[...], 0.0)
        batch = batch_ref[...]

        def seg_body(g, _):
            m = jnp.where(batch == g, z, -jnp.inf)
            m = jnp.max(m, axis=0, keepdims=True)
            cur = pool_sc[pl.ds(g, 1), :]
            pool_sc[pl.ds(g, 1), :] = jnp.maximum(cur, m)
            return 0

        glo = batch[0, 0]
        ghi = jnp.minimum(batch[batch.shape[0] - 1, 0], num_graphs - 1)
        lax.fori_loop(glo, ghi + 1, seg_body, 0)

        @pl.when(j == num_blocks - 1)
        def _():
            pooled = pool_sc[...]
            logits = jnp.dot(pooled, w2_ref[...],
                             preferred_element_type=jnp.float32) + b2_ref[...]
            cols = lax.broadcasted_iota(jnp.int32, logits.shape, 1)
            valid = cols < num_classes
            lm = jnp.where(valid, logits, -jnp.inf)
            mx = jnp.max(lm, axis=-1, keepdims=True)
            e = jnp.where(valid, jnp.exp(lm - mx), 0.0)
            ssum = jnp.sum(e, axis=-1, keepdims=True)
            out_ref[...] = lm - mx - jnp.log(ssum)

    return pool_body


def _run_pool(acc, h_scaled, dinv, b1r, batch_p, W2p, b2p, n_pad,
              num_graphs, num_classes, blk=1024):
    g = n_pad // blk
    return pl.pallas_call(
        _make_pool_body(g, num_graphs, num_classes),
        grid=(g,),
        in_specs=[
            pl.BlockSpec((NUM_CORES, blk, 128), lambda i: (0, i, 0)),
            pl.BlockSpec((blk, 128), lambda i: (i, 0)),
            pl.BlockSpec((blk, 1), lambda i: (i, 0)),
            pl.BlockSpec((1, 128), lambda i: (0, 0)),
            pl.BlockSpec((blk, 1), lambda i: (i, 0)),
            pl.BlockSpec((128, 128), lambda i: (0, 0)),
            pl.BlockSpec((1, 128), lambda i: (0, 0)),
        ],
        out_specs=pl.BlockSpec((num_graphs, 128), lambda i: (0, 0)),
        out_shape=jax.ShapeDtypeStruct((num_graphs, 128), jnp.float32),
        scratch_shapes=[pltpu.VMEM((num_graphs, 128), jnp.float32)],
    )(acc, h_scaled, dinv, b1r, batch_p, W2p, b2p)


def kernel(x, edge_index, batch, W1, b1, W2, b2):
    n, d = x.shape
    e = edge_index.shape[1]
    num_graphs = 64
    num_classes = W2.shape[1]

    n_pad = _round_up(n + 1, 2560)
    cpt = _round_up(-(-e // (NUM_WORKERS * ECH)), 16)
    tch = NUM_WORKERS * cpt
    e_pad = tch * ECH
    assert e_pad % (NUM_WORKERS * CHUNK) == 0

    src = edge_index[0].astype(jnp.int32)
    dst = edge_index[1].astype(jnp.int32)
    pad = e_pad - e
    src_p = jnp.concatenate([src, jnp.full((pad,), n, jnp.int32)])
    dst_p = jnp.concatenate([dst, jnp.full((pad,), n, jnp.int32)])
    src_p = src_p.reshape(tch, ECH)
    dst_p = dst_p.reshape(tch, ECH)

    batch_p = jnp.full((n_pad, 1), num_graphs, jnp.int32).at[:n, 0].set(
        batch.astype(jnp.int32))
    W2p = jnp.zeros((d, 128), jnp.float32).at[:, :num_classes].set(W2)
    b2p = jnp.zeros((1, 128), jnp.float32).at[0, :num_classes].set(b2)
    b1r = b1.reshape(1, d)

    deg0, deg1 = _make_deg_kernel(n_pad, e_pad // (NUM_WORKERS * CHUNK))(
        dst_p.reshape(NUM_WORKERS, e_pad // (NUM_WORKERS * CHUNK), CHUNK))
    h_scaled, dinv = _run_matmul(x, W1, deg0.reshape(n_pad, 1),
                                 deg1.reshape(n_pad, 1), n_pad)
    zrow = jnp.zeros((n_pad // NUM_SUBCORES, 128), jnp.float32)
    acc = _make_edge_kernel(n_pad, cpt)(h_scaled, src_p, dst_p, zrow)
    out128 = _run_pool(acc, h_scaled, dinv, b1r, batch_p, W2p, b2p, n_pad,
                       num_graphs, num_classes)
    return out128[:, :num_classes]

# --- scband reference (transcript-rebuilt; emitter-appended) ---
"""Pipeline reference for scband-model-46196668236069 (READ-ONLY COPY).

The authoritative reference and input builder live on the scoring server;
editing this copy changes nothing except your own understanding.
"""

import jax, jax.numpy as jnp
import numpy as np

N = 10000
E = 320000
D = 128
H = 128
C = 2
G = 64


def setup_inputs(seed: int = 0) -> dict:
    key = jax.random.key(seed)
    k1, k2, k3, k4, k5 = jax.random.split(key, 5)
    x = jax.random.normal(k1, (N, D), dtype=jnp.float32)
    edge_index = jax.random.randint(k2, (2, E), 0, N)
    batch = jnp.sort(jax.random.randint(k3, (N,), 0, G))
    W1 = jax.random.normal(k4, (D, H), dtype=jnp.float32) * 0.05
    b1 = jnp.zeros((H,), dtype=jnp.float32)
    W2 = jax.random.normal(k5, (H, C), dtype=jnp.float32) * 0.05
    b2 = jnp.zeros((C,), dtype=jnp.float32)
    return {"x": x, "edge_index": edge_index, "batch": batch, "W1": W1, "b1": b1, "W2": W2, "b2": b2}


def gcn_conv(x, edge_index, W, b):
    # PyG GCNConv: add self loops, symmetric deg normalization, linear transform, scatter-add aggregate
    n = x.shape[0]
    src = edge_index[0]
    dst = edge_index[1]
    loop = jnp.arange(n, dtype=src.dtype)
    src = jnp.concatenate([src, loop])
    dst = jnp.concatenate([dst, loop])
    ones = jnp.ones(src.shape[0], dtype=x.dtype)
    deg = jnp.zeros((n,), dtype=x.dtype).at[dst].add(ones)
    dinv = jax.lax.rsqrt(jnp.maximum(deg, 1e-12))
    norm = dinv[src] * dinv[dst]
    h = x @ W
    msg = h[src] * norm[:, None]
    out = jax.ops.segment_sum(msg, dst, num_segments=n)
    return out + b


def reference(x, edge_index, batch, W1, b1, W2, b2):
    h = jax.nn.relu(gcn_conv(x, edge_index, W1, b1))
    pooled = jax.ops.segment_max(h, batch, num_segments=G)  # global_max_pool
    logits = pooled @ W2 + b2
    return jax.nn.log_softmax(logits, axis=-1)

if __name__ == "__main__":
    import jax
    _d = setup_inputs()
    print(jax.jit(kernel)(*tuple(_d.values())))

</pallas_src>

<mosaic_0001>
#map = affine_map<(d0, d1) -> (0, 0, 0)>
#map1 = affine_map<(d0, d1) -> (0)>
module attributes {stable_mosaic.version = 14 : i64} {
  func.func @deg_kernel(%arg0: i32, %arg1: i32, %arg2: memref<32x80x128xi32, #tpu.memory_space<hbm>>, %arg3: memref<10240xf32, #tpu.memory_space<hbm>>, %arg4: memref<10240xf32, #tpu.memory_space<hbm>>, %arg5: memref<80x128xi32, #tpu.memory_space<vmem>>, %arg6: memref<128xf32, #tpu.memory_space<vmem>>, %arg7: memref<640xf32, #tpu.memory_space<vmem>>, %arg8: memref<10240xf32, #tpu.memory_space<vmem_shared>>) attributes {dimension_semantics = [#tpu.dimension_semantics<core_parallel>, #tpu.dimension_semantics<subcore_parallel>], iteration_bounds = array<i64: 2, 16>, scalar_prefetch = 0 : i64, scratch_operands = 4 : i64, tpu.core_type = #tpu.core_type<sc_vector_subcore>, window_params = [{transform_indices = #map}, {transform_indices = #map1}, {transform_indices = #map1}]} {
    %mul3A = arith.constant 16 : i32
    %mul3A_0 = arith.muli %arg0, %mul3A : i32
    %add3A = arith.addi %mul3A_0, %arg1 : i32
    "tpu.region"() ({
      %run_scoped3A = tpu.sem_alloc : memref<!tpu.dma_semaphore, #tpu.memory_space<semaphore_mem>>
      %dma_start3A = arith.constant 0 : i32
      %dma_start3A_58 = arith.constant 0 : i32
      %dma_start3A_59 = tpu.memref_slice %arg2[%add3A, %dma_start3A, %dma_start3A_58] : memref<32x80x128xi32, #tpu.memory_space<hbm>> -> memref<1x80x128xi32, #tpu.memory_space<hbm>>
      %dma_start3A_60 = tpu.memref_squeeze %dma_start3A_59 : memref<1x80x128xi32, #tpu.memory_space<hbm>> -> memref<80x128xi32, #tpu.memory_space<hbm>>
      %dma_start3A_61 = arith.constant 0 : i32
      %dma_start3A_62 = arith.constant 0 : i32
      %dma_start3A_63 = tpu.memref_slice %arg2[%add3A, %dma_start3A_61, %dma_start3A_62] : memref<32x80x128xi32, #tpu.memory_space<hbm>> -> memref<1x80x128xi32, #tpu.memory_space<hbm>>
      %dma_start3A_64 = tpu.memref_squeeze %dma_start3A_63 : memref<1x80x128xi32, #tpu.memory_space<hbm>> -> memref<80x128xi32, #tpu.memory_space<hbm>>
      tpu.enqueue_dma source(%dma_start3A_64 : memref<80x128xi32, #tpu.memory_space<hbm>>) target(%arg5 : memref<80x128xi32, #tpu.memory_space<vmem>>) target_semaphore(%run_scoped3A : memref<!tpu.dma_semaphore, #tpu.memory_space<semaphore_mem>>)
      %dma_wait3A = arith.constant 0 : i32
      %dma_wait3A_65 = arith.constant 0 : i32
      %dma_wait3A_66 = tpu.memref_slice %arg2[%add3A, %dma_wait3A, %dma_wait3A_65] : memref<32x80x128xi32, #tpu.memory_space<hbm>> -> memref<1x80x128xi32, #tpu.memory_space<hbm>>
      %dma_wait3A_67 = tpu.memref_squeeze %dma_wait3A_66 : memref<1x80x128xi32, #tpu.memory_space<hbm>> -> memref<80x128xi32, #tpu.memory_space<hbm>>
      %dma_wait3A_68 = arith.constant 0 : i32
      %dma_wait3A_69 = arith.constant 0 : i32
      %dma_wait3A_70 = tpu.memref_slice %arg2[%add3A, %dma_wait3A_68, %dma_wait3A_69] : memref<32x80x128xi32, #tpu.memory_space<hbm>> -> memref<1x80x128xi32, #tpu.memory_space<hbm>>
      %dma_wait3A_71 = tpu.memref_squeeze %dma_wait3A_70 : memref<1x80x128xi32, #tpu.memory_space<hbm>> -> memref<80x128xi32, #tpu.memory_space<hbm>>
      tpu.wait_dma2 semaphore(%run_scoped3A : memref<!tpu.dma_semaphore, #tpu.memory_space<semaphore_mem>>) src(%dma_wait3A_71 : memref<80x128xi32, #tpu.memory_space<hbm>>) dst(%arg5 : memref<80x128xi32, #tpu.memory_space<vmem>>)
      tpu.yield
    }) : () -> ()
    %broadcast_in_dim3A = arith.constant 0.000000e+00 : f32
    %broadcast_in_dim3A_1 = vector.broadcast %broadcast_in_dim3A : f32 to vector<16xf32>
    %broadcast_in_dim3A_2 = arith.constant 1.000000e+00 : f32
    %broadcast_in_dim3A_3 = vector.broadcast %broadcast_in_dim3A_2 : f32 to vector<16xf32>
    %swap3A = arith.constant 0 : index
    %swap3A_4 = tpu.vector_load %arg6[%swap3A] {strides = array<i32>} : memref<128xf32, #tpu.memory_space<vmem>>, vector<16xf32>,
    %swap3A_5 = vector.shape_cast %swap3A_4 : vector<16xf32> to vector<16xf32>
    %swap3A_6 = vector.shape_cast %broadcast_in_dim3A_3 : vector<16xf32> to vector<16xf32>
    tpu.vector_store %arg6[%swap3A], %swap3A_6 {strides = array<i32>} : memref<128xf32, #tpu.memory_space<vmem>>, vector<16xf32>,
    %swap3A_7 = arith.constant 16 : index
    %swap3A_8 = tpu.vector_load %arg6[%swap3A_7] {strides = array<i32>} : memref<128xf32, #tpu.memory_space<vmem>>, vector<16xf32>,
    %swap3A_9 = vector.shape_cast %swap3A_8 : vector<16xf32> to vector<16xf32>
    %swap3A_10 = vector.shape_cast %broadcast_in_dim3A_3 : vector<16xf32> to vector<16xf32>
    tpu.vector_store %arg6[%swap3A_7], %swap3A_10 {strides = array<i32>} : memref<128xf32, #tpu.memory_space<vmem>>, vector<16xf32>,
    %swap3A_11 = arith.constant 32 : index
    %swap3A_12 = tpu.vector_load %arg6[%swap3A_11] {strides = array<i32>} : memref<128xf32, #tpu.memory_space<vmem>>, vector<16xf32>,
    %swap3A_13 = vector.shape_cast %swap3A_12 : vector<16xf32> to vector<16xf32>
    %swap3A_14 = vector.shape_cast %broadcast_in_dim3A_3 : vector<16xf32> to vector<16xf32>
    tpu.vector_store %arg6[%swap3A_11], %swap3A_14 {strides = array<i32>} : memref<128xf32, #tpu.memory_space<vmem>>, vector<16xf32>,
    %swap3A_15 = arith.constant 48 : index
    %swap3A_16 = tpu.vector_load %arg6[%swap3A_15] {strides = array<i32>} : memref<128xf32, #tpu.memory_space<vmem>>, vector<16xf32>,
    %swap3A_17 = vector.shape_cast %swap3A_16 : vector<16xf32> to vector<16xf32>
    %swap3A_18 = vector.shape_cast %broadcast_in_dim3A_3 : vector<16xf32> to vector<16xf32>
    tpu.vector_store %arg6[%swap3A_15], %swap3A_18 {strides = array<i32>} : memref<128xf32, #tpu.memory_space<vmem>>, vector<16xf32>,
    %swap3A_19 = arith.constant 64 : index
    %swap3A_20 = tpu.vector_load %arg6[%swap3A_19] {strides = array<i32>} : memref<128xf32, #tpu.memory_space<vmem>>, vector<16xf32>,
    %swap3A_21 = vector.shape_cast %swap3A_20 : vector<16xf32> to vector<16xf32>
    %swap3A_22 = vector.shape_cast %broadcast_in_dim3A_3 : vector<16xf32> to vector<16xf32>
    tpu.vector_store %arg6[%swap3A_19], %swap3A_22 {strides = array<i32>} : memref<128xf32, #tpu.memory_space<vmem>>, vector<16xf32>,
    %swap3A_23 = arith.constant 80 : index
    %swap3A_24 = tpu.vector_load %arg6[%swap3A_23] {strides = array<i32>} : memref<128xf32, #tpu.memory_space<vmem>>, vector<16xf32>,
    %swap3A_25 = vector.shape_cast %swap3A_24 : vector<16xf32> to vector<16xf32>
    %swap3A_26 = vector.shape_cast %broadcast_in_dim3A_3 : vector<16xf32> to vector<16xf32>
    tpu.vector_store %arg6[%swap3A_23], %swap3A_26 {strides = array<i32>} : memref<128xf32, #tpu.memory_space<vmem>>, vector<16xf32>,
    %swap3A_27 = arith.constant 96 : index
    %swap3A_28 = tpu.vector_load %arg6[%swap3A_27] {strides = array<i32>} : memref<128xf32, #tpu.memory_space<vmem>>, vector<16xf32>,
    %swap3A_29 = vector.shape_cast %swap3A_28 : vector<16xf32> to vector<16xf32>
    %swap3A_30 = vector.shape_cast %broadcast_in_dim3A_3 : vector<16xf32> to vector<16xf32>
    tpu.vector_store %arg6[%swap3A_27], %swap3A_30 {strides = array<i32>} : memref<128xf32, #tpu.memory_space<vmem>>, vector<16xf32>,
    %swap3A_31 = arith.constant 112 : index
    %swap3A_32 = tpu.vector_load %arg6[%swap3A_31] {strides = array<i32>} : memref<128xf32, #tpu.memory_space<vmem>>, vector<16xf32>,
    %swap3A_33 = vector.shape_cast %swap3A_32 : vector<16xf32> to vector<16xf32>
    %swap3A_34 = vector.shape_cast %broadcast_in_dim3A_3 : vector<16xf32> to vector<16xf32>
    tpu.vector_store %arg6[%swap3A_31], %swap3A_34 {strides = array<i32>} : memref<128xf32, #tpu.memory_space<vmem>>, vector<16xf32>,
    %scan3A = arith.constant 0 : i32
    %scan3A_35 = arith.constant 0 : i32
    %scan3A_36 = arith.constant 40 : i32
    %scan3A_37 = arith.addi %scan3A_35, %scan3A_36 : i32
    %scan3A_38 = arith.constant 1 : i32
    %scan3A_39 = scf.for %scan3A_58 = %scan3A_35 to %scan3A_37 step %scan3A_38 iter_args(%scan3A_59 = %scan3A) -> (i32)  : i32 {
      %mul3A_60 = arith.constant 16 : i32
      %mul3A_61 = arith.muli %scan3A_58, %mul3A_60 : i32
      %swap3A_62 = arith.index_cast %mul3A_61 : i32 to index
      %swap3A_63 = tpu.vector_load %arg7[%swap3A_62] {strides = array<i32>} : memref<640xf32, #tpu.memory_space<vmem>>, vector<16xf32>,
      %swap3A_64 = vector.shape_cast %swap3A_63 : vector<16xf32> to vector<16xf32>
      %swap3A_65 = vector.shape_cast %broadcast_in_dim3A_1 : vector<16xf32> to vector<16xf32>
      tpu.vector_store %arg7[%swap3A_62], %swap3A_65 {strides = array<i32>} : memref<640xf32, #tpu.memory_space<vmem>>, vector<16xf32>,
      %scan3A_66 = arith.constant 0 : i32
      scf.yield %scan3A_66 : i32
    }
    %scan3A_40 = arith.constant 40 : i32
    %mul3A_41 = arith.constant 640 : i32
    %mul3A_42 = arith.muli %arg1, %mul3A_41 : i32
    "tpu.region"() ({
      %run_scoped3A = tpu.sem_alloc : memref<!tpu.dma_semaphore, #tpu.memory_space<semaphore_mem>>
      %dma_start3A = tpu.memref_slice %arg8[%mul3A_42] : memref<10240xf32, #tpu.memory_space<vmem_shared>> -> memref<640xf32, #tpu.memory_space<vmem_shared>>
      %dma_start3A_58 = tpu.memref_slice %arg8[%mul3A_42] : memref<10240xf32, #tpu.memory_space<vmem_shared>> -> memref<640xf32, #tpu.memory_space<vmem_shared>>
      tpu.enqueue_dma source(%arg7 : memref<640xf32, #tpu.memory_space<vmem>>) target(%dma_start3A_58 : memref<640xf32, #tpu.memory_space<vmem_shared>>) target_semaphore(%run_scoped3A : memref<!tpu.dma_semaphore, #tpu.memory_space<semaphore_mem>>)
      %dma_wait3A = tpu.memref_slice %arg8[%mul3A_42] : memref<10240xf32, #tpu.memory_space<vmem_shared>> -> memref<640xf32, #tpu.memory_space<vmem_shared>>
      %dma_wait3A_59 = tpu.memref_slice %arg8[%mul3A_42] : memref<10240xf32, #tpu.memory_space<vmem_shared>> -> memref<640xf32, #tpu.memory_space<vmem_shared>>
      tpu.wait_dma2 semaphore(%run_scoped3A : memref<!tpu.dma_semaphore, #tpu.memory_space<semaphore_mem>>) src(%arg7 : memref<640xf32, #tpu.memory_space<vmem>>) dst(%dma_wait3A_59 : memref<640xf32, #tpu.memory_space<vmem_shared>>)
      tpu.yield
    }) : () -> ()
    %barrier3A = arith.constant 0 : index
    tpu.barrier barrier_id(%barrier3A)
    %scan3A_43 = arith.constant 0 : i32
    %scan3A_44 = arith.constant 0 : i32
    %scan3A_45 = arith.constant 80 : i32
    %scan3A_46 = arith.addi %scan3A_44, %scan3A_45 : i32
    %scan3A_47 = arith.constant 1 : i32
    %scan3A_48 = scf.for %scan3A_58 = %scan3A_44 to %scan3A_46 step %scan3A_47 iter_args(%scan3A_59 = %scan3A_43) -> (i32)  : i32 {
      "tpu.region"() ({
        %run_scoped3A = tpu.sem_alloc : memref<!tpu.dma_semaphore, #tpu.memory_space<semaphore_mem>>
        %dma_start3A = arith.constant 0 : i32
        %dma_start3A_61 = tpu.memref_slice %arg5[%scan3A_58, %dma_start3A] : memref<80x128xi32, #tpu.memory_space<vmem>> -> memref<1x128xi32, #tpu.memory_space<vmem>>
        %dma_start3A_62 = tpu.memref_squeeze %dma_start3A_61 : memref<1x128xi32, #tpu.memory_space<vmem>> -> memref<128xi32, #tpu.memory_space<vmem>>
        %dma_start3A_63 = arith.constant 0 : i32
        %dma_start3A_64 = tpu.memref_slice %arg8[%dma_start3A_63] : memref<10240xf32, #tpu.memory_space<vmem_shared>> -> memref<10240xf32, #tpu.memory_space<vmem_shared>>
        tpu.enqueue_indirect_dma source(%arg6 : memref<128xf32, #tpu.memory_space<vmem>>) target(%dma_start3A_64 : memref<10240xf32, #tpu.memory_space<vmem_shared>>) offsets(%dma_start3A_62 : memref<128xi32, #tpu.memory_space<vmem>>) semaphore(%run_scoped3A : memref<!tpu.dma_semaphore, #tpu.memory_space<semaphore_mem>>) {add = true}
        %dma_wait3A = arith.constant 0 : i32
        %dma_wait3A_65 = tpu.memref_slice %arg5[%scan3A_58, %dma_wait3A] : memref<80x128xi32, #tpu.memory_space<vmem>> -> memref<1x128xi32, #tpu.memory_space<vmem>>
        %dma_wait3A_66 = tpu.memref_squeeze %dma_wait3A_65 : memref<1x128xi32, #tpu.memory_space<vmem>> -> memref<128xi32, #tpu.memory_space<vmem>>
        %dma_wait3A_67 = arith.constant 0 : i32
        %dma_wait3A_68 = tpu.memref_slice %arg8[%dma_wait3A_67] : memref<10240xf32, #tpu.memory_space<vmem_shared>> -> memref<10240xf32, #tpu.memory_space<vmem_shared>>
        tpu.wait_indirect_dma semaphore(%run_scoped3A : memref<!tpu.dma_semaphore, #tpu.memory_space<semaphore_mem>>) src(%arg6 : memref<128xf32, #tpu.memory_space<vmem>>) dst(%dma_wait3A_68 : memref<10240xf32, #tpu.memory_space<vmem_shared>>)
        tpu.yield
      }) : () -> ()
      %scan3A_60 = arith.constant 0 : i32
      scf.yield %scan3A_60 : i32
    }
    %scan3A_49 = arith.constant 80 : i32
    %barrier3A_50 = arith.constant 0 : index
    tpu.barrier barrier_id(%barrier3A_50)
    %eq3A = arith.constant 0 : i32
    %eq3A_51 = arith.cmpi eq, %arg0, %eq3A : i32
    %convert_element_type3A = arith.extui %eq3A_51 : i1 to i32
    %cond3A = arith.constant 0 : i32
    %cond3A_52 = arith.cmpi ne, %convert_element_type3A, %cond3A : i32
    scf.if %cond3A_52 {
      %mul3A_58 = arith.constant 640 : i32
      %mul3A_59 = arith.muli %arg1, %mul3A_58 : i32
      %mul3A_60 = arith.constant 640 : i32
      %mul3A_61 = arith.muli %arg1, %mul3A_60 : i32
      "tpu.region"() ({
        %run_scoped3A = tpu.sem_alloc : memref<!tpu.dma_semaphore, #tpu.memory_space<semaphore_mem>>
        %dma_start3A = tpu.memref_slice %arg3[%mul3A_61] : memref<10240xf32, #tpu.memory_space<hbm>> -> memref<640xf32, #tpu.memory_space<hbm>>
        %dma_start3A_62 = tpu.memref_slice %arg8[%mul3A_59] : memref<10240xf32, #tpu.memory_space<vmem_shared>> -> memref<640xf32, #tpu.memory_space<vmem_shared>>
        tpu.enqueue_dma source(%dma_start3A_62 : memref<640xf32, #tpu.memory_space<vmem_shared>>) target(%dma_start3A : memref<640xf32, #tpu.memory_space<hbm>>) target_semaphore(%run_scoped3A : memref<!tpu.dma_semaphore, #tpu.memory_space<semaphore_mem>>)
        %dma_wait3A = tpu.memref_slice %arg3[%mul3A_61] : memref<10240xf32, #tpu.memory_space<hbm>> -> memref<640xf32, #tpu.memory_space<hbm>>
        %dma_wait3A_63 = tpu.memref_slice %arg8[%mul3A_59] : memref<10240xf32, #tpu.memory_space<vmem_shared>> -> memref<640xf32, #tpu.memory_space<vmem_shared>>
        tpu.wait_dma2 semaphore(%run_scoped3A : memref<!tpu.dma_semaphore, #tpu.memory_space<semaphore_mem>>) src(%dma_wait3A_63 : memref<640xf32, #tpu.memory_space<vmem_shared>>) dst(%dma_wait3A : memref<640xf32, #tpu.memory_space<hbm>>)
        tpu.yield
      }) : () -> ()
    } else {
    }
    %eq3A_53 = arith.constant 1 : i32
    %eq3A_54 = arith.cmpi eq, %arg0, %eq3A_53 : i32
    %convert_element_type3A_55 = arith.extui %eq3A_54 : i1 to i32
    %cond3A_56 = arith.constant 0 : i32
    %cond3A_57 = arith.cmpi ne, %convert_element_type3A_55, %cond3A_56 : i32
    scf.if %cond3A_57 {
      %mul3A_58 = arith.constant 640 : i32
      %mul3A_59 = arith.muli %arg1, %mul3A_58 : i32
      %mul3A_60 = arith.constant 640 : i32
      %mul3A_61 = arith.muli %arg1, %mul3A_60 : i32
      "tpu.region"() ({
        %run_scoped3A = tpu.sem_alloc : memref<!tpu.dma_semaphore, #tpu.memory_space<semaphore_mem>>
        %dma_start3A = tpu.memref_slice %arg4[%mul3A_61] : memref<10240xf32, #tpu.memory_space<hbm>> -> memref<640xf32, #tpu.memory_space<hbm>>
        %dma_start3A_62 = tpu.memref_slice %arg8[%mul3A_59] : memref<10240xf32, #tpu.memory_space<vmem_shared>> -> memref<640xf32, #tpu.memory_space<vmem_shared>>
        tpu.enqueue_dma source(%dma_start3A_62 : memref<640xf32, #tpu.memory_space<vmem_shared>>) target(%dma_start3A : memref<640xf32, #tpu.memory_space<hbm>>) target_semaphore(%run_scoped3A : memref<!tpu.dma_semaphore, #tpu.memory_space<semaphore_mem>>)
        %dma_wait3A = tpu.memref_slice %arg4[%mul3A_61] : memref<10240xf32, #tpu.memory_space<hbm>> -> memref<640xf32, #tpu.memory_space<hbm>>
        %dma_wait3A_63 = tpu.memref_slice %arg8[%mul3A_59] : memref<10240xf32, #tpu.memory_space<vmem_shared>> -> memref<640xf32, #tpu.memory_space<vmem_shared>>
        tpu.wait_dma2 semaphore(%run_scoped3A : memref<!tpu.dma_semaphore, #tpu.memory_space<semaphore_mem>>) src(%dma_wait3A_63 : memref<640xf32, #tpu.memory_space<vmem_shared>>) dst(%dma_wait3A : memref<640xf32, #tpu.memory_space<hbm>>)
        tpu.yield
      }) : () -> ()
    } else {
    }
    return
  }
}

#map = affine_map<(d0, d1) -> (0, 0)>
#map1 = affine_map<(d0, d1) -> (0, 0, 0)>
module attributes {stable_mosaic.version = 14 : i64} {
  func.func @edge_kernel(%arg0: i32, %arg1: i32, %arg2: memref<10240x128xf32, #tpu.memory_space<hbm>>, %arg3: memref<4096x80xi32, #tpu.memory_space<hbm>>, %arg4: memref<4096x80xi32, #tpu.memory_space<hbm>>, %arg5: memref<640x128xf32, #tpu.memory_space<hbm>>, %arg6: memref<2x10240x128xf32, #tpu.memory_space<hbm>>, %arg7: memref<8x80xi32, #tpu.memory_space<vmem>>, %arg8: memref<8x80xi32, #tpu.memory_space<vmem>>, %arg9: memref<8x80xi32, #tpu.memory_space<vmem>>, %arg10: memref<8x80xi32, #tpu.memory_space<vmem>>, %arg11: memref<80x128xf32, #tpu.memory_space<vmem>>, %arg12: memref<80x128xf32, #tpu.memory_space<vmem>>, %arg13: memref<80x128xf32, #tpu.memory_space<vmem>>, %arg14: memref<80x128xf32, #tpu.memory_space<vmem>>, %arg15: memref<10240x128xf32, #tpu.memory_space<vmem_shared>>, %arg16: memref<!tpu.dma_semaphore, #tpu.memory_space<semaphore_mem>>, %arg17: memref<!tpu.dma_semaphore, #tpu.memory_space<semaphore_mem>>, %arg18: memref<!tpu.dma_semaphore, #tpu.memory_space<semaphore_mem>>, %arg19: memref<!tpu.dma_semaphore, #tpu.memory_space<semaphore_mem>>, %arg20: memref<!tpu.dma_semaphore, #tpu.memory_space<semaphore_mem>>) attributes {dimension_semantics = [#tpu.dimension_semantics<core_parallel>, #tpu.dimension_semantics<subcore_parallel>], iteration_bounds = array<i64: 2, 16>, scalar_prefetch = 0 : i64, scratch_operands = 14 : i64, tpu.core_type = #tpu.core_type<sc_vector_subcore>, window_params = [{transform_indices = #map}, {transform_indices = #map}, {transform_indices = #map}, {transform_indices = #map}, {transform_indices = #map1}]} {
    %mul3A = arith.constant 16 : i32
    %mul3A_0 = arith.muli %arg0, %mul3A : i32
    %add3A = arith.addi %mul3A_0, %arg1 : i32
    %mul3A_1 = arith.constant 640 : i32
    %mul3A_2 = arith.muli %arg1, %mul3A_1 : i32
    %mul3A_3 = arith.constant 128 : i32
    %mul3A_4 = arith.muli %add3A, %mul3A_3 : i32
    "tpu.region"() ({
      %run_scoped3A = tpu.sem_alloc : memref<!tpu.dma_semaphore, #tpu.memory_space<semaphore_mem>>
      %dma_start3A_32 = arith.constant 0 : i32
      %dma_start3A_33 = tpu.memref_slice %arg15[%mul3A_2, %dma_start3A_32] : memref<10240x128xf32, #tpu.memory_space<vmem_shared>> -> memref<640x128xf32, #tpu.memory_space<vmem_shared>>
      tpu.enqueue_dma source(%arg5 : memref<640x128xf32, #tpu.memory_space<hbm>>) target(%dma_start3A_33 : memref<640x128xf32, #tpu.memory_space<vmem_shared>>) target_semaphore(%run_scoped3A : memref<!tpu.dma_semaphore, #tpu.memory_space<semaphore_mem>>)
      %dma_wait3A = arith.constant 0 : i32
      %dma_wait3A_34 = tpu.memref_slice %arg15[%mul3A_2, %dma_wait3A] : memref<10240x128xf32, #tpu.memory_space<vmem_shared>> -> memref<640x128xf32, #tpu.memory_space<vmem_shared>>
      tpu.wait_dma2 semaphore(%run_scoped3A : memref<!tpu.dma_semaphore, #tpu.memory_space<semaphore_mem>>) src(%arg5 : memref<640x128xf32, #tpu.memory_space<hbm>>) dst(%dma_wait3A_34 : memref<640x128xf32, #tpu.memory_space<vmem_shared>>)
      tpu.yield
    }) : () -> ()
    "tpu.region"() ({
      %run_scoped3A = tpu.sem_alloc : memref<!tpu.dma_semaphore, #tpu.memory_space<semaphore_mem>>
      %dma_start3A_32 = arith.constant 0 : i32
      %dma_start3A_33 = tpu.memref_slice %arg3[%mul3A_4, %dma_start3A_32] : memref<4096x80xi32, #tpu.memory_space<hbm>> -> memref<8x80xi32, #tpu.memory_space<hbm>>
      %dma_start3A_34 = arith.constant 0 : i32
      %dma_start3A_35 = tpu.memref_slice %arg3[%mul3A_4, %dma_start3A_34] : memref<4096x80xi32, #tpu.memory_space<hbm>> -> memref<8x80xi32, #tpu.memory_space<hbm>>
      tpu.enqueue_dma source(%dma_start3A_35 : memref<8x80xi32, #tpu.memory_space<hbm>>) target(%arg7 : memref<8x80xi32, #tpu.memory_space<vmem>>) target_semaphore(%run_scoped3A : memref<!tpu.dma_semaphore, #tpu.memory_space<semaphore_mem>>)
      %dma_wait3A = arith.constant 0 : i32
      %dma_wait3A_36 = tpu.memref_slice %arg3[%mul3A_4, %dma_wait3A] : memref<4096x80xi32, #tpu.memory_space<hbm>> -> memref<8x80xi32, #tpu.memory_space<hbm>>
      %dma_wait3A_37 = arith.constant 0 : i32
      %dma_wait3A_38 = tpu.memref_slice %arg3[%mul3A_4, %dma_wait3A_37] : memref<4096x80xi32, #tpu.memory_space<hbm>> -> memref<8x80xi32, #tpu.memory_space<hbm>>
      tpu.wait_dma2 semaphore(%run_scoped3A : memref<!tpu.dma_semaphore, #tpu.memory_space<semaphore_mem>>) src(%dma_wait3A_38 : memref<8x80xi32, #tpu.memory_space<hbm>>) dst(%arg7 : memref<8x80xi32, #tpu.memory_space<vmem>>)
      tpu.yield
    }) : () -> ()
    "tpu.region"() ({
      %run_scoped3A = tpu.sem_alloc : memref<!tpu.dma_semaphore, #tpu.memory_space<semaphore_mem>>
      %dma_start3A_32 = arith.constant 0 : i32
      %dma_start3A_33 = tpu.memref_slice %arg4[%mul3A_4, %dma_start3A_32] : memref<4096x80xi32, #tpu.memory_space<hbm>> -> memref<8x80xi32, #tpu.memory_space<hbm>>
      %dma_start3A_34 = arith.constant 0 : i32
      %dma_start3A_35 = tpu.memref_slice %arg4[%mul3A_4, %dma_start3A_34] : memref<4096x80xi32, #tpu.memory_space<hbm>> -> memref<8x80xi32, #tpu.memory_space<hbm>>
      tpu.enqueue_dma source(%dma_start3A_35 : memref<8x80xi32, #tpu.memory_space<hbm>>) target(%arg8 : memref<8x80xi32, #tpu.memory_space<vmem>>) target_semaphore(%run_scoped3A : memref<!tpu.dma_semaphore, #tpu.memory_space<semaphore_mem>>)
      %dma_wait3A = arith.constant 0 : i32
      %dma_wait3A_36 = tpu.memref_slice %arg4[%mul3A_4, %dma_wait3A] : memref<4096x80xi32, #tpu.memory_space<hbm>> -> memref<8x80xi32, #tpu.memory_space<hbm>>
      %dma_wait3A_37 = arith.constant 0 : i32
      %dma_wait3A_38 = tpu.memref_slice %arg4[%mul3A_4, %dma_wait3A_37] : memref<4096x80xi32, #tpu.memory_space<hbm>> -> memref<8x80xi32, #tpu.memory_space<hbm>>
      tpu.wait_dma2 semaphore(%run_scoped3A : memref<!tpu.dma_semaphore, #tpu.memory_space<semaphore_mem>>) src(%dma_wait3A_38 : memref<8x80xi32, #tpu.memory_space<hbm>>) dst(%arg8 : memref<8x80xi32, #tpu.memory_space<vmem>>)
      tpu.yield
    }) : () -> ()
    %barrier3A = arith.constant 0 : index
    tpu.barrier barrier_id(%barrier3A)
    %dma_start3A = arith.constant 0 : i32
    %dma_start3A_5 = arith.constant 0 : i32
    %dma_start3A_6 = tpu.memref_slice %arg7[%dma_start3A, %dma_start3A_5] : memref<8x80xi32, #tpu.memory_space<vmem>> -> memref<1x80xi32, #tpu.memory_space<vmem>>
    %dma_start3A_7 = tpu.memref_squeeze %dma_start3A_6 : memref<1x80xi32, #tpu.memory_space<vmem>> -> memref<80xi32, #tpu.memory_space<vmem>>
    %dma_start3A_8 = arith.constant 0 : i32
    %dma_start3A_9 = arith.constant 0 : i32
    %dma_start3A_10 = tpu.memref_slice %arg2[%dma_start3A_8, %dma_start3A_9] : memref<10240x128xf32, #tpu.memory_space<hbm>> -> memref<10240x128xf32, #tpu.memory_space<hbm>>
    tpu.enqueue_indirect_dma source(%dma_start3A_10 : memref<10240x128xf32, #tpu.memory_space<hbm>>) target(%arg11 : memref<80x128xf32, #tpu.memory_space<vmem>>) offsets(%dma_start3A_7 : memref<80xi32, #tpu.memory_space<vmem>>) semaphore(%arg16 : memref<!tpu.dma_semaphore, #tpu.memory_space<semaphore_mem>>)
    %dma_start3A_11 = arith.constant 1 : i32
    %dma_start3A_12 = arith.constant 0 : i32
    %dma_start3A_13 = tpu.memref_slice %arg7[%dma_start3A_11, %dma_start3A_12] : memref<8x80xi32, #tpu.memory_space<vmem>> -> memref<1x80xi32, #tpu.memory_space<vmem>>
    %dma_start3A_14 = tpu.memref_squeeze %dma_start3A_13 : memref<1x80xi32, #tpu.memory_space<vmem>> -> memref<80xi32, #tpu.memory_space<vmem>>
    %dma_start3A_15 = arith.constant 0 : i32
    %dma_start3A_16 = arith.constant 0 : i32
    %dma_start3A_17 = tpu.memref_slice %arg2[%dma_start3A_15, %dma_start3A_16] : memref<10240x128xf32, #tpu.memory_space<hbm>> -> memref<10240x128xf32, #tpu.memory_space<hbm>>
    tpu.enqueue_indirect_dma source(%dma_start3A_17 : memref<10240x128xf32, #tpu.memory_space<hbm>>) target(%arg12 : memref<80x128xf32, #tpu.memory_space<vmem>>) offsets(%dma_start3A_14 : memref<80xi32, #tpu.memory_space<vmem>>) semaphore(%arg17 : memref<!tpu.dma_semaphore, #tpu.memory_space<semaphore_mem>>)
    %dma_start3A_18 = arith.constant 2 : i32
    %dma_start3A_19 = arith.constant 0 : i32
    %dma_start3A_20 = tpu.memref_slice %arg7[%dma_start3A_18, %dma_start3A_19] : memref<8x80xi32, #tpu.memory_space<vmem>> -> memref<1x80xi32, #tpu.memory_space<vmem>>
    %dma_start3A_21 = tpu.memref_squeeze %dma_start3A_20 : memref<1x80xi32, #tpu.memory_space<vmem>> -> memref<80xi32, #tpu.memory_space<vmem>>
    %dma_start3A_22 = arith.constant 0 : i32
    %dma_start3A_23 = arith.constant 0 : i32
    %dma_start3A_24 = tpu.memref_slice %arg2[%dma_start3A_22, %dma_start3A_23] : memref<10240x128xf32, #tpu.memory_space<hbm>> -> memref<10240x128xf32, #tpu.memory_space<hbm>>
    tpu.enqueue_indirect_dma source(%dma_start3A_24 : memref<10240x128xf32, #tpu.memory_space<hbm>>) target(%arg13 : memref<80x128xf32, #tpu.memory_space<vmem>>) offsets(%dma_start3A_21 : memref<80xi32, #tpu.memory_space<vmem>>) semaphore(%arg18 : memref<!tpu.dma_semaphore, #tpu.memory_space<semaphore_mem>>)
    %scan3A = arith.constant 0 : i32
    %scan3A_25 = arith.constant 0 : i32
    %scan3A_26 = arith.constant 8 : i32
    %scan3A_27 = arith.addi %scan3A_25, %scan3A_26 : i32
    %scan3A_28 = arith.constant 1 : i32
    %scan3A_29 = scf.for %scan3A_32 = %scan3A_25 to %scan3A_27 step %scan3A_28 iter_args(%scan3A_33 = %scan3A) -> (i32)  : i32 {
      %mul3A_34 = arith.constant 2 : i32
      %mul3A_35 = arith.muli %scan3A_32, %mul3A_34 : i32
      %add3A_36 = arith.constant 0 : i32
      %add3A_37 = arith.addi %mul3A_35, %add3A_36 : i32
      %add3A_38 = arith.constant 1 : i32
      %add3A_39 = arith.addi %add3A_37, %add3A_38 : i32
      %mul3A_40 = arith.constant 8 : i32
      %mul3A_41 = arith.muli %add3A_39, %mul3A_40 : i32
      %add3A_42 = arith.addi %mul3A_4, %mul3A_41 : i32
      %add3A_43 = arith.constant 1 : i32
      %add3A_44 = arith.addi %add3A_37, %add3A_43 : i32
      %lt3A = arith.constant 16 : i32
      %lt3A_45 = arith.cmpi slt, %add3A_44, %lt3A : i32
      %convert_element_type3A = arith.extui %lt3A_45 : i1 to i32
      %cond3A = arith.constant 0 : i32
      %cond3A_46 = arith.cmpi ne, %convert_element_type3A, %cond3A : i32
      scf.if %cond3A_46 {
        %dma_start3A_302 = arith.constant 0 : i32
        %dma_start3A_303 = tpu.memref_slice %arg3[%add3A_42, %dma_start3A_302] : memref<4096x80xi32, #tpu.memory_space<hbm>> -> memref<8x80xi32, #tpu.memory_space<hbm>>
        %dma_start3A_304 = arith.constant 0 : i32
        %dma_start3A_305 = tpu.memref_slice %arg3[%add3A_42, %dma_start3A_304] : memref<4096x80xi32, #tpu.memory_space<hbm>> -> memref<8x80xi32, #tpu.memory_space<hbm>>
        tpu.enqueue_dma source(%dma_start3A_305 : memref<8x80xi32, #tpu.memory_space<hbm>>) target(%arg9 : memref<8x80xi32, #tpu.memory_space<vmem>>) target_semaphore(%arg20 : memref<!tpu.dma_semaphore, #tpu.memory_space<semaphore_mem>>)
        %dma_start3A_306 = arith.constant 0 : i32
        %dma_start3A_307 = tpu.memref_slice %arg4[%add3A_42, %dma_start3A_306] : memref<4096x80xi32, #tpu.memory_space<hbm>> -> memref<8x80xi32, #tpu.memory_space<hbm>>
        %dma_start3A_308 = arith.constant 0 : i32
        %dma_start3A_309 = tpu.memref_slice %arg4[%add3A_42, %dma_start3A_308] : memref<4096x80xi32, #tpu.memory_space<hbm>> -> memref<8x80xi32, #tpu.memory_space<hbm>>
        tpu.enqueue_dma source(%dma_start3A_309 : memref<8x80xi32, #tpu.memory_space<hbm>>) target(%arg10 : memref<8x80xi32, #tpu.memory_space<vmem>>) target_semaphore(%arg20 : memref<!tpu.dma_semaphore, #tpu.memory_space<semaphore_mem>>)
      } else {
      }
      %dma_start3A_47 = arith.constant 3 : i32
      %dma_start3A_48 = arith.constant 0 : i32
      %dma_start3A_49 = tpu.memref_slice %arg7[%dma_start3A_47, %dma_start3A_48] : memref<8x80xi32, #tpu.memory_space<vmem>> -> memref<1x80xi32, #tpu.memory_space<vmem>>
      %dma_start3A_50 = tpu.memref_squeeze %dma_start3A_49 : memref<1x80xi32, #tpu.memory_space<vmem>> -> memref<80xi32, #tpu.memory_space<vmem>>
      %dma_start3A_51 = arith.constant 0 : i32
      %dma_start3A_52 = arith.constant 0 : i32
      %dma_start3A_53 = tpu.memref_slice %arg2[%dma_start3A_51, %dma_start3A_52] : memref<10240x128xf32, #tpu.memory_space<hbm>> -> memref<10240x128xf32, #tpu.memory_space<hbm>>
      tpu.enqueue_indirect_dma source(%dma_start3A_53 : memref<10240x128xf32, #tpu.memory_space<hbm>>) target(%arg14 : memref<80x128xf32, #tpu.memory_space<vmem>>) offsets(%dma_start3A_50 : memref<80xi32, #tpu.memory_space<vmem>>) semaphore(%arg19 : memref<!tpu.dma_semaphore, #tpu.memory_space<semaphore_mem>>)
      %dma_wait3A = arith.constant 0 : i32
      %dma_wait3A_54 = arith.constant 0 : i32
      %dma_wait3A_55 = tpu.memref_slice %arg7[%dma_wait3A, %dma_wait3A_54] : memref<8x80xi32, #tpu.memory_space<vmem>> -> memref<1x80xi32, #tpu.memory_space<vmem>>
      %dma_wait3A_56 = tpu.memref_squeeze %dma_wait3A_55 : memref<1x80xi32, #tpu.memory_space<vmem>> -> memref<80xi32, #tpu.memory_space<vmem>>
      %dma_wait3A_57 = arith.constant 0 : i32
      %dma_wait3A_58 = arith.constant 0 : i32
      %dma_wait3A_59 = tpu.memref_slice %arg2[%dma_wait3A_57, %dma_wait3A_58] : memref<10240x128xf32, #tpu.memory_space<hbm>> -> memref<10240x128xf32, #tpu.memory_space<hbm>>
      tpu.wait_indirect_dma semaphore(%arg16 : memref<!tpu.dma_semaphore, #tpu.memory_space<semaphore_mem>>) src(%dma_wait3A_59 : memref<10240x128xf32, #tpu.memory_space<hbm>>) dst(%arg11 : memref<80x128xf32, #tpu.memory_space<vmem>>)
      %run_scoped3A = arith.constant 0 : i32
      "tpu.region"() ({
        %run_scoped3A_302 = tpu.sem_alloc : memref<!tpu.dma_semaphore, #tpu.memory_space<semaphore_mem>>
        %dma_start3A_303 = arith.constant 0 : i32
        %dma_start3A_304 = tpu.memref_slice %arg8[%run_scoped3A, %dma_start3A_303] : memref<8x80xi32, #tpu.memory_space<vmem>> -> memref<1x80xi32, #tpu.memory_space<vmem>>
        %dma_start3A_305 = tpu.memref_squeeze %dma_start3A_304 : memref<1x80xi32, #tpu.memory_space<vmem>> -> memref<80xi32, #tpu.memory_space<vmem>>
        %dma_start3A_306 = arith.constant 0 : i32
        %dma_start3A_307 = arith.constant 0 : i32
        %dma_start3A_308 = tpu.memref_slice %arg15[%dma_start3A_306, %dma_start3A_307] : memref<10240x128xf32, #tpu.memory_space<vmem_shared>> -> memref<10240x128xf32, #tpu.memory_space<vmem_shared>>
        tpu.enqueue_indirect_dma source(%arg11 : memref<80x128xf32, #tpu.memory_space<vmem>>) target(%dma_start3A_308 : memref<10240x128xf32, #tpu.memory_space<vmem_shared>>) offsets(%dma_start3A_305 : memref<80xi32, #tpu.memory_space<vmem>>) semaphore(%run_scoped3A_302 : memref<!tpu.dma_semaphore, #tpu.memory_space<semaphore_mem>>) {add = true}
        %dma_wait3A_309 = arith.constant 0 : i32
        %dma_wait3A_310 = tpu.memref_slice %arg8[%run_scoped3A, %dma_wait3A_309] : memref<8x80xi32, #tpu.memory_space<vmem>> -> memref<1x80xi32, #tpu.memory_space<vmem>>
        %dma_wait3A_311 = tpu.memref_squeeze %dma_wait3A_310 : memref<1x80xi32, #tpu.memory_space<vmem>> -> memref<80xi32, #tpu.memory_space<vmem>>
        %dma_wait3A_312 = arith.constant 0 : i32
        %dma_wait3A_313 = arith.constant 0 : i32
        %dma_wait3A_314 = tpu.memref_slice %arg15[%dma_wait3A_312, %dma_wait3A_313] : memref<10240x128xf32, #tpu.memory_space<vmem_shared>> -> memref<10240x128xf32, #tpu.memory_space<vmem_shared>>
        tpu.wait_indirect_dma semaphore(%run_scoped3A_302 : memref<!tpu.dma_semaphore, #tpu.memory_space<semaphore_mem>>) src(%arg11 : memref<80x128xf32, #tpu.memory_space<vmem>>) dst(%dma_wait3A_314 : memref<10240x128xf32, #tpu.memory_space<vmem_shared>>)
        tpu.yield
      }) : () -> ()
      %dma_start3A_60 = arith.constant 4 : i32
      %dma_start3A_61 = arith.constant 0 : i32
      %dma_start3A_62 = tpu.memref_slice %arg7[%dma_start3A_60, %dma_start3A_61] : memref<8x80xi32, #tpu.memory_space<vmem>> -> memref<1x80xi32, #tpu.memory_space<vmem>>
      %dma_start3A_63 = tpu.memref_squeeze %dma_start3A_62 : memref<1x80xi32, #tpu.memory_space<vmem>> -> memref<80xi32, #tpu.memory_space<vmem>>
      %dma_start3A_64 = arith.constant 0 : i32
      %dma_start3A_65 = arith.constant 0 : i32
      %dma_start3A_66 = tpu.memref_slice %arg2[%dma_start3A_64, %dma_start3A_65] : memref<10240x128xf32, #tpu.memory_space<hbm>> -> memref<10240x128xf32, #tpu.memory_space<hbm>>
      tpu.enqueue_indirect_dma source(%dma_start3A_66 : memref<10240x128xf32, #tpu.memory_space<hbm>>) target(%arg11 : memref<80x128xf32, #tpu.memory_space<vmem>>) offsets(%dma_start3A_63 : memref<80xi32, #tpu.memory_space<vmem>>) semaphore(%arg16 : memref<!tpu.dma_semaphore, #tpu.memory_space<semaphore_mem>>)
      %dma_wait3A_67 = arith.constant 1 : i32
      %dma_wait3A_68 = arith.constant 0 : i32
      %dma_wait3A_69 = tpu.memref_slice %arg7[%dma_wait3A_67, %dma_wait3A_68] : memref<8x80xi32, #tpu.memory_space<vmem>> -> memref<1x80xi32, #tpu.memory_space<vmem>>
      %dma_wait3A_70 = tpu.memref_squeeze %dma_wait3A_69 : memref<1x80xi32, #tpu.memory_space<vmem>> -> memref<80xi32, #tpu.memory_space<vmem>>
      %dma_wait3A_71 = arith.constant 0 : i32
      %dma_wait3A_72 = arith.constant 0 : i32
      %dma_wait3A_73 = tpu.memref_slice %arg2[%dma_wait3A_71, %dma_wait3A_72] : memref<10240x128xf32, #tpu.memory_space<hbm>> -> memref<10240x128xf32, #tpu.memory_space<hbm>>
      tpu.wait_indirect_dma semaphore(%arg17 : memref<!tpu.dma_semaphore, #tpu.memory_space<semaphore_mem>>) src(%dma_wait3A_73 : memref<10240x128xf32, #tpu.memory_space<hbm>>) dst(%arg12 : memref<80x128xf32, #tpu.memory_space<vmem>>)
      %run_scoped3A_74 = arith.constant 1 : i32
      "tpu.region"() ({
        %run_scoped3A_302 = tpu.sem_alloc : memref<!tpu.dma_semaphore, #tpu.memory_space<semaphore_mem>>
        %dma_start3A_303 = arith.constant 0 : i32
        %dma_start3A_304 = tpu.memref_slice %arg8[%run_scoped3A_74, %dma_start3A_303] : memref<8x80xi32, #tpu.memory_space<vmem>> -> memref<1x80xi32, #tpu.memory_space<vmem>>
        %dma_start3A_305 = tpu.memref_squeeze %dma_start3A_304 : memref<1x80xi32, #tpu.memory_space<vmem>> -> memref<80xi32, #tpu.memory_space<vmem>>
        %dma_start3A_306 = arith.constant 0 : i32
        %dma_start3A_307 = arith.constant 0 : i32
        %dma_start3A_308 = tpu.memref_slice %arg15[%dma_start3A_306, %dma_start3A_307] : memref<10240x128xf32, #tpu.memory_space<vmem_shared>> -> memref<10240x128xf32, #tpu.memory_space<vmem_shared>>
        tpu.enqueue_indirect_dma source(%arg12 : memref<80x128xf32, #tpu.memory_space<vmem>>) target(%dma_start3A_308 : memref<10240x128xf32, #tpu.memory_space<vmem_shared>>) offsets(%dma_start3A_305 : memref<80xi32, #tpu.memory_space<vmem>>) semaphore(%run_scoped3A_302 : memref<!tpu.dma_semaphore, #tpu.memory_space<semaphore_mem>>) {add = true}
        %dma_wait3A_309 = arith.constant 0 : i32
        %dma_wait3A_310 = tpu.memref_slice %arg8[%run_scoped3A_74, %dma_wait3A_309] : memref<8x80xi32, #tpu.memory_space<vmem>> -> memref<1x80xi32, #tpu.memory_space<vmem>>
        %dma_wait3A_311 = tpu.memref_squeeze %dma_wait3A_310 : memref<1x80xi32, #tpu.memory_space<vmem>> -> memref<80xi32, #tpu.memory_space<vmem>>
        %dma_wait3A_312 = arith.constant 0 : i32
        %dma_wait3A_313 = arith.constant 0 : i32
        %dma_wait3A_314 = tpu.memref_slice %arg15[%dma_wait3A_312, %dma_wait3A_313] : memref<10240x128xf32, #tpu.memory_space<vmem_shared>> -> memref<10240x128xf32, #tpu.memory_space<vmem_shared>>
        tpu.wait_indirect_dma semaphore(%run_scoped3A_302 : memref<!tpu.dma_semaphore, #tpu.memory_space<semaphore_mem>>) src(%arg12 : memref<80x128xf32, #tpu.memory_space<vmem>>) dst(%dma_wait3A_314 : memref<10240x128xf32, #tpu.memory_space<vmem_shared>>)
        tpu.yield
      }) : () -> ()
      %dma_start3A_75 = arith.constant 5 : i32
      %dma_start3A_76 = arith.constant 0 : i32
      %dma_start3A_77 = tpu.memref_slice %arg7[%dma_start3A_75, %dma_start3A_76] : memref<8x80xi32, #tpu.memory_space<vmem>> -> memref<1x80xi32, #tpu.memory_space<vmem>>
      %dma_start3A_78 = tpu.memref_squeeze %dma_start3A_77 : memref<1x80xi32, #tpu.memory_space<vmem>> -> memref<80xi32, #tpu.memory_space<vmem>>
      %dma_start3A_79 = arith.constant 0 : i32
      %dma_start3A_80 = arith.constant 0 : i32
      %dma_start3A_81 = tpu.memref_slice %arg2[%dma_start3A_79, %dma_start3A_80] : memref<10240x128xf32, #tpu.memory_space<hbm>> -> memref<10240x128xf32, #tpu.memory_space<hbm>>
      tpu.enqueue_indirect_dma source(%dma_start3A_81 : memref<10240x128xf32, #tpu.memory_space<hbm>>) target(%arg12 : memref<80x128xf32, #tpu.memory_space<vmem>>) offsets(%dma_start3A_78 : memref<80xi32, #tpu.memory_space<vmem>>) semaphore(%arg17 : memref<!tpu.dma_semaphore, #tpu.memory_space<semaphore_mem>>)
      %dma_wait3A_82 = arith.constant 2 : i32
      %dma_wait3A_83 = arith.constant 0 : i32
      %dma_wait3A_84 = tpu.memref_slice %arg7[%dma_wait3A_82, %dma_wait3A_83] : memref<8x80xi32, #tpu.memory_space<vmem>> -> memref<1x80xi32, #tpu.memory_space<vmem>>
      %dma_wait3A_85 = tpu.memref_squeeze %dma_wait3A_84 : memref<1x80xi32, #tpu.memory_space<vmem>> -> memref<80xi32, #tpu.memory_space<vmem>>
      %dma_wait3A_86 = arith.constant 0 : i32
      %dma_wait3A_87 = arith.constant 0 : i32
      %dma_wait3A_88 = tpu.memref_slice %arg2[%dma_wait3A_86, %dma_wait3A_87] : memref<10240x128xf32, #tpu.memory_space<hbm>> -> memref<10240x128xf32, #tpu.memory_space<hbm>>
      tpu.wait_indirect_dma semaphore(%arg18 : memref<!tpu.dma_semaphore, #tpu.memory_space<semaphore_mem>>) src(%dma_wait3A_88 : memref<10240x128xf32, #tpu.memory_space<hbm>>) dst(%arg13 : memref<80x128xf32, #tpu.memory_space<vmem>>)
      %run_scoped3A_89 = arith.constant 2 : i32
      "tpu.region"() ({
        %run_scoped3A_302 = tpu.sem_alloc : memref<!tpu.dma_semaphore, #tpu.memory_space<semaphore_mem>>
        %dma_start3A_303 = arith.constant 0 : i32
        %dma_start3A_304 = tpu.memref_slice %arg8[%run_scoped3A_89, %dma_start3A_303] : memref<8x80xi32, #tpu.memory_space<vmem>> -> memref<1x80xi32, #tpu.memory_space<vmem>>
        %dma_start3A_305 = tpu.memref_squeeze %dma_start3A_304 : memref<1x80xi32, #tpu.memory_space<vmem>> -> memref<80xi32, #tpu.memory_space<vmem>>
        %dma_start3A_306 = arith.constant 0 : i32
        %dma_start3A_307 = arith.constant 0 : i32
        %dma_start3A_308 = tpu.memref_slice %arg15[%dma_start3A_306, %dma_start3A_307] : memref<10240x128xf32, #tpu.memory_space<vmem_shared>> -> memref<10240x128xf32, #tpu.memory_space<vmem_shared>>
        tpu.enqueue_indirect_dma source(%arg13 : memref<80x128xf32, #tpu.memory_space<vmem>>) target(%dma_start3A_308 : memref<10240x128xf32, #tpu.memory_space<vmem_shared>>) offsets(%dma_start3A_305 : memref<80xi32, #tpu.memory_space<vmem>>) semaphore(%run_scoped3A_302 : memref<!tpu.dma_semaphore, #tpu.memory_space<semaphore_mem>>) {add = true}
        %dma_wait3A_309 = arith.constant 0 : i32
        %dma_wait3A_310 = tpu.memref_slice %arg8[%run_scoped3A_89, %dma_wait3A_309] : memref<8x80xi32, #tpu.memory_space<vmem>> -> memref<1x80xi32, #tpu.memory_space<vmem>>
        %dma_wait3A_311 = tpu.memref_squeeze %dma_wait3A_310 : memref<1x80xi32, #tpu.memory_space<vmem>> -> memref<80xi32, #tpu.memory_space<vmem>>
        %dma_wait3A_312 = arith.constant 0 : i32
        %dma_wait3A_313 = arith.constant 0 : i32
        %dma_wait3A_314 = tpu.memref_slice %arg15[%dma_wait3A_312, %dma_wait3A_313] : memref<10240x128xf32, #tpu.memory_space<vmem_shared>> -> memref<10240x128xf32, #tpu.memory_space<vmem_shared>>
        tpu.wait_indirect_dma semaphore(%run_scoped3A_302 : memref<!tpu.dma_semaphore, #tpu.memory_space<semaphore_mem>>) src(%arg13 : memref<80x128xf32, #tpu.memory_space<vmem>>) dst(%dma_wait3A_314 : memref<10240x128xf32, #tpu.memory_space<vmem_shared>>)
        tpu.yield
      }) : () -> ()
      %dma_start3A_90 = arith.constant 6 : i32
      %dma_start3A_91 = arith.constant 0 : i32
      %dma_start3A_92 = tpu.memref_slice %arg7[%dma_start3A_90, %dma_start3A_91] : memref<8x80xi32, #tpu.memory_space<vmem>> -> memref<1x80xi32, #tpu.memory_space<vmem>>
      %dma_start3A_93 = tpu.memref_squeeze %dma_start3A_92 : memref<1x80xi32, #tpu.memory_space<vmem>> -> memref<80xi32, #tpu.memory_space<vmem>>
      %dma_start3A_94 = arith.constant 0 : i32
      %dma_start3A_95 = arith.constant 0 : i32
      %dma_start3A_96 = tpu.memref_slice %arg2[%dma_start3A_94, %dma_start3A_95] : memref<10240x128xf32, #tpu.memory_space<hbm>> -> memref<10240x128xf32, #tpu.memory_space<hbm>>
      tpu.enqueue_indirect_dma source(%dma_start3A_96 : memref<10240x128xf32, #tpu.memory_space<hbm>>) target(%arg13 : memref<80x128xf32, #tpu.memory_space<vmem>>) offsets(%dma_start3A_93 : memref<80xi32, #tpu.memory_space<vmem>>) semaphore(%arg18 : memref<!tpu.dma_semaphore, #tpu.memory_space<semaphore_mem>>)
      %dma_wait3A_97 = arith.constant 3 : i32
      %dma_wait3A_98 = arith.constant 0 : i32
      %dma_wait3A_99 = tpu.memref_slice %arg7[%dma_wait3A_97, %dma_wait3A_98] : memref<8x80xi32, #tpu.memory_space<vmem>> -> memref<1x80xi32, #tpu.memory_space<vmem>>
      %dma_wait3A_100 = tpu.memref_squeeze %dma_wait3A_99 : memref<1x80xi32, #tpu.memory_space<vmem>> -> memref<80xi32, #tpu.memory_space<vmem>>
      %dma_wait3A_101 = arith.constant 0 : i32
      %dma_wait3A_102 = arith.constant 0 : i32
      %dma_wait3A_103 = tpu.memref_slice %arg2[%dma_wait3A_101, %dma_wait3A_102] : memref<10240x128xf32, #tpu.memory_space<hbm>> -> memref<10240x128xf32, #tpu.memory_space<hbm>>
      tpu.wait_indirect_dma semaphore(%arg19 : memref<!tpu.dma_semaphore, #tpu.memory_space<semaphore_mem>>) src(%dma_wait3A_103 : memref<10240x128xf32, #tpu.memory_space<hbm>>) dst(%arg14 : memref<80x128xf32, #tpu.memory_space<vmem>>)
      %run_scoped3A_104 = arith.constant 3 : i32
      "tpu.region"() ({
        %run_scoped3A_302 = tpu.sem_alloc : memref<!tpu.dma_semaphore, #tpu.memory_space<semaphore_mem>>
        %dma_start3A_303 = arith.constant 0 : i32
        %dma_start3A_304 = tpu.memref_slice %arg8[%run_scoped3A_104, %dma_start3A_303] : memref<8x80xi32, #tpu.memory_space<vmem>> -> memref<1x80xi32, #tpu.memory_space<vmem>>
        %dma_start3A_305 = tpu.memref_squeeze %dma_start3A_304 : memref<1x80xi32, #tpu.memory_space<vmem>> -> memref<80xi32, #tpu.memory_space<vmem>>
        %dma_start3A_306 = arith.constant 0 : i32
        %dma_start3A_307 = arith.constant 0 : i32
        %dma_start3A_308 = tpu.memref_slice %arg15[%dma_start3A_306, %dma_start3A_307] : memref<10240x128xf32, #tpu.memory_space<vmem_shared>> -> memref<10240x128xf32, #tpu.memory_space<vmem_shared>>
        tpu.enqueue_indirect_dma source(%arg14 : memref<80x128xf32, #tpu.memory_space<vmem>>) target(%dma_start3A_308 : memref<10240x128xf32, #tpu.memory_space<vmem_shared>>) offsets(%dma_start3A_305 : memref<80xi32, #tpu.memory_space<vmem>>) semaphore(%run_scoped3A_302 : memref<!tpu.dma_semaphore, #tpu.memory_space<semaphore_mem>>) {add = true}
        %dma_wait3A_309 = arith.constant 0 : i32
        %dma_wait3A_310 = tpu.memref_slice %arg8[%run_scoped3A_104, %dma_wait3A_309] : memref<8x80xi32, #tpu.memory_space<vmem>> -> memref<1x80xi32, #tpu.memory_space<vmem>>
        %dma_wait3A_311 = tpu.memref_squeeze %dma_wait3A_310 : memref<1x80xi32, #tpu.memory_space<vmem>> -> memref<80xi32, #tpu.memory_space<vmem>>
        %dma_wait3A_312 = arith.constant 0 : i32
        %dma_wait3A_313 = arith.constant 0 : i32
        %dma_wait3A_314 = tpu.memref_slice %arg15[%dma_wait3A_312, %dma_wait3A_313] : memref<10240x128xf32, #tpu.memory_space<vmem_shared>> -> memref<10240x128xf32, #tpu.memory_space<vmem_shared>>
        tpu.wait_indirect_dma semaphore(%run_scoped3A_302 : memref<!tpu.dma_semaphore, #tpu.memory_space<semaphore_mem>>) src(%arg14 : memref<80x128xf32, #tpu.memory_space<vmem>>) dst(%dma_wait3A_314 : memref<10240x128xf32, #tpu.memory_space<vmem_shared>>)
        tpu.yield
      }) : () -> ()
      %dma_start3A_105 = arith.constant 7 : i32
      %dma_start3A_106 = arith.constant 0 : i32
      %dma_start3A_107 = tpu.memref_slice %arg7[%dma_start3A_105, %dma_start3A_106] : memref<8x80xi32, #tpu.memory_space<vmem>> -> memref<1x80xi32, #tpu.memory_space<vmem>>
      %dma_start3A_108 = tpu.memref_squeeze %dma_start3A_107 : memref<1x80xi32, #tpu.memory_space<vmem>> -> memref<80xi32, #tpu.memory_space<vmem>>
      %dma_start3A_109 = arith.constant 0 : i32
      %dma_start3A_110 = arith.constant 0 : i32
      %dma_start3A_111 = tpu.memref_slice %arg2[%dma_start3A_109, %dma_start3A_110] : memref<10240x128xf32, #tpu.memory_space<hbm>> -> memref<10240x128xf32, #tpu.memory_space<hbm>>
      tpu.enqueue_indirect_dma source(%dma_start3A_111 : memref<10240x128xf32, #tpu.memory_space<hbm>>) target(%arg14 : memref<80x128xf32, #tpu.memory_space<vmem>>) offsets(%dma_start3A_108 : memref<80xi32, #tpu.memory_space<vmem>>) semaphore(%arg19 : memref<!tpu.dma_semaphore, #tpu.memory_space<semaphore_mem>>)
      %dma_wait3A_112 = arith.constant 4 : i32
      %dma_wait3A_113 = arith.constant 0 : i32
      %dma_wait3A_114 = tpu.memref_slice %arg7[%dma_wait3A_112, %dma_wait3A_113] : memref<8x80xi32, #tpu.memory_space<vmem>> -> memref<1x80xi32, #tpu.memory_space<vmem>>
      %dma_wait3A_115 = tpu.memref_squeeze %dma_wait3A_114 : memref<1x80xi32, #tpu.memory_space<vmem>> -> memref<80xi32, #tpu.memory_space<vmem>>
      %dma_wait3A_116 = arith.constant 0 : i32
      %dma_wait3A_117 = arith.constant 0 : i32
      %dma_wait3A_118 = tpu.memref_slice %arg2[%dma_wait3A_116, %dma_wait3A_117] : memref<10240x128xf32, #tpu.memory_space<hbm>> -> memref<10240x128xf32, #tpu.memory_space<hbm>>
      tpu.wait_indirect_dma semaphore(%arg16 : memref<!tpu.dma_semaphore, #tpu.memory_space<semaphore_mem>>) src(%dma_wait3A_118 : memref<10240x128xf32, #tpu.memory_space<hbm>>) dst(%arg11 : memref<80x128xf32, #tpu.memory_space<vmem>>)
      %run_scoped3A_119 = arith.constant 4 : i32
      "tpu.region"() ({
        %run_scoped3A_302 = tpu.sem_alloc : memref<!tpu.dma_semaphore, #tpu.memory_space<semaphore_mem>>
        %dma_start3A_303 = arith.constant 0 : i32
        %dma_start3A_304 = tpu.memref_slice %arg8[%run_scoped3A_119, %dma_start3A_303] : memref<8x80xi32, #tpu.memory_space<vmem>> -> memref<1x80xi32, #tpu.memory_space<vmem>>
        %dma_start3A_305 = tpu.memref_squeeze %dma_start3A_304 : memref<1x80xi32, #tpu.memory_space<vmem>> -> memref<80xi32, #tpu.memory_space<vmem>>
        %dma_start3A_306 = arith.constant 0 : i32
        %dma_start3A_307 = arith.constant 0 : i32
        %dma_start3A_308 = tpu.memref_slice %arg15[%dma_start3A_306, %dma_start3A_307] : memref<10240x128xf32, #tpu.memory_space<vmem_shared>> -> memref<10240x128xf32, #tpu.memory_space<vmem_shared>>
        tpu.enqueue_indirect_dma source(%arg11 : memref<80x128xf32, #tpu.memory_space<vmem>>) target(%dma_start3A_308 : memref<10240x128xf32, #tpu.memory_space<vmem_shared>>) offsets(%dma_start3A_305 : memref<80xi32, #tpu.memory_space<vmem>>) semaphore(%run_scoped3A_302 : memref<!tpu.dma_semaphore, #tpu.memory_space<semaphore_mem>>) {add = true}
        %dma_wait3A_309 = arith.constant 0 : i32
        %dma_wait3A_310 = tpu.memref_slice %arg8[%run_scoped3A_119, %dma_wait3A_309] : memref<8x80xi32, #tpu.memory_space<vmem>> -> memref<1x80xi32, #tpu.memory_space<vmem>>
        %dma_wait3A_311 = tpu.memref_squeeze %dma_wait3A_310 : memref<1x80xi32, #tpu.memory_space<vmem>> -> memref<80xi32, #tpu.memory_space<vmem>>
        %dma_wait3A_312 = arith.constant 0 : i32
        %dma_wait3A_313 = arith.constant 0 : i32
        %dma_wait3A_314 = tpu.memref_slice %arg15[%dma_wait3A_312, %dma_wait3A_313] : memref<10240x128xf32, #tpu.memory_space<vmem_shared>> -> memref<10240x128xf32, #tpu.memory_space<vmem_shared>>
        tpu.wait_indirect_dma semaphore(%run_scoped3A_302 : memref<!tpu.dma_semaphore, #tpu.memory_space<semaphore_mem>>) src(%arg11 : memref<80x128xf32, #tpu.memory_space<vmem>>) dst(%dma_wait3A_314 : memref<10240x128xf32, #tpu.memory_space<vmem_shared>>)
        tpu.yield
      }) : () -> ()
      %add3A_120 = arith.constant 1 : i32
      %add3A_121 = arith.addi %add3A_37, %add3A_120 : i32
      %lt3A_122 = arith.constant 16 : i32
      %lt3A_123 = arith.cmpi slt, %add3A_121, %lt3A_122 : i32
      %convert_element_type3A_124 = arith.extui %lt3A_123 : i1 to i32
      %cond3A_125 = arith.constant 0 : i32
      %cond3A_126 = arith.cmpi ne, %convert_element_type3A_124, %cond3A_125 : i32
      scf.if %cond3A_126 {
        %dma_wait3A_302 = arith.constant 0 : i32
        %dma_wait3A_303 = tpu.memref_slice %arg3[%add3A_42, %dma_wait3A_302] : memref<4096x80xi32, #tpu.memory_space<hbm>> -> memref<8x80xi32, #tpu.memory_space<hbm>>
        %dma_wait3A_304 = arith.constant 0 : i32
        %dma_wait3A_305 = tpu.memref_slice %arg3[%add3A_42, %dma_wait3A_304] : memref<4096x80xi32, #tpu.memory_space<hbm>> -> memref<8x80xi32, #tpu.memory_space<hbm>>
        tpu.wait_dma2 semaphore(%arg20 : memref<!tpu.dma_semaphore, #tpu.memory_space<semaphore_mem>>) src(%dma_wait3A_305 : memref<8x80xi32, #tpu.memory_space<hbm>>) dst(%arg9 : memref<8x80xi32, #tpu.memory_space<vmem>>)
        %dma_wait3A_306 = arith.constant 0 : i32
        %dma_wait3A_307 = tpu.memref_slice %arg4[%add3A_42, %dma_wait3A_306] : memref<4096x80xi32, #tpu.memory_space<hbm>> -> memref<8x80xi32, #tpu.memory_space<hbm>>
        %dma_wait3A_308 = arith.constant 0 : i32
        %dma_wait3A_309 = tpu.memref_slice %arg4[%add3A_42, %dma_wait3A_308] : memref<4096x80xi32, #tpu.memory_space<hbm>> -> memref<8x80xi32, #tpu.memory_space<hbm>>
        tpu.wait_dma2 semaphore(%arg20 : memref<!tpu.dma_semaphore, #tpu.memory_space<semaphore_mem>>) src(%dma_wait3A_309 : memref<8x80xi32, #tpu.memory_space<hbm>>) dst(%arg10 : memref<8x80xi32, #tpu.memory_space<vmem>>)
        %dma_start3A_310 = arith.constant 0 : i32
        %dma_start3A_311 = arith.constant 0 : i32
        %dma_start3A_312 = tpu.memref_slice %arg9[%dma_start3A_310, %dma_start3A_311] : memref<8x80xi32, #tpu.memory_space<vmem>> -> memref<1x80xi32, #tpu.memory_space<vmem>>
        %dma_start3A_313 = tpu.memref_squeeze %dma_start3A_312 : memref<1x80xi32, #tpu.memory_space<vmem>> -> memref<80xi32, #tpu.memory_space<vmem>>
        %dma_start3A_314 = arith.constant 0 : i32
        %dma_start3A_315 = arith.constant 0 : i32
        %dma_start3A_316 = tpu.memref_slice %arg2[%dma_start3A_314, %dma_start3A_315] : memref<10240x128xf32, #tpu.memory_space<hbm>> -> memref<10240x128xf32, #tpu.memory_space<hbm>>
        tpu.enqueue_indirect_dma source(%dma_start3A_316 : memref<10240x128xf32, #tpu.memory_space<hbm>>) target(%arg11 : memref<80x128xf32, #tpu.memory_space<vmem>>) offsets(%dma_start3A_313 : memref<80xi32, #tpu.memory_space<vmem>>) semaphore(%arg16 : memref<!tpu.dma_semaphore, #tpu.memory_space<semaphore_mem>>)
      } else {
      }
      %dma_wait3A_127 = arith.constant 5 : i32
      %dma_wait3A_128 = arith.constant 0 : i32
      %dma_wait3A_129 = tpu.memref_slice %arg7[%dma_wait3A_127, %dma_wait3A_128] : memref<8x80xi32, #tpu.memory_space<vmem>> -> memref<1x80xi32, #tpu.memory_space<vmem>>
      %dma_wait3A_130 = tpu.memref_squeeze %dma_wait3A_129 : memref<1x80xi32, #tpu.memory_space<vmem>> -> memref<80xi32, #tpu.memory_space<vmem>>
      %dma_wait3A_131 = arith.constant 0 : i32
      %dma_wait3A_132 = arith.constant 0 : i32
      %dma_wait3A_133 = tpu.memref_slice %arg2[%dma_wait3A_131, %dma_wait3A_132] : memref<10240x128xf32, #tpu.memory_space<hbm>> -> memref<10240x128xf32, #tpu.memory_space<hbm>>
      tpu.wait_indirect_dma semaphore(%arg17 : memref<!tpu.dma_semaphore, #tpu.memory_space<semaphore_mem>>) src(%dma_wait3A_133 : memref<10240x128xf32, #tpu.memory_space<hbm>>) dst(%arg12 : memref<80x128xf32, #tpu.memory_space<vmem>>)
      %run_scoped3A_134 = arith.constant 5 : i32
      "tpu.region"() ({
        %run_scoped3A_302 = tpu.sem_alloc : memref<!tpu.dma_semaphore, #tpu.memory_space<semaphore_mem>>
        %dma_start3A_303 = arith.constant 0 : i32
        %dma_start3A_304 = tpu.memref_slice %arg8[%run_scoped3A_134, %dma_start3A_303] : memref<8x80xi32, #tpu.memory_space<vmem>> -> memref<1x80xi32, #tpu.memory_space<vmem>>
        %dma_start3A_305 = tpu.memref_squeeze %dma_start3A_304 : memref<1x80xi32, #tpu.memory_space<vmem>> -> memref<80xi32, #tpu.memory_space<vmem>>
        %dma_start3A_306 = arith.constant 0 : i32
        %dma_start3A_307 = arith.constant 0 : i32
        %dma_start3A_308 = tpu.memref_slice %arg15[%dma_start3A_306, %dma_start3A_307] : memref<10240x128xf32, #tpu.memory_space<vmem_shared>> -> memref<10240x128xf32, #tpu.memory_space<vmem_shared>>
        tpu.enqueue_indirect_dma source(%arg12 : memref<80x128xf32, #tpu.memory_space<vmem>>) target(%dma_start3A_308 : memref<10240x128xf32, #tpu.memory_space<vmem_shared>>) offsets(%dma_start3A_305 : memref<80xi32, #tpu.memory_space<vmem>>) semaphore(%run_scoped3A_302 : memref<!tpu.dma_semaphore, #tpu.memory_space<semaphore_mem>>) {add = true}
        %dma_wait3A_309 = arith.constant 0 : i32
        %dma_wait3A_310 = tpu.memref_slice %arg8[%run_scoped3A_134, %dma_wait3A_309] : memref<8x80xi32, #tpu.memory_space<vmem>> -> memref<1x80xi32, #tpu.memory_space<vmem>>
        %dma_wait3A_311 = tpu.memref_squeeze %dma_wait3A_310 : memref<1x80xi32, #tpu.memory_space<vmem>> -> memref<80xi32, #tpu.memory_space<vmem>>
        %dma_wait3A_312 = arith.constant 0 : i32
        %dma_wait3A_313 = arith.constant 0 : i32
        %dma_wait3A_314 = tpu.memref_slice %arg15[%dma_wait3A_312, %dma_wait3A_313] : memref<10240x128xf32, #tpu.memory_space<vmem_shared>> -> memref<10240x128xf32, #tpu.memory_space<vmem_shared>>
        tpu.wait_indirect_dma semaphore(%run_scoped3A_302 : memref<!tpu.dma_semaphore, #tpu.memory_space<semaphore_mem>>) src(%arg12 : memref<80x128xf32, #tpu.memory_space<vmem>>) dst(%dma_wait3A_314 : memref<10240x128xf32, #tpu.memory_space<vmem_shared>>)
        tpu.yield
      }) : () -> ()
      %add3A_135 = arith.constant 1 : i32
      %add3A_136 = arith.addi %add3A_37, %add3A_135 : i32
      %lt3A_137 = arith.constant 16 : i32
      %lt3A_138 = arith.cmpi slt, %add3A_136, %lt3A_137 : i32
      %convert_element_type3A_139 = arith.extui %lt3A_138 : i1 to i32
      %cond3A_140 = arith.constant 0 : i32
      %cond3A_141 = arith.cmpi ne, %convert_element_type3A_139, %cond3A_140 : i32
      scf.if %cond3A_141 {
        %dma_start3A_302 = arith.constant 1 : i32
        %dma_start3A_303 = arith.constant 0 : i32
        %dma_start3A_304 = tpu.memref_slice %arg9[%dma_start3A_302, %dma_start3A_303] : memref<8x80xi32, #tpu.memory_space<vmem>> -> memref<1x80xi32, #tpu.memory_space<vmem>>
        %dma_start3A_305 = tpu.memref_squeeze %dma_start3A_304 : memref<1x80xi32, #tpu.memory_space<vmem>> -> memref<80xi32, #tpu.memory_space<vmem>>
        %dma_start3A_306 = arith.constant 0 : i32
        %dma_start3A_307 = arith.constant 0 : i32
        %dma_start3A_308 = tpu.memref_slice %arg2[%dma_start3A_306, %dma_start3A_307] : memref<10240x128xf32, #tpu.memory_space<hbm>> -> memref<10240x128xf32, #tpu.memory_space<hbm>>
        tpu.enqueue_indirect_dma source(%dma_start3A_308 : memref<10240x128xf32, #tpu.memory_space<hbm>>) target(%arg12 : memref<80x128xf32, #tpu.memory_space<vmem>>) offsets(%dma_start3A_305 : memref<80xi32, #tpu.memory_space<vmem>>) semaphore(%arg17 : memref<!tpu.dma_semaphore, #tpu.memory_space<semaphore_mem>>)
      } else {
      }
      %dma_wait3A_142 = arith.constant 6 : i32
      %dma_wait3A_143 = arith.constant 0 : i32
      %dma_wait3A_144 = tpu.memref_slice %arg7[%dma_wait3A_142, %dma_wait3A_143] : memref<8x80xi32, #tpu.memory_space<vmem>> -> memref<1x80xi32, #tpu.memory_space<vmem>>
      %dma_wait3A_145 = tpu.memref_squeeze %dma_wait3A_144 : memref<1x80xi32, #tpu.memory_space<vmem>> -> memref<80xi32, #tpu.memory_space<vmem>>
      %dma_wait3A_146 = arith.constant 0 : i32
      %dma_wait3A_147 = arith.constant 0 : i32
      %dma_wait3A_148 = tpu.memref_slice %arg2[%dma_wait3A_146, %dma_wait3A_147] : memref<10240x128xf32, #tpu.memory_space<hbm>> -> memref<10240x128xf32, #tpu.memory_space<hbm>>
      tpu.wait_indirect_dma semaphore(%arg18 : memref<!tpu.dma_semaphore, #tpu.memory_space<semaphore_mem>>) src(%dma_wait3A_148 : memref<10240x128xf32, #tpu.memory_space<hbm>>) dst(%arg13 : memref<80x128xf32, #tpu.memory_space<vmem>>)
      %run_scoped3A_149 = arith.constant 6 : i32
      "tpu.region"() ({
        %run_scoped3A_302 = tpu.sem_alloc : memref<!tpu.dma_semaphore, #tpu.memory_space<semaphore_mem>>
        %dma_start3A_303 = arith.constant 0 : i32
        %dma_start3A_304 = tpu.memref_slice %arg8[%run_scoped3A_149, %dma_start3A_303] : memref<8x80xi32, #tpu.memory_space<vmem>> -> memref<1x80xi32, #tpu.memory_space<vmem>>
        %dma_start3A_305 = tpu.memref_squeeze %dma_start3A_304 : memref<1x80xi32, #tpu.memory_space<vmem>> -> memref<80xi32, #tpu.memory_space<vmem>>
        %dma_start3A_306 = arith.constant 0 : i32
        %dma_start3A_307 = arith.constant 0 : i32
        %dma_start3A_308 = tpu.memref_slice %arg15[%dma_start3A_306, %dma_start3A_307] : memref<10240x128xf32, #tpu.memory_space<vmem_shared>> -> memref<10240x128xf32, #tpu.memory_space<vmem_shared>>
        tpu.enqueue_indirect_dma source(%arg13 : memref<80x128xf32, #tpu.memory_space<vmem>>) target(%dma_start3A_308 : memref<10240x128xf32, #tpu.memory_space<vmem_shared>>) offsets(%dma_start3A_305 : memref<80xi32, #tpu.memory_space<vmem>>) semaphore(%run_scoped3A_302 : memref<!tpu.dma_semaphore, #tpu.memory_space<semaphore_mem>>) {add = true}
        %dma_wait3A_309 = arith.constant 0 : i32
        %dma_wait3A_310 = tpu.memref_slice %arg8[%run_scoped3A_149, %dma_wait3A_309] : memref<8x80xi32, #tpu.memory_space<vmem>> -> memref<1x80xi32, #tpu.memory_space<vmem>>
        %dma_wait3A_311 = tpu.memref_squeeze %dma_wait3A_310 : memref<1x80xi32, #tpu.memory_space<vmem>> -> memref<80xi32, #tpu.memory_space<vmem>>
        %dma_wait3A_312 = arith.constant 0 : i32
        %dma_wait3A_313 = arith.constant 0 : i32
        %dma_wait3A_314 = tpu.memref_slice %arg15[%dma_wait3A_312, %dma_wait3A_313] : memref<10240x128xf32, #tpu.memory_space<vmem_shared>> -> memref<10240x128xf32, #tpu.memory_space<vmem_shared>>
        tpu.wait_indirect_dma semaphore(%run_scoped3A_302 : memref<!tpu.dma_semaphore, #tpu.memory_space<semaphore_mem>>) src(%arg13 : memref<80x128xf32, #tpu.memory_space<vmem>>) dst(%dma_wait3A_314 : memref<10240x128xf32, #tpu.memory_space<vmem_shared>>)
        tpu.yield
      }) : () -> ()
      %add3A_150 = arith.constant 1 : i32
      %add3A_151 = arith.addi %add3A_37, %add3A_150 : i32
      %lt3A_152 = arith.constant 16 : i32
      %lt3A_153 = arith.cmpi slt, %add3A_151, %lt3A_152 : i32
      %convert_element_type3A_154 = arith.extui %lt3A_153 : i1 to i32
      %cond3A_155 = arith.constant 0 : i32
      %cond3A_156 = arith.cmpi ne, %convert_element_type3A_154, %cond3A_155 : i32
      scf.if %cond3A_156 {
        %dma_start3A_302 = arith.constant 2 : i32
        %dma_start3A_303 = arith.constant 0 : i32
        %dma_start3A_304 = tpu.memref_slice %arg9[%dma_start3A_302, %dma_start3A_303] : memref<8x80xi32, #tpu.memory_space<vmem>> -> memref<1x80xi32, #tpu.memory_space<vmem>>
        %dma_start3A_305 = tpu.memref_squeeze %dma_start3A_304 : memref<1x80xi32, #tpu.memory_space<vmem>> -> memref<80xi32, #tpu.memory_space<vmem>>
        %dma_start3A_306 = arith.constant 0 : i32
        %dma_start3A_307 = arith.constant 0 : i32
        %dma_start3A_308 = tpu.memref_slice %arg2[%dma_start3A_306, %dma_start3A_307] : memref<10240x128xf32, #tpu.memory_space<hbm>> -> memref<10240x128xf32, #tpu.memory_space<hbm>>
        tpu.enqueue_indirect_dma source(%dma_start3A_308 : memref<10240x128xf32, #tpu.memory_space<hbm>>) target(%arg13 : memref<80x128xf32, #tpu.memory_space<vmem>>) offsets(%dma_start3A_305 : memref<80xi32, #tpu.memory_space<vmem>>) semaphore(%arg18 : memref<!tpu.dma_semaphore, #tpu.memory_space<semaphore_mem>>)
      } else {
      }
      %dma_wait3A_157 = arith.constant 7 : i32
      %dma_wait3A_158 = arith.constant 0 : i32
      %dma_wait3A_159 = tpu.memref_slice %arg7[%dma_wait3A_157, %dma_wait3A_158] : memref<8x80xi32, #tpu.memory_space<vmem>> -> memref<1x80xi32, #tpu.memory_space<vmem>>
      %dma_wait3A_160 = tpu.memref_squeeze %dma_wait3A_159 : memref<1x80xi32, #tpu.memory_space<vmem>> -> memref<80xi32, #tpu.memory_space<vmem>>
      %dma_wait3A_161 = arith.constant 0 : i32
      %dma_wait3A_162 = arith.constant 0 : i32
      %dma_wait3A_163 = tpu.memref_slice %arg2[%dma_wait3A_161, %dma_wait3A_162] : memref<10240x128xf32, #tpu.memory_space<hbm>> -> memref<10240x128xf32, #tpu.memory_space<hbm>>
      tpu.wait_indirect_dma semaphore(%arg19 : memref<!tpu.dma_semaphore, #tpu.memory_space<semaphore_mem>>) src(%dma_wait3A_163 : memref<10240x128xf32, #tpu.memory_space<hbm>>) dst(%arg14 : memref<80x128xf32, #tpu.memory_space<vmem>>)
      %run_scoped3A_164 = arith.constant 7 : i32
      "tpu.region"() ({
        %run_scoped3A_302 = tpu.sem_alloc : memref<!tpu.dma_semaphore, #tpu.memory_space<semaphore_mem>>
        %dma_start3A_303 = arith.constant 0 : i32
        %dma_start3A_304 = tpu.memref_slice %arg8[%run_scoped3A_164, %dma_start3A_303] : memref<8x80xi32, #tpu.memory_space<vmem>> -> memref<1x80xi32, #tpu.memory_space<vmem>>
        %dma_start3A_305 = tpu.memref_squeeze %dma_start3A_304 : memref<1x80xi32, #tpu.memory_space<vmem>> -> memref<80xi32, #tpu.memory_space<vmem>>
        %dma_start3A_306 = arith.constant 0 : i32
        %dma_start3A_307 = arith.constant 0 : i32
        %dma_start3A_308 = tpu.memref_slice %arg15[%dma_start3A_306, %dma_start3A_307] : memref<10240x128xf32, #tpu.memory_space<vmem_shared>> -> memref<10240x128xf32, #tpu.memory_space<vmem_shared>>
        tpu.enqueue_indirect_dma source(%arg14 : memref<80x128xf32, #tpu.memory_space<vmem>>) target(%dma_start3A_308 : memref<10240x128xf32, #tpu.memory_space<vmem_shared>>) offsets(%dma_start3A_305 : memref<80xi32, #tpu.memory_space<vmem>>) semaphore(%run_scoped3A_302 : memref<!tpu.dma_semaphore, #tpu.memory_space<semaphore_mem>>) {add = true}
        %dma_wait3A_309 = arith.constant 0 : i32
        %dma_wait3A_310 = tpu.memref_slice %arg8[%run_scoped3A_164, %dma_wait3A_309] : memref<8x80xi32, #tpu.memory_space<vmem>> -> memref<1x80xi32, #tpu.memory_space<vmem>>
        %dma_wait3A_311 = tpu.memref_squeeze %dma_wait3A_310 : memref<1x80xi32, #tpu.memory_space<vmem>> -> memref<80xi32, #tpu.memory_space<vmem>>
        %dma_wait3A_312 = arith.constant 0 : i32
        %dma_wait3A_313 = arith.constant 0 : i32
        %dma_wait3A_314 = tpu.memref_slice %arg15[%dma_wait3A_312, %dma_wait3A_313] : memref<10240x128xf32, #tpu.memory_space<vmem_shared>> -> memref<10240x128xf32, #tpu.memory_space<vmem_shared>>
        tpu.wait_indirect_dma semaphore(%run_scoped3A_302 : memref<!tpu.dma_semaphore, #tpu.memory_space<semaphore_mem>>) src(%arg14 : memref<80x128xf32, #tpu.memory_space<vmem>>) dst(%dma_wait3A_314 : memref<10240x128xf32, #tpu.memory_space<vmem_shared>>)
        tpu.yield
      }) : () -> ()
      %mul3A_165 = arith.constant 2 : i32
      %mul3A_166 = arith.muli %scan3A_32, %mul3A_165 : i32
      %add3A_167 = arith.constant 1 : i32
      %add3A_168 = arith.addi %mul3A_166, %add3A_167 : i32
      %add3A_169 = arith.constant 1 : i32
      %add3A_170 = arith.addi %add3A_168, %add3A_169 : i32
      %mul3A_171 = arith.constant 8 : i32
      %mul3A_172 = arith.muli %add3A_170, %mul3A_171 : i32
      %add3A_173 = arith.addi %mul3A_4, %mul3A_172 : i32
      %add3A_174 = arith.constant 1 : i32
      %add3A_175 = arith.addi %add3A_168, %add3A_174 : i32
      %lt3A_176 = arith.constant 16 : i32
      %lt3A_177 = arith.cmpi slt, %add3A_175, %lt3A_176 : i32
      %convert_element_type3A_178 = arith.extui %lt3A_177 : i1 to i32
      %cond3A_179 = arith.constant 0 : i32
      %cond3A_180 = arith.cmpi ne, %convert_element_type3A_178, %cond3A_179 : i32
      scf.if %cond3A_180 {
        %dma_start3A_302 = arith.constant 0 : i32
        %dma_start3A_303 = tpu.memref_slice %arg3[%add3A_173, %dma_start3A_302] : memref<4096x80xi32, #tpu.memory_space<hbm>> -> memref<8x80xi32, #tpu.memory_space<hbm>>
        %dma_start3A_304 = arith.constant 0 : i32
        %dma_start3A_305 = tpu.memref_slice %arg3[%add3A_173, %dma_start3A_304] : memref<4096x80xi32, #tpu.memory_space<hbm>> -> memref<8x80xi32, #tpu.memory_space<hbm>>
        tpu.enqueue_dma source(%dma_start3A_305 : memref<8x80xi32, #tpu.memory_space<hbm>>) target(%arg7 : memref<8x80xi32, #tpu.memory_space<vmem>>) target_semaphore(%arg20 : memref<!tpu.dma_semaphore, #tpu.memory_space<semaphore_mem>>)
        %dma_start3A_306 = arith.constant 0 : i32
        %dma_start3A_307 = tpu.memref_slice %arg4[%add3A_173, %dma_start3A_306] : memref<4096x80xi32, #tpu.memory_space<hbm>> -> memref<8x80xi32, #tpu.memory_space<hbm>>
        %dma_start3A_308 = arith.constant 0 : i32
        %dma_start3A_309 = tpu.memref_slice %arg4[%add3A_173, %dma_start3A_308] : memref<4096x80xi32, #tpu.memory_space<hbm>> -> memref<8x80xi32, #tpu.memory_space<hbm>>
        tpu.enqueue_dma source(%dma_start3A_309 : memref<8x80xi32, #tpu.memory_space<hbm>>) target(%arg8 : memref<8x80xi32, #tpu.memory_space<vmem>>) target_semaphore(%arg20 : memref<!tpu.dma_semaphore, #tpu.memory_space<semaphore_mem>>)
      } else {
      }
      %dma_start3A_181 = arith.constant 3 : i32
      %dma_start3A_182 = arith.constant 0 : i32
      %dma_start3A_183 = tpu.memref_slice %arg9[%dma_start3A_181, %dma_start3A_182] : memref<8x80xi32, #tpu.memory_space<vmem>> -> memref<1x80xi32, #tpu.memory_space<vmem>>
      %dma_start3A_184 = tpu.memref_squeeze %dma_start3A_183 : memref<1x80xi32, #tpu.memory_space<vmem>> -> memref<80xi32, #tpu.memory_space<vmem>>
      %dma_start3A_185 = arith.constant 0 : i32
      %dma_start3A_186 = arith.constant 0 : i32
      %dma_start3A_187 = tpu.memref_slice %arg2[%dma_start3A_185, %dma_start3A_186] : memref<10240x128xf32, #tpu.memory_space<hbm>> -> memref<10240x128xf32, #tpu.memory_space<hbm>>
      tpu.enqueue_indirect_dma source(%dma_start3A_187 : memref<10240x128xf32, #tpu.memory_space<hbm>>) target(%arg14 : memref<80x128xf32, #tpu.memory_space<vmem>>) offsets(%dma_start3A_184 : memref<80xi32, #tpu.memory_space<vmem>>) semaphore(%arg19 : memref<!tpu.dma_semaphore, #tpu.memory_space<semaphore_mem>>)
      %dma_wait3A_188 = arith.constant 0 : i32
      %dma_wait3A_189 = arith.constant 0 : i32
      %dma_wait3A_190 = tpu.memref_slice %arg9[%dma_wait3A_188, %dma_wait3A_189] : memref<8x80xi32, #tpu.memory_space<vmem>> -> memref<1x80xi32, #tpu.memory_space<vmem>>
      %dma_wait3A_191 = tpu.memref_squeeze %dma_wait3A_190 : memref<1x80xi32, #tpu.memory_space<vmem>> -> memref<80xi32, #tpu.memory_space<vmem>>
      %dma_wait3A_192 = arith.constant 0 : i32
      %dma_wait3A_193 = arith.constant 0 : i32
      %dma_wait3A_194 = tpu.memref_slice %arg2[%dma_wait3A_192, %dma_wait3A_193] : memref<10240x128xf32, #tpu.memory_space<hbm>> -> memref<10240x128xf32, #tpu.memory_space<hbm>>
      tpu.wait_indirect_dma semaphore(%arg16 : memref<!tpu.dma_semaphore, #tpu.memory_space<semaphore_mem>>) src(%dma_wait3A_194 : memref<10240x128xf32, #tpu.memory_space<hbm>>) dst(%arg11 : memref<80x128xf32, #tpu.memory_space<vmem>>)
      %run_scoped3A_195 = arith.constant 0 : i32
      "tpu.region"() ({
        %run_scoped3A_302 = tpu.sem_alloc : memref<!tpu.dma_semaphore, #tpu.memory_space<semaphore_mem>>
        %dma_start3A_303 = arith.constant 0 : i32
        %dma_start3A_304 = tpu.memref_slice %arg10[%run_scoped3A_195, %dma_start3A_303] : memref<8x80xi32, #tpu.memory_space<vmem>> -> memref<1x80xi32, #tpu.memory_space<vmem>>
        %dma_start3A_305 = tpu.memref_squeeze %dma_start3A_304 : memref<1x80xi32, #tpu.memory_space<vmem>> -> memref<80xi32, #tpu.memory_space<vmem>>
        %dma_start3A_306 = arith.constant 0 : i32
        %dma_start3A_307 = arith.constant 0 : i32
        %dma_start3A_308 = tpu.memref_slice %arg15[%dma_start3A_306, %dma_start3A_307] : memref<10240x128xf32, #tpu.memory_space<vmem_shared>> -> memref<10240x128xf32, #tpu.memory_space<vmem_shared>>
        tpu.enqueue_indirect_dma source(%arg11 : memref<80x128xf32, #tpu.memory_space<vmem>>) target(%dma_start3A_308 : memref<10240x128xf32, #tpu.memory_space<vmem_shared>>) offsets(%dma_start3A_305 : memref<80xi32, #tpu.memory_space<vmem>>) semaphore(%run_scoped3A_302 : memref<!tpu.dma_semaphore, #tpu.memory_space<semaphore_mem>>) {add = true}
        %dma_wait3A_309 = arith.constant 0 : i32
        %dma_wait3A_310 = tpu.memref_slice %arg10[%run_scoped3A_195, %dma_wait3A_309] : memref<8x80xi32, #tpu.memory_space<vmem>> -> memref<1x80xi32, #tpu.memory_space<vmem>>
        %dma_wait3A_311 = tpu.memref_squeeze %dma_wait3A_310 : memref<1x80xi32, #tpu.memory_space<vmem>> -> memref<80xi32, #tpu.memory_space<vmem>>
        %dma_wait3A_312 = arith.constant 0 : i32
        %dma_wait3A_313 = arith.constant 0 : i32
        %dma_wait3A_314 = tpu.memref_slice %arg15[%dma_wait3A_312, %dma_wait3A_313] : memref<10240x128xf32, #tpu.memory_space<vmem_shared>> -> memref<10240x128xf32, #tpu.memory_space<vmem_shared>>
        tpu.wait_indirect_dma semaphore(%run_scoped3A_302 : memref<!tpu.dma_semaphore, #tpu.memory_space<semaphore_mem>>) src(%arg11 : memref<80x128xf32, #tpu.memory_space<vmem>>) dst(%dma_wait3A_314 : memref<10240x128xf32, #tpu.memory_space<vmem_shared>>)
        tpu.yield
      }) : () -> ()
      %dma_start3A_196 = arith.constant 4 : i32
      %dma_start3A_197 = arith.constant 0 : i32
      %dma_start3A_198 = tpu.memref_slice %arg9[%dma_start3A_196, %dma_start3A_197] : memref<8x80xi32, #tpu.memory_space<vmem>> -> memref<1x80xi32, #tpu.memory_space<vmem>>
      %dma_start3A_199 = tpu.memref_squeeze %dma_start3A_198 : memref<1x80xi32, #tpu.memory_space<vmem>> -> memref<80xi32, #tpu.memory_space<vmem>>
      %dma_start3A_200 = arith.constant 0 : i32
      %dma_start3A_201 = arith.constant 0 : i32
      %dma_start3A_202 = tpu.memref_slice %arg2[%dma_start3A_200, %dma_start3A_201] : memref<10240x128xf32, #tpu.memory_space<hbm>> -> memref<10240x128xf32, #tpu.memory_space<hbm>>
      tpu.enqueue_indirect_dma source(%dma_start3A_202 : memref<10240x128xf32, #tpu.memory_space<hbm>>) target(%arg11 : memref<80x128xf32, #tpu.memory_space<vmem>>) offsets(%dma_start3A_199 : memref<80xi32, #tpu.memory_space<vmem>>) semaphore(%arg16 : memref<!tpu.dma_semaphore, #tpu.memory_space<semaphore_mem>>)
      %dma_wait3A_203 = arith.constant 1 : i32
      %dma_wait3A_204 = arith.constant 0 : i32
      %dma_wait3A_205 = tpu.memref_slice %arg9[%dma_wait3A_203, %dma_wait3A_204] : memref<8x80xi32, #tpu.memory_space<vmem>> -> memref<1x80xi32, #tpu.memory_space<vmem>>
      %dma_wait3A_206 = tpu.memref_squeeze %dma_wait3A_205 : memref<1x80xi32, #tpu.memory_space<vmem>> -> memref<80xi32, #tpu.memory_space<vmem>>
      %dma_wait3A_207 = arith.constant 0 : i32
      %dma_wait3A_208 = arith.constant 0 : i32
      %dma_wait3A_209 = tpu.memref_slice %arg2[%dma_wait3A_207, %dma_wait3A_208] : memref<10240x128xf32, #tpu.memory_space<hbm>> -> memref<10240x128xf32, #tpu.memory_space<hbm>>
      tpu.wait_indirect_dma semaphore(%arg17 : memref<!tpu.dma_semaphore, #tpu.memory_space<semaphore_mem>>) src(%dma_wait3A_209 : memref<10240x128xf32, #tpu.memory_space<hbm>>) dst(%arg12 : memref<80x128xf32, #tpu.memory_space<vmem>>)
      %run_scoped3A_210 = arith.constant 1 : i32
      "tpu.region"() ({
        %run_scoped3A_302 = tpu.sem_alloc : memref<!tpu.dma_semaphore, #tpu.memory_space<semaphore_mem>>
        %dma_start3A_303 = arith.constant 0 : i32
        %dma_start3A_304 = tpu.memref_slice %arg10[%run_scoped3A_210, %dma_start3A_303] : memref<8x80xi32, #tpu.memory_space<vmem>> -> memref<1x80xi32, #tpu.memory_space<vmem>>
        %dma_start3A_305 = tpu.memref_squeeze %dma_start3A_304 : memref<1x80xi32, #tpu.memory_space<vmem>> -> memref<80xi32, #tpu.memory_space<vmem>>
        %dma_start3A_306 = arith.constant 0 : i32
        %dma_start3A_307 = arith.constant 0 : i32
        %dma_start3A_308 = tpu.memref_slice %arg15[%dma_start3A_306, %dma_start3A_307] : memref<10240x128xf32, #tpu.memory_space<vmem_shared>> -> memref<10240x128xf32, #tpu.memory_space<vmem_shared>>
        tpu.enqueue_indirect_dma source(%arg12 : memref<80x128xf32, #tpu.memory_space<vmem>>) target(%dma_start3A_308 : memref<10240x128xf32, #tpu.memory_space<vmem_shared>>) offsets(%dma_start3A_305 : memref<80xi32, #tpu.memory_space<vmem>>) semaphore(%run_scoped3A_302 : memref<!tpu.dma_semaphore, #tpu.memory_space<semaphore_mem>>) {add = true}
        %dma_wait3A_309 = arith.constant 0 : i32
        %dma_wait3A_310 = tpu.memref_slice %arg10[%run_scoped3A_210, %dma_wait3A_309] : memref<8x80xi32, #tpu.memory_space<vmem>> -> memref<1x80xi32, #tpu.memory_space<vmem>>
        %dma_wait3A_311 = tpu.memref_squeeze %dma_wait3A_310 : memref<1x80xi32, #tpu.memory_space<vmem>> -> memref<80xi32, #tpu.memory_space<vmem>>
        %dma_wait3A_312 = arith.constant 0 : i32
        %dma_wait3A_313 = arith.constant 0 : i32
        %dma_wait3A_314 = tpu.memref_slice %arg15[%dma_wait3A_312, %dma_wait3A_313] : memref<10240x128xf32, #tpu.memory_space<vmem_shared>> -> memref<10240x128xf32, #tpu.memory_space<vmem_shared>>
        tpu.wait_indirect_dma semaphore(%run_scoped3A_302 : memref<!tpu.dma_semaphore, #tpu.memory_space<semaphore_mem>>) src(%arg12 : memref<80x128xf32, #tpu.memory_space<vmem>>) dst(%dma_wait3A_314 : memref<10240x128xf32, #tpu.memory_space<vmem_shared>>)
        tpu.yield
      }) : () -> ()
      %dma_start3A_211 = arith.constant 5 : i32
      %dma_start3A_212 = arith.constant 0 : i32
      %dma_start3A_213 = tpu.memref_slice %arg9[%dma_start3A_211, %dma_start3A_212] : memref<8x80xi32, #tpu.memory_space<vmem>> -> memref<1x80xi32, #tpu.memory_space<vmem>>
      %dma_start3A_214 = tpu.memref_squeeze %dma_start3A_213 : memref<1x80xi32, #tpu.memory_space<vmem>> -> memref<80xi32, #tpu.memory_space<vmem>>
      %dma_start3A_215 = arith.constant 0 : i32
      %dma_start3A_216 = arith.constant 0 : i32
      %dma_start3A_217 = tpu.memref_slice %arg2[%dma_start3A_215, %dma_start3A_216] : memref<10240x128xf32, #tpu.memory_space<hbm>> -> memref<10240x128xf32, #tpu.memory_space<hbm>>
      tpu.enqueue_indirect_dma source(%dma_start3A_217 : memref<10240x128xf32, #tpu.memory_space<hbm>>) target(%arg12 : memref<80x128xf32, #tpu.memory_space<vmem>>) offsets(%dma_start3A_214 : memref<80xi32, #tpu.memory_space<vmem>>) semaphore(%arg17 : memref<!tpu.dma_semaphore, #tpu.memory_space<semaphore_mem>>)
      %dma_wait3A_218 = arith.constant 2 : i32
      %dma_wait3A_219 = arith.constant 0 : i32
      %dma_wait3A_220 = tpu.memref_slice %arg9[%dma_wait3A_218, %dma_wait3A_219] : memref<8x80xi32, #tpu.memory_space<vmem>> -> memref<1x80xi32, #tpu.memory_space<vmem>>
      %dma_wait3A_221 = tpu.memref_squeeze %dma_wait3A_220 : memref<1x80xi32, #tpu.memory_space<vmem>> -> memref<80xi32, #tpu.memory_space<vmem>>
      %dma_wait3A_222 = arith.constant 0 : i32
      %dma_wait3A_223 = arith.constant 0 : i32
      %dma_wait3A_224 = tpu.memref_slice %arg2[%dma_wait3A_222, %dma_wait3A_223] : memref<10240x128xf32, #tpu.memory_space<hbm>> -> memref<10240x128xf32, #tpu.memory_space<hbm>>
      tpu.wait_indirect_dma semaphore(%arg18 : memref<!tpu.dma_semaphore, #tpu.memory_space<semaphore_mem>>) src(%dma_wait3A_224 : memref<10240x128xf32, #tpu.memory_space<hbm>>) dst(%arg13 : memref<80x128xf32, #tpu.memory_space<vmem>>)
      %run_scoped3A_225 = arith.constant 2 : i32
      "tpu.region"() ({
        %run_scoped3A_302 = tpu.sem_alloc : memref<!tpu.dma_semaphore, #tpu.memory_space<semaphore_mem>>
        %dma_start3A_303 = arith.constant 0 : i32
        %dma_start3A_304 = tpu.memref_slice %arg10[%run_scoped3A_225, %dma_start3A_303] : memref<8x80xi32, #tpu.memory_space<vmem>> -> memref<1x80xi32, #tpu.memory_space<vmem>>
        %dma_start3A_305 = tpu.memref_squeeze %dma_start3A_304 : memref<1x80xi32, #tpu.memory_space<vmem>> -> memref<80xi32, #tpu.memory_space<vmem>>
        %dma_start3A_306 = arith.constant 0 : i32
        %dma_start3A_307 = arith.constant 0 : i32
        %dma_start3A_308 = tpu.memref_slice %arg15[%dma_start3A_306, %dma_start3A_307] : memref<10240x128xf32, #tpu.memory_space<vmem_shared>> -> memref<10240x128xf32, #tpu.memory_space<vmem_shared>>
        tpu.enqueue_indirect_dma source(%arg13 : memref<80x128xf32, #tpu.memory_space<vmem>>) target(%dma_start3A_308 : memref<10240x128xf32, #tpu.memory_space<vmem_shared>>) offsets(%dma_start3A_305 : memref<80xi32, #tpu.memory_space<vmem>>) semaphore(%run_scoped3A_302 : memref<!tpu.dma_semaphore, #tpu.memory_space<semaphore_mem>>) {add = true}
        %dma_wait3A_309 = arith.constant 0 : i32
        %dma_wait3A_310 = tpu.memref_slice %arg10[%run_scoped3A_225, %dma_wait3A_309] : memref<8x80xi32, #tpu.memory_space<vmem>> -> memref<1x80xi32, #tpu.memory_space<vmem>>
        %dma_wait3A_311 = tpu.memref_squeeze %dma_wait3A_310 : memref<1x80xi32, #tpu.memory_space<vmem>> -> memref<80xi32, #tpu.memory_space<vmem>>
        %dma_wait3A_312 = arith.constant 0 : i32
        %dma_wait3A_313 = arith.constant 0 : i32
        %dma_wait3A_314 = tpu.memref_slice %arg15[%dma_wait3A_312, %dma_wait3A_313] : memref<10240x128xf32, #tpu.memory_space<vmem_shared>> -> memref<10240x128xf32, #tpu.memory_space<vmem_shared>>
        tpu.wait_indirect_dma semaphore(%run_scoped3A_302 : memref<!tpu.dma_semaphore, #tpu.memory_space<semaphore_mem>>) src(%arg13 : memref<80x128xf32, #tpu.memory_space<vmem>>) dst(%dma_wait3A_314 : memref<10240x128xf32, #tpu.memory_space<vmem_shared>>)
        tpu.yield
      }) : () -> ()
      %dma_start3A_226 = arith.constant 6 : i32
      %dma_start3A_227 = arith.constant 0 : i32
      %dma_start3A_228 = tpu.memref_slice %arg9[%dma_start3A_226, %dma_start3A_227] : memref<8x80xi32, #tpu.memory_space<vmem>> -> memref<1x80xi32, #tpu.memory_space<vmem>>
      %dma_start3A_229 = tpu.memref_squeeze %dma_start3A_228 : memref<1x80xi32, #tpu.memory_space<vmem>> -> memref<80xi32, #tpu.memory_space<vmem>>
      %dma_start3A_230 = arith.constant 0 : i32
      %dma_start3A_231 = arith.constant 0 : i32
      %dma_start3A_232 = tpu.memref_slice %arg2[%dma_start3A_230, %dma_start3A_231] : memref<10240x128xf32, #tpu.memory_space<hbm>> -> memref<10240x128xf32, #tpu.memory_space<hbm>>
      tpu.enqueue_indirect_dma source(%dma_start3A_232 : memref<10240x128xf32, #tpu.memory_space<hbm>>) target(%arg13 : memref<80x128xf32, #tpu.memory_space<vmem>>) offsets(%dma_start3A_229 : memref<80xi32, #tpu.memory_space<vmem>>) semaphore(%arg18 : memref<!tpu.dma_semaphore, #tpu.memory_space<semaphore_mem>>)
      %dma_wait3A_233 = arith.constant 3 : i32
      %dma_wait3A_234 = arith.constant 0 : i32
      %dma_wait3A_235 = tpu.memref_slice %arg9[%dma_wait3A_233, %dma_wait3A_234] : memref<8x80xi32, #tpu.memory_space<vmem>> -> memref<1x80xi32, #tpu.memory_space<vmem>>
      %dma_wait3A_236 = tpu.memref_squeeze %dma_wait3A_235 : memref<1x80xi32, #tpu.memory_space<vmem>> -> memref<80xi32, #tpu.memory_space<vmem>>
      %dma_wait3A_237 = arith.constant 0 : i32
      %dma_wait3A_238 = arith.constant 0 : i32
      %dma_wait3A_239 = tpu.memref_slice %arg2[%dma_wait3A_237, %dma_wait3A_238] : memref<10240x128xf32, #tpu.memory_space<hbm>> -> memref<10240x128xf32, #tpu.memory_space<hbm>>
      tpu.wait_indirect_dma semaphore(%arg19 : memref<!tpu.dma_semaphore, #tpu.memory_space<semaphore_mem>>) src(%dma_wait3A_239 : memref<10240x128xf32, #tpu.memory_space<hbm>>) dst(%arg14 : memref<80x128xf32, #tpu.memory_space<vmem>>)
      %run_scoped3A_240 = arith.constant 3 : i32
      "tpu.region"() ({
        %run_scoped3A_302 = tpu.sem_alloc : memref<!tpu.dma_semaphore, #tpu.memory_space<semaphore_mem>>
        %dma_start3A_303 = arith.constant 0 : i32
        %dma_start3A_304 = tpu.memref_slice %arg10[%run_scoped3A_240, %dma_start3A_303] : memref<8x80xi32, #tpu.memory_space<vmem>> -> memref<1x80xi32, #tpu.memory_space<vmem>>
        %dma_start3A_305 = tpu.memref_squeeze %dma_start3A_304 : memref<1x80xi32, #tpu.memory_space<vmem>> -> memref<80xi32, #tpu.memory_space<vmem>>
        %dma_start3A_306 = arith.constant 0 : i32
        %dma_start3A_307 = arith.constant 0 : i32
        %dma_start3A_308 = tpu.memref_slice %arg15[%dma_start3A_306, %dma_start3A_307] : memref<10240x128xf32, #tpu.memory_space<vmem_shared>> -> memref<10240x128xf32, #tpu.memory_space<vmem_shared>>
        tpu.enqueue_indirect_dma source(%arg14 : memref<80x128xf32, #tpu.memory_space<vmem>>) target(%dma_start3A_308 : memref<10240x128xf32, #tpu.memory_space<vmem_shared>>) offsets(%dma_start3A_305 : memref<80xi32, #tpu.memory_space<vmem>>) semaphore(%run_scoped3A_302 : memref<!tpu.dma_semaphore, #tpu.memory_space<semaphore_mem>>) {add = true}
        %dma_wait3A_309 = arith.constant 0 : i32
        %dma_wait3A_310 = tpu.memref_slice %arg10[%run_scoped3A_240, %dma_wait3A_309] : memref<8x80xi32, #tpu.memory_space<vmem>> -> memref<1x80xi32, #tpu.memory_space<vmem>>
        %dma_wait3A_311 = tpu.memref_squeeze %dma_wait3A_310 : memref<1x80xi32, #tpu.memory_space<vmem>> -> memref<80xi32, #tpu.memory_space<vmem>>
        %dma_wait3A_312 = arith.constant 0 : i32
        %dma_wait3A_313 = arith.constant 0 : i32
        %dma_wait3A_314 = tpu.memref_slice %arg15[%dma_wait3A_312, %dma_wait3A_313] : memref<10240x128xf32, #tpu.memory_space<vmem_shared>> -> memref<10240x128xf32, #tpu.memory_space<vmem_shared>>
        tpu.wait_indirect_dma semaphore(%run_scoped3A_302 : memref<!tpu.dma_semaphore, #tpu.memory_space<semaphore_mem>>) src(%arg14 : memref<80x128xf32, #tpu.memory_space<vmem>>) dst(%dma_wait3A_314 : memref<10240x128xf32, #tpu.memory_space<vmem_shared>>)
        tpu.yield
      }) : () -> ()
      %dma_start3A_241 = arith.constant 7 : i32
      %dma_start3A_242 = arith.constant 0 : i32
      %dma_start3A_243 = tpu.memref_slice %arg9[%dma_start3A_241, %dma_start3A_242] : memref<8x80xi32, #tpu.memory_space<vmem>> -> memref<1x80xi32, #tpu.memory_space<vmem>>
      %dma_start3A_244 = tpu.memref_squeeze %dma_start3A_243 : memref<1x80xi32, #tpu.memory_space<vmem>> -> memref<80xi32, #tpu.memory_space<vmem>>
      %dma_start3A_245 = arith.constant 0 : i32
      %dma_start3A_246 = arith.constant 0 : i32
      %dma_start3A_247 = tpu.memref_slice %arg2[%dma_start3A_245, %dma_start3A_246] : memref<10240x128xf32, #tpu.memory_space<hbm>> -> memref<10240x128xf32, #tpu.memory_space<hbm>>
      tpu.enqueue_indirect_dma source(%dma_start3A_247 : memref<10240x128xf32, #tpu.memory_space<hbm>>) target(%arg14 : memref<80x128xf32, #tpu.memory_space<vmem>>) offsets(%dma_start3A_244 : memref<80xi32, #tpu.memory_space<vmem>>) semaphore(%arg19 : memref<!tpu.dma_semaphore, #tpu.memory_space<semaphore_mem>>)
      %dma_wait3A_248 = arith.constant 4 : i32
      %dma_wait3A_249 = arith.constant 0 : i32
      %dma_wait3A_250 = tpu.memref_slice %arg9[%dma_wait3A_248, %dma_wait3A_249] : memref<8x80xi32, #tpu.memory_space<vmem>> -> memref<1x80xi32, #tpu.memory_space<vmem>>
      %dma_wait3A_251 = tpu.memref_squeeze %dma_wait3A_250 : memref<1x80xi32, #tpu.memory_space<vmem>> -> memref<80xi32, #tpu.memory_space<vmem>>
      %dma_wait3A_252 = arith.constant 0 : i32
      %dma_wait3A_253 = arith.constant 0 : i32
      %dma_wait3A_254 = tpu.memref_slice %arg2[%dma_wait3A_252, %dma_wait3A_253] : memref<10240x128xf32, #tpu.memory_space<hbm>> -> memref<10240x128xf32, #tpu.memory_space<hbm>>
      tpu.wait_indirect_dma semaphore(%arg16 : memref<!tpu.dma_semaphore, #tpu.memory_space<semaphore_mem>>) src(%dma_wait3A_254 : memref<10240x128xf32, #tpu.memory_space<hbm>>) dst(%arg11 : memref<80x128xf32, #tpu.memory_space<vmem>>)
      %run_scoped3A_255 = arith.constant 4 : i32
      "tpu.region"() ({
        %run_scoped3A_302 = tpu.sem_alloc : memref<!tpu.dma_semaphore, #tpu.memory_space<semaphore_mem>>
        %dma_start3A_303 = arith.constant 0 : i32
        %dma_start3A_304 = tpu.memref_slice %arg10[%run_scoped3A_255, %dma_start3A_303] : memref<8x80xi32, #tpu.memory_space<vmem>> -> memref<1x80xi32, #tpu.memory_space<vmem>>
        %dma_start3A_305 = tpu.memref_squeeze %dma_start3A_304 : memref<1x80xi32, #tpu.memory_space<vmem>> -> memref<80xi32, #tpu.memory_space<vmem>>
        %dma_start3A_306 = arith.constant 0 : i32
        %dma_start3A_307 = arith.constant 0 : i32
        %dma_start3A_308 = tpu.memref_slice %arg15[%dma_start3A_306, %dma_start3A_307] : memref<10240x128xf32, #tpu.memory_space<vmem_shared>> -> memref<10240x128xf32, #tpu.memory_space<vmem_shared>>
        tpu.enqueue_indirect_dma source(%arg11 : memref<80x128xf32, #tpu.memory_space<vmem>>) target(%dma_start3A_308 : memref<10240x128xf32, #tpu.memory_space<vmem_shared>>) offsets(%dma_start3A_305 : memref<80xi32, #tpu.memory_space<vmem>>) semaphore(%run_scoped3A_302 : memref<!tpu.dma_semaphore, #tpu.memory_space<semaphore_mem>>) {add = true}
        %dma_wait3A_309 = arith.constant 0 : i32
        %dma_wait3A_310 = tpu.memref_slice %arg10[%run_scoped3A_255, %dma_wait3A_309] : memref<8x80xi32, #tpu.memory_space<vmem>> -> memref<1x80xi32, #tpu.memory_space<vmem>>
        %dma_wait3A_311 = tpu.memref_squeeze %dma_wait3A_310 : memref<1x80xi32, #tpu.memory_space<vmem>> -> memref<80xi32, #tpu.memory_space<vmem>>
        %dma_wait3A_312 = arith.constant 0 : i32
        %dma_wait3A_313 = arith.constant 0 : i32
        %dma_wait3A_314 = tpu.memref_slice %arg15[%dma_wait3A_312, %dma_wait3A_313] : memref<10240x128xf32, #tpu.memory_space<vmem_shared>> -> memref<10240x128xf32, #tpu.memory_space<vmem_shared>>
        tpu.wait_indirect_dma semaphore(%run_scoped3A_302 : memref<!tpu.dma_semaphore, #tpu.memory_space<semaphore_mem>>) src(%arg11 : memref<80x128xf32, #tpu.memory_space<vmem>>) dst(%dma_wait3A_314 : memref<10240x128xf32, #tpu.memory_space<vmem_shared>>)
        tpu.yield
      }) : () -> ()
      %add3A_256 = arith.constant 1 : i32
      %add3A_257 = arith.addi %add3A_168, %add3A_256 : i32
      %lt3A_258 = arith.constant 16 : i32
      %lt3A_259 = arith.cmpi slt, %add3A_257, %lt3A_258 : i32
      %convert_element_type3A_260 = arith.extui %lt3A_259 : i1 to i32
      %cond3A_261 = arith.constant 0 : i32
      %cond3A_262 = arith.cmpi ne, %convert_element_type3A_260, %cond3A_261 : i32
      scf.if %cond3A_262 {
        %dma_wait3A_302 = arith.constant 0 : i32
        %dma_wait3A_303 = tpu.memref_slice %arg3[%add3A_173, %dma_wait3A_302] : memref<4096x80xi32, #tpu.memory_space<hbm>> -> memref<8x80xi32, #tpu.memory_space<hbm>>
        %dma_wait3A_304 = arith.constant 0 : i32
        %dma_wait3A_305 = tpu.memref_slice %arg3[%add3A_173, %dma_wait3A_304] : memref<4096x80xi32, #tpu.memory_space<hbm>> -> memref<8x80xi32, #tpu.memory_space<hbm>>
        tpu.wait_dma2 semaphore(%arg20 : memref<!tpu.dma_semaphore, #tpu.memory_space<semaphore_mem>>) src(%dma_wait3A_305 : memref<8x80xi32, #tpu.memory_space<hbm>>) dst(%arg7 : memref<8x80xi32, #tpu.memory_space<vmem>>)
        %dma_wait3A_306 = arith.constant 0 : i32
        %dma_wait3A_307 = tpu.memref_slice %arg4[%add3A_173, %dma_wait3A_306] : memref<4096x80xi32, #tpu.memory_space<hbm>> -> memref<8x80xi32, #tpu.memory_space<hbm>>
        %dma_wait3A_308 = arith.constant 0 : i32
        %dma_wait3A_309 = tpu.memref_slice %arg4[%add3A_173, %dma_wait3A_308] : memref<4096x80xi32, #tpu.memory_space<hbm>> -> memref<8x80xi32, #tpu.memory_space<hbm>>
        tpu.wait_dma2 semaphore(%arg20 : memref<!tpu.dma_semaphore, #tpu.memory_space<semaphore_mem>>) src(%dma_wait3A_309 : memref<8x80xi32, #tpu.memory_space<hbm>>) dst(%arg8 : memref<8x80xi32, #tpu.memory_space<vmem>>)
        %dma_start3A_310 = arith.constant 0 : i32
        %dma_start3A_311 = arith.constant 0 : i32
        %dma_start3A_312 = tpu.memref_slice %arg7[%dma_start3A_310, %dma_start3A_311] : memref<8x80xi32, #tpu.memory_space<vmem>> -> memref<1x80xi32, #tpu.memory_space<vmem>>
        %dma_start3A_313 = tpu.memref_squeeze %dma_start3A_312 : memref<1x80xi32, #tpu.memory_space<vmem>> -> memref<80xi32, #tpu.memory_space<vmem>>
        %dma_start3A_314 = arith.constant 0 : i32
        %dma_start3A_315 = arith.constant 0 : i32
        %dma_start3A_316 = tpu.memref_slice %arg2[%dma_start3A_314, %dma_start3A_315] : memref<10240x128xf32, #tpu.memory_space<hbm>> -> memref<10240x128xf32, #tpu.memory_space<hbm>>
        tpu.enqueue_indirect_dma source(%dma_start3A_316 : memref<10240x128xf32, #tpu.memory_space<hbm>>) target(%arg11 : memref<80x128xf32, #tpu.memory_space<vmem>>) offsets(%dma_start3A_313 : memref<80xi32, #tpu.memory_space<vmem>>) semaphore(%arg16 : memref<!tpu.dma_semaphore, #tpu.memory_space<semaphore_mem>>)
      } else {
      }
      %dma_wait3A_263 = arith.constant 5 : i32
      %dma_wait3A_264 = arith.constant 0 : i32
      %dma_wait3A_265 = tpu.memref_slice %arg9[%dma_wait3A_263, %dma_wait3A_264] : memref<8x80xi32, #tpu.memory_space<vmem>> -> memref<1x80xi32, #tpu.memory_space<vmem>>
      %dma_wait3A_266 = tpu.memref_squeeze %dma_wait3A_265 : memref<1x80xi32, #tpu.memory_space<vmem>> -> memref<80xi32, #tpu.memory_space<vmem>>
      %dma_wait3A_267 = arith.constant 0 : i32
      %dma_wait3A_268 = arith.constant 0 : i32
      %dma_wait3A_269 = tpu.memref_slice %arg2[%dma_wait3A_267, %dma_wait3A_268] : memref<10240x128xf32, #tpu.memory_space<hbm>> -> memref<10240x128xf32, #tpu.memory_space<hbm>>
      tpu.wait_indirect_dma semaphore(%arg17 : memref<!tpu.dma_semaphore, #tpu.memory_space<semaphore_mem>>) src(%dma_wait3A_269 : memref<10240x128xf32, #tpu.memory_space<hbm>>) dst(%arg12 : memref<80x128xf32, #tpu.memory_space<vmem>>)
      %run_scoped3A_270 = arith.constant 5 : i32
      "tpu.region"() ({
        %run_scoped3A_302 = tpu.sem_alloc : memref<!tpu.dma_semaphore, #tpu.memory_space<semaphore_mem>>
        %dma_start3A_303 = arith.constant 0 : i32
        %dma_start3A_304 = tpu.memref_slice %arg10[%run_scoped3A_270, %dma_start3A_303] : memref<8x80xi32, #tpu.memory_space<vmem>> -> memref<1x80xi32, #tpu.memory_space<vmem>>
        %dma_start3A_305 = tpu.memref_squeeze %dma_start3A_304 : memref<1x80xi32, #tpu.memory_space<vmem>> -> memref<80xi32, #tpu.memory_space<vmem>>
        %dma_start3A_306 = arith.constant 0 : i32
        %dma_start3A_307 = arith.constant 0 : i32
        %dma_start3A_308 = tpu.memref_slice %arg15[%dma_start3A_306, %dma_start3A_307] : memref<10240x128xf32, #tpu.memory_space<vmem_shared>> -> memref<10240x128xf32, #tpu.memory_space<vmem_shared>>
        tpu.enqueue_indirect_dma source(%arg12 : memref<80x128xf32, #tpu.memory_space<vmem>>) target(%dma_start3A_308 : memref<10240x128xf32, #tpu.memory_space<vmem_shared>>) offsets(%dma_start3A_305 : memref<80xi32, #tpu.memory_space<vmem>>) semaphore(%run_scoped3A_302 : memref<!tpu.dma_semaphore, #tpu.memory_space<semaphore_mem>>) {add = true}
        %dma_wait3A_309 = arith.constant 0 : i32
        %dma_wait3A_310 = tpu.memref_slice %arg10[%run_scoped3A_270, %dma_wait3A_309] : memref<8x80xi32, #tpu.memory_space<vmem>> -> memref<1x80xi32, #tpu.memory_space<vmem>>
        %dma_wait3A_311 = tpu.memref_squeeze %dma_wait3A_310 : memref<1x80xi32, #tpu.memory_space<vmem>> -> memref<80xi32, #tpu.memory_space<vmem>>
        %dma_wait3A_312 = arith.constant 0 : i32
        %dma_wait3A_313 = arith.constant 0 : i32
        %dma_wait3A_314 = tpu.memref_slice %arg15[%dma_wait3A_312, %dma_wait3A_313] : memref<10240x128xf32, #tpu.memory_space<vmem_shared>> -> memref<10240x128xf32, #tpu.memory_space<vmem_shared>>
        tpu.wait_indirect_dma semaphore(%run_scoped3A_302 : memref<!tpu.dma_semaphore, #tpu.memory_space<semaphore_mem>>) src(%arg12 : memref<80x128xf32, #tpu.memory_space<vmem>>) dst(%dma_wait3A_314 : memref<10240x128xf32, #tpu.memory_space<vmem_shared>>)
        tpu.yield
      }) : () -> ()
      %add3A_271 = arith.constant 1 : i32
      %add3A_272 = arith.addi %add3A_168, %add3A_271 : i32
      %lt3A_273 = arith.constant 16 : i32
      %lt3A_274 = arith.cmpi slt, %add3A_272, %lt3A_273 : i32
      %convert_element_type3A_275 = arith.extui %lt3A_274 : i1 to i32
      %cond3A_276 = arith.constant 0 : i32
      %cond3A_277 = arith.cmpi ne, %convert_element_type3A_275, %cond3A_276 : i32
      scf.if %cond3A_277 {
        %dma_start3A_302 = arith.constant 1 : i32
        %dma_start3A_303 = arith.constant 0 : i32
        %dma_start3A_304 = tpu.memref_slice %arg7[%dma_start3A_302, %dma_start3A_303] : memref<8x80xi32, #tpu.memory_space<vmem>> -> memref<1x80xi32, #tpu.memory_space<vmem>>
        %dma_start3A_305 = tpu.memref_squeeze %dma_start3A_304 : memref<1x80xi32, #tpu.memory_space<vmem>> -> memref<80xi32, #tpu.memory_space<vmem>>
        %dma_start3A_306 = arith.constant 0 : i32
        %dma_start3A_307 = arith.constant 0 : i32
        %dma_start3A_308 = tpu.memref_slice %arg2[%dma_start3A_306, %dma_start3A_307] : memref<10240x128xf32, #tpu.memory_space<hbm>> -> memref<10240x128xf32, #tpu.memory_space<hbm>>
        tpu.enqueue_indirect_dma source(%dma_start3A_308 : memref<10240x128xf32, #tpu.memory_space<hbm>>) target(%arg12 : memref<80x128xf32, #tpu.memory_space<vmem>>) offsets(%dma_start3A_305 : memref<80xi32, #tpu.memory_space<vmem>>) semaphore(%arg17 : memref<!tpu.dma_semaphore, #tpu.memory_space<semaphore_mem>>)
      } else {
      }
      %dma_wait3A_278 = arith.constant 6 : i32
      %dma_wait3A_279 = arith.constant 0 : i32
      %dma_wait3A_280 = tpu.memref_slice %arg9[%dma_wait3A_278, %dma_wait3A_279] : memref<8x80xi32, #tpu.memory_space<vmem>> -> memref<1x80xi32, #tpu.memory_space<vmem>>
      %dma_wait3A_281 = tpu.memref_squeeze %dma_wait3A_280 : memref<1x80xi32, #tpu.memory_space<vmem>> -> memref<80xi32, #tpu.memory_space<vmem>>
      %dma_wait3A_282 = arith.constant 0 : i32
      %dma_wait3A_283 = arith.constant 0 : i32
      %dma_wait3A_284 = tpu.memref_slice %arg2[%dma_wait3A_282, %dma_wait3A_283] : memref<10240x128xf32, #tpu.memory_space<hbm>> -> memref<10240x128xf32, #tpu.memory_space<hbm>>
      tpu.wait_indirect_dma semaphore(%arg18 : memref<!tpu.dma_semaphore, #tpu.memory_space<semaphore_mem>>) src(%dma_wait3A_284 : memref<10240x128xf32, #tpu.memory_space<hbm>>) dst(%arg13 : memref<80x128xf32, #tpu.memory_space<vmem>>)
      %run_scoped3A_285 = arith.constant 6 : i32
      "tpu.region"() ({
        %run_scoped3A_302 = tpu.sem_alloc : memref<!tpu.dma_semaphore, #tpu.memory_space<semaphore_mem>>
        %dma_start3A_303 = arith.constant 0 : i32
        %dma_start3A_304 = tpu.memref_slice %arg10[%run_scoped3A_285, %dma_start3A_303] : memref<8x80xi32, #tpu.memory_space<vmem>> -> memref<1x80xi32, #tpu.memory_space<vmem>>
        %dma_start3A_305 = tpu.memref_squeeze %dma_start3A_304 : memref<1x80xi32, #tpu.memory_space<vmem>> -> memref<80xi32, #tpu.memory_space<vmem>>
        %dma_start3A_306 = arith.constant 0 : i32
        %dma_start3A_307 = arith.constant 0 : i32
        %dma_start3A_308 = tpu.memref_slice %arg15[%dma_start3A_306, %dma_start3A_307] : memref<10240x128xf32, #tpu.memory_space<vmem_shared>> -> memref<10240x128xf32, #tpu.memory_space<vmem_shared>>
        tpu.enqueue_indirect_dma source(%arg13 : memref<80x128xf32, #tpu.memory_space<vmem>>) target(%dma_start3A_308 : memref<10240x128xf32, #tpu.memory_space<vmem_shared>>) offsets(%dma_start3A_305 : memref<80xi32, #tpu.memory_space<vmem>>) semaphore(%run_scoped3A_302 : memref<!tpu.dma_semaphore, #tpu.memory_space<semaphore_mem>>) {add = true}
        %dma_wait3A_309 = arith.constant 0 : i32
        %dma_wait3A_310 = tpu.memref_slice %arg10[%run_scoped3A_285, %dma_wait3A_309] : memref<8x80xi32, #tpu.memory_space<vmem>> -> memref<1x80xi32, #tpu.memory_space<vmem>>
        %dma_wait3A_311 = tpu.memref_squeeze %dma_wait3A_310 : memref<1x80xi32, #tpu.memory_space<vmem>> -> memref<80xi32, #tpu.memory_space<vmem>>
        %dma_wait3A_312 = arith.constant 0 : i32
        %dma_wait3A_313 = arith.constant 0 : i32
        %dma_wait3A_314 = tpu.memref_slice %arg15[%dma_wait3A_312, %dma_wait3A_313] : memref<10240x128xf32, #tpu.memory_space<vmem_shared>> -> memref<10240x128xf32, #tpu.memory_space<vmem_shared>>
        tpu.wait_indirect_dma semaphore(%run_scoped3A_302 : memref<!tpu.dma_semaphore, #tpu.memory_space<semaphore_mem>>) src(%arg13 : memref<80x128xf32, #tpu.memory_space<vmem>>) dst(%dma_wait3A_314 : memref<10240x128xf32, #tpu.memory_space<vmem_shared>>)
        tpu.yield
      }) : () -> ()
      %add3A_286 = arith.constant 1 : i32
      %add3A_287 = arith.addi %add3A_168, %add3A_286 : i32
      %lt3A_288 = arith.constant 16 : i32
      %lt3A_289 = arith.cmpi slt, %add3A_287, %lt3A_288 : i32
      %convert_element_type3A_290 = arith.extui %lt3A_289 : i1 to i32
      %cond3A_291 = arith.constant 0 : i32
      %cond3A_292 = arith.cmpi ne, %convert_element_type3A_290, %cond3A_291 : i32
      scf.if %cond3A_292 {
        %dma_start3A_302 = arith.constant 2 : i32
        %dma_start3A_303 = arith.constant 0 : i32
        %dma_start3A_304 = tpu.memref_slice %arg7[%dma_start3A_302, %dma_start3A_303] : memref<8x80xi32, #tpu.memory_space<vmem>> -> memref<1x80xi32, #tpu.memory_space<vmem>>
        %dma_start3A_305 = tpu.memref_squeeze %dma_start3A_304 : memref<1x80xi32, #tpu.memory_space<vmem>> -> memref<80xi32, #tpu.memory_space<vmem>>
        %dma_start3A_306 = arith.constant 0 : i32
        %dma_start3A_307 = arith.constant 0 : i32
        %dma_start3A_308 = tpu.memref_slice %arg2[%dma_start3A_306, %dma_start3A_307] : memref<10240x128xf32, #tpu.memory_space<hbm>> -> memref<10240x128xf32, #tpu.memory_space<hbm>>
        tpu.enqueue_indirect_dma source(%dma_start3A_308 : memref<10240x128xf32, #tpu.memory_space<hbm>>) target(%arg13 : memref<80x128xf32, #tpu.memory_space<vmem>>) offsets(%dma_start3A_305 : memref<80xi32, #tpu.memory_space<vmem>>) semaphore(%arg18 : memref<!tpu.dma_semaphore, #tpu.memory_space<semaphore_mem>>)
      } else {
      }
      %dma_wait3A_293 = arith.constant 7 : i32
      %dma_wait3A_294 = arith.constant 0 : i32
      %dma_wait3A_295 = tpu.memref_slice %arg9[%dma_wait3A_293, %dma_wait3A_294] : memref<8x80xi32, #tpu.memory_space<vmem>> -> memref<1x80xi32, #tpu.memory_space<vmem>>
      %dma_wait3A_296 = tpu.memref_squeeze %dma_wait3A_295 : memref<1x80xi32, #tpu.memory_space<vmem>> -> memref<80xi32, #tpu.memory_space<vmem>>
      %dma_wait3A_297 = arith.constant 0 : i32
      %dma_wait3A_298 = arith.constant 0 : i32
      %dma_wait3A_299 = tpu.memref_slice %arg2[%dma_wait3A_297, %dma_wait3A_298] : memref<10240x128xf32, #tpu.memory_space<hbm>> -> memref<10240x128xf32, #tpu.memory_space<hbm>>
      tpu.wait_indirect_dma semaphore(%arg19 : memref<!tpu.dma_semaphore, #tpu.memory_space<semaphore_mem>>) src(%dma_wait3A_299 : memref<10240x128xf32, #tpu.memory_space<hbm>>) dst(%arg14 : memref<80x128xf32, #tpu.memory_space<vmem>>)
      %run_scoped3A_300 = arith.constant 7 : i32
      "tpu.region"() ({
        %run_scoped3A_302 = tpu.sem_alloc : memref<!tpu.dma_semaphore, #tpu.memory_space<semaphore_mem>>
        %dma_start3A_303 = arith.constant 0 : i32
        %dma_start3A_304 = tpu.memref_slice %arg10[%run_scoped3A_300, %dma_start3A_303] : memref<8x80xi32, #tpu.memory_space<vmem>> -> memref<1x80xi32, #tpu.memory_space<vmem>>
        %dma_start3A_305 = tpu.memref_squeeze %dma_start3A_304 : memref<1x80xi32, #tpu.memory_space<vmem>> -> memref<80xi32, #tpu.memory_space<vmem>>
        %dma_start3A_306 = arith.constant 0 : i32
        %dma_start3A_307 = arith.constant 0 : i32
        %dma_start3A_308 = tpu.memref_slice %arg15[%dma_start3A_306, %dma_start3A_307] : memref<10240x128xf32, #tpu.memory_space<vmem_shared>> -> memref<10240x128xf32, #tpu.memory_space<vmem_shared>>
        tpu.enqueue_indirect_dma source(%arg14 : memref<80x128xf32, #tpu.memory_space<vmem>>) target(%dma_start3A_308 : memref<10240x128xf32, #tpu.memory_space<vmem_shared>>) offsets(%dma_start3A_305 : memref<80xi32, #tpu.memory_space<vmem>>) semaphore(%run_scoped3A_302 : memref<!tpu.dma_semaphore, #tpu.memory_space<semaphore_mem>>) {add = true}
        %dma_wait3A_309 = arith.constant 0 : i32
        %dma_wait3A_310 = tpu.memref_slice %arg10[%run_scoped3A_300, %dma_wait3A_309] : memref<8x80xi32, #tpu.memory_space<vmem>> -> memref<1x80xi32, #tpu.memory_space<vmem>>
        %dma_wait3A_311 = tpu.memref_squeeze %dma_wait3A_310 : memref<1x80xi32, #tpu.memory_space<vmem>> -> memref<80xi32, #tpu.memory_space<vmem>>
        %dma_wait3A_312 = arith.constant 0 : i32
        %dma_wait3A_313 = arith.constant 0 : i32
        %dma_wait3A_314 = tpu.memref_slice %arg15[%dma_wait3A_312, %dma_wait3A_313] : memref<10240x128xf32, #tpu.memory_space<vmem_shared>> -> memref<10240x128xf32, #tpu.memory_space<vmem_shared>>
        tpu.wait_indirect_dma semaphore(%run_scoped3A_302 : memref<!tpu.dma_semaphore, #tpu.memory_space<semaphore_mem>>) src(%arg14 : memref<80x128xf32, #tpu.memory_space<vmem>>) dst(%dma_wait3A_314 : memref<10240x128xf32, #tpu.memory_space<vmem_shared>>)
        tpu.yield
      }) : () -> ()
      %scan3A_301 = arith.constant 0 : i32
      scf.yield %scan3A_301 : i32
    }
    %scan3A_30 = arith.constant 8 : i32
    %barrier3A_31 = arith.constant 0 : index
    tpu.barrier barrier_id(%barrier3A_31)
    "tpu.region"() ({
      %run_scoped3A = tpu.sem_alloc : memref<!tpu.dma_semaphore, #tpu.memory_space<semaphore_mem>>
      %dma_start3A_32 = arith.constant 0 : i32
      %dma_start3A_33 = tpu.memref_slice %arg6[%arg0, %mul3A_2, %dma_start3A_32] : memref<2x10240x128xf32, #tpu.memory_space<hbm>> -> memref<1x640x128xf32, #tpu.memory_space<hbm>>
      %dma_start3A_34 = tpu.memref_squeeze %dma_start3A_33 : memref<1x640x128xf32, #tpu.memory_space<hbm>> -> memref<640x128xf32, #tpu.memory_space<hbm>>
      %dma_start3A_35 = arith.constant 0 : i32
      %dma_start3A_36 = tpu.memref_slice %arg15[%mul3A_2, %dma_start3A_35] : memref<10240x128xf32, #tpu.memory_space<vmem_shared>> -> memref<640x128xf32, #tpu.memory_space<vmem_shared>>
      tpu.enqueue_dma source(%dma_start3A_36 : memref<640x128xf32, #tpu.memory_space<vmem_shared>>) target(%dma_start3A_34 : memref<640x128xf32, #tpu.memory_space<hbm>>) target_semaphore(%run_scoped3A : memref<!tpu.dma_semaphore, #tpu.memory_space<semaphore_mem>>)
      %dma_wait3A = arith.constant 0 : i32
      %dma_wait3A_37 = tpu.memref_slice %arg6[%arg0, %mul3A_2, %dma_wait3A] : memref<2x10240x128xf32, #tpu.memory_space<hbm>> -> memref<1x640x128xf32, #tpu.memory_space<hbm>>
      %dma_wait3A_38 = tpu.memref_squeeze %dma_wait3A_37 : memref<1x640x128xf32, #tpu.memory_space<hbm>> -> memref<640x128xf32, #tpu.memory_space<hbm>>
      %dma_wait3A_39 = arith.constant 0 : i32
      %dma_wait3A_40 = tpu.memref_slice %arg15[%mul3A_2, %dma_wait3A_39] : memref<10240x128xf32, #tpu.memory_space<vmem_shared>> -> memref<640x128xf32, #tpu.memory_space<vmem_shared>>
      tpu.wait_dma2 semaphore(%run_scoped3A : memref<!tpu.dma_semaphore, #tpu.memory_space<semaphore_mem>>) src(%dma_wait3A_40 : memref<640x128xf32, #tpu.memory_space<vmem_shared>>) dst(%dma_wait3A_38 : memref<640x128xf32, #tpu.memory_space<hbm>>)
      tpu.yield
    }) : () -> ()
    return
  }
}

module attributes {stable_mosaic.version = 14 : i64} {
  func.func @_matmul_body(%arg0: i32, %arg1: memref<2000x128xf32, #tpu.memory_space<vmem>>, %arg2: memref<128x128xf32, #tpu.memory_space<vmem>>, %arg3: memref<2000x1xf32, #tpu.memory_space<vmem>>, %arg4: memref<2000x1xf32, #tpu.memory_space<vmem>>, %arg5: memref<2000x128xf32, #tpu.memory_space<vmem>>, %arg6: memref<2000x1xf32, #tpu.memory_space<vmem>>) attributes {dimension_semantics = [#tpu.dimension_semantics<arbitrary>], iteration_bounds = array<i64: 5>, scalar_prefetch = 0 : i64, scratch_operands = 0 : i64, tpu.core_type = #tpu.core_type<tc>, window_params = [{transform_indices = @transform_0, window_bounds = array<i64: 2000, 128>}, {pipeline_mode = #tpu.pipeline_mode<synchronous>, transform_indices = @transform_1, window_bounds = array<i64: 128, 128>}, {transform_indices = @transform_2, window_bounds = array<i64: 2000, 1>}, {transform_indices = @transform_3, window_bounds = array<i64: 2000, 1>}, {transform_indices = @transform_4, window_bounds = array<i64: 2000, 128>}, {transform_indices = @transform_5, window_bounds = array<i64: 2000, 1>}]} {
    %get3A = arith.constant 0 : index
    %get3A_0 = arith.constant 0 : index
    %get3A_1 = vector.load %arg3[%get3A, %get3A_0] : memref<2000x1xf32, #tpu.memory_space<vmem>>, vector<2000x1xf32>
    %get3A_2 = arith.constant 0 : index
    %get3A_3 = arith.constant 0 : index
    %get3A_4 = vector.load %arg4[%get3A_2, %get3A_3] : memref<2000x1xf32, #tpu.memory_space<vmem>>, vector<2000x1xf32>
    %add3A = arith.addf %get3A_1, %get3A_4 : vector<2000x1xf32>
    %add3A_5 = arith.constant 1.000000e+00 : f32
    %add3A_6 = vector.broadcast %add3A_5 : f32 to vector<2000x1xf32>
    %add3A_7 = arith.addf %add3A, %add3A_6 : vector<2000x1xf32>
    %rsqrt3A = math.rsqrt %add3A_7 : vector<2000x1xf32>
    %get3A_8 = arith.constant 0 : index
    %get3A_9 = arith.constant 0 : index
    %get3A_10 = vector.load %arg1[%get3A_8, %get3A_9] : memref<2000x128xf32, #tpu.memory_space<vmem>>, vector<2000x128xf32>
    %get3A_11 = arith.constant 0 : index
    %get3A_12 = arith.constant 0 : index
    %get3A_13 = vector.load %arg2[%get3A_11, %get3A_12] : memref<128x128xf32, #tpu.memory_space<vmem>>, vector<128x128xf32>
    %dot_general3A = arith.constant dense<0.000000e+00> : vector<2000x128xf32>
    %dot_general3A_14 = tpu.matmul %get3A_10, %get3A_13, %dot_general3A {dimension_numbers = #tpu.dot_dimension_numbers<[1], [0], [0], [1], [0, 0, 1, 1], [], []>, transpose_lhs_hint = false} : vector<2000x128xf32>, vector<128x128xf32>, vector<2000x128xf32> -> vector<2000x128xf32>
    %mul3A = vector.broadcast %rsqrt3A : vector<2000x1xf32> to vector<2000x128xf32>
    %mul3A_15 = arith.mulf %dot_general3A_14, %mul3A : vector<2000x128xf32>
    %swap3A = arith.constant 0 : index
    %swap3A_16 = arith.constant 0 : index
    %swap3A_17 = vector.load %arg5[%swap3A, %swap3A_16] : memref<2000x128xf32, #tpu.memory_space<vmem>>, vector<2000x128xf32>
    tpu.vector_store %arg5[%swap3A, %swap3A_16], %mul3A_15 {strides = array<i32>} : memref<2000x128xf32, #tpu.memory_space<vmem>>, vector<2000x128xf32>,
    %swap3A_18 = arith.constant 0 : index
    %swap3A_19 = arith.constant 0 : index
    %swap3A_20 = vector.load %arg6[%swap3A_18, %swap3A_19] : memref<2000x1xf32, #tpu.memory_space<vmem>>, vector<2000x1xf32>
    tpu.vector_store %arg6[%swap3A_18, %swap3A_19], %rsqrt3A {strides = array<i32>} : memref<2000x1xf32, #tpu.memory_space<vmem>>, vector<2000x1xf32>,
    return
  }
  func.func @transform_0(%arg0: i32) -> (i32, i32) {
    %c0_i32 = arith.constant 0 : i32
    %c0_i32_0 = arith.constant 0 : i32
    return %arg0, %c0_i32 : i32, i32
  }
  func.func @transform_1(%arg0: i32) -> (i32, i32) {
    %c0_i32 = arith.constant 0 : i32
    %c0_i32_0 = arith.constant 0 : i32
    %c0_i32_1 = arith.constant 0 : i32
    return %c0_i32, %c0_i32_0 : i32, i32
  }
  func.func @transform_2(%arg0: i32) -> (i32, i32) {
    %c0_i32 = arith.constant 0 : i32
    %c0_i32_0 = arith.constant 0 : i32
    return %arg0, %c0_i32 : i32, i32
  }
  func.func @transform_3(%arg0: i32) -> (i32, i32) {
    %c0_i32 = arith.constant 0 : i32
    %c0_i32_0 = arith.constant 0 : i32
    return %arg0, %c0_i32 : i32, i32
  }
  func.func @transform_4(%arg0: i32) -> (i32, i32) {
    %c0_i32 = arith.constant 0 : i32
    %c0_i32_0 = arith.constant 0 : i32
    return %arg0, %c0_i32 : i32, i32
  }
  func.func @transform_5(%arg0: i32) -> (i32, i32) {
    %c0_i32 = arith.constant 0 : i32
    %c0_i32_0 = arith.constant 0 : i32
    return %arg0, %c0_i32 : i32, i32
  }
}

module attributes {stable_mosaic.version = 14 : i64} {
  func.func @pool_body(%arg0: i32, %arg1: memref<2x1024x128xf32, #tpu.memory_space<vmem>>, %arg2: memref<1024x128xf32, #tpu.memory_space<vmem>>, %arg3: memref<1024x1xf32, #tpu.memory_space<vmem>>, %arg4: memref<1x128xf32, #tpu.memory_space<vmem>>, %arg5: memref<1024x1xi32, #tpu.memory_space<vmem>>, %arg6: memref<128x128xf32, #tpu.memory_space<vmem>>, %arg7: memref<1x128xf32, #tpu.memory_space<vmem>>, %arg8: memref<64x128xf32, #tpu.memory_space<vmem>>, %arg9: memref<64x128xf32, #tpu.memory_space<vmem>>) attributes {dimension_semantics = [#tpu.dimension_semantics<arbitrary>], iteration_bounds = array<i64: 10>, scalar_prefetch = 0 : i64, scratch_operands = 1 : i64, tpu.core_type = #tpu.core_type<tc>, window_params = [{transform_indices = @transform_0, window_bounds = array<i64: 2, 1024, 128>}, {transform_indices = @transform_1, window_bounds = array<i64: 1024, 128>}, {transform_indices = @transform_2, window_bounds = array<i64: 1024, 1>}, {pipeline_mode = #tpu.pipeline_mode<synchronous>, transform_indices = @transform_3, window_bounds = array<i64: 1, 128>}, {transform_indices = @transform_4, window_bounds = array<i64: 1024, 1>}, {pipeline_mode = #tpu.pipeline_mode<synchronous>, transform_indices = @transform_5, window_bounds = array<i64: 128, 128>}, {pipeline_mode = #tpu.pipeline_mode<synchronous>, transform_indices = @transform_6, window_bounds = array<i64: 1, 128>}, {pipeline_mode = #tpu.pipeline_mode<synchronous>, transform_indices = @transform_7, window_bounds = array<i64: 64, 128>}]} {
    %eq3A = arith.constant 0 : i32
    %eq3A_0 = arith.cmpi eq, %arg0, %eq3A : i32
    %convert_element_type3A = arith.extui %eq3A_0 : i1 to i32
    %cond3A = arith.constant 0 : i32
    %cond3A_1 = arith.cmpi ne, %convert_element_type3A, %cond3A : i32
    scf.if %cond3A_1 {
      %broadcast_in_dim3A = arith.constant 0xFF800000 : f32
      %broadcast_in_dim3A_49 = vector.broadcast %broadcast_in_dim3A : f32 to vector<64x128xf32>
      %swap3A = arith.constant 0 : index
      %swap3A_50 = arith.constant 0 : index
      %swap3A_51 = vector.load %arg9[%swap3A, %swap3A_50] : memref<64x128xf32, #tpu.memory_space<vmem>>, vector<64x128xf32>
      tpu.vector_store %arg9[%swap3A, %swap3A_50], %broadcast_in_dim3A_49 {strides = array<i32>} : memref<64x128xf32, #tpu.memory_space<vmem>>, vector<64x128xf32>,
    } else {
    }
    %get3A = arith.constant 0 : index
    %get3A_2 = arith.constant 0 : index
    %get3A_3 = arith.constant 0 : index
    %get3A_4 = vector.load %arg1[%get3A, %get3A_2, %get3A_3] : memref<2x1024x128xf32, #tpu.memory_space<vmem>>, vector<1x1024x128xf32>
    %get3A_5 = vector.shape_cast %get3A_4 : vector<1x1024x128xf32> to vector<1024x128xf32>
    %get3A_6 = arith.constant 1 : index
    %get3A_7 = arith.constant 0 : index
    %get3A_8 = arith.constant 0 : index
    %get3A_9 = vector.load %arg1[%get3A_6, %get3A_7, %get3A_8] : memref<2x1024x128xf32, #tpu.memory_space<vmem>>, vector<1x1024x128xf32>
    %get3A_10 = vector.shape_cast %get3A_9 : vector<1x1024x128xf32> to vector<1024x128xf32>
    %add3A = arith.addf %get3A_5, %get3A_10 : vector<1024x128xf32>
    %get3A_11 = arith.constant 0 : index
    %get3A_12 = arith.constant 0 : index
    %get3A_13 = vector.load %arg2[%get3A_11, %get3A_12] : memref<1024x128xf32, #tpu.memory_space<vmem>>, vector<1024x128xf32>
    %add3A_14 = arith.addf %add3A, %get3A_13 : vector<1024x128xf32>
    %get3A_15 = arith.constant 0 : index
    %get3A_16 = arith.constant 0 : index
    %get3A_17 = vector.load %arg3[%get3A_15, %get3A_16] : memref<1024x1xf32, #tpu.memory_space<vmem>>, vector<1024x1xf32>
    %mul3A = vector.broadcast %get3A_17 : vector<1024x1xf32> to vector<1024x128xf32>
    %mul3A_18 = arith.mulf %add3A_14, %mul3A : vector<1024x128xf32>
    %get3A_19 = arith.constant 0 : index
    %get3A_20 = arith.constant 0 : index
    %get3A_21 = vector.load %arg4[%get3A_19, %get3A_20] : memref<1x128xf32, #tpu.memory_space<vmem>>, vector<1x128xf32>
    %add3A_22 = vector.broadcast %get3A_21 : vector<1x128xf32> to vector<1024x128xf32>
    %add3A_23 = arith.addf %mul3A_18, %add3A_22 : vector<1024x128xf32>
    %max3A = arith.constant 0.000000e+00 : f32
    %max3A_24 = vector.broadcast %max3A : f32 to vector<1024x128xf32>
    %max3A_25 = arith.maximumf %add3A_23, %max3A_24 : vector<1024x128xf32>
    %get3A_26 = arith.constant 0 : index
    %get3A_27 = arith.constant 0 : index
    %get3A_28 = vector.load %arg5[%get3A_26, %get3A_27] : memref<1024x1xi32, #tpu.memory_space<vmem>>, vector<1024x1xi32>
    %slice3A = vector.extract_strided_slice %get3A_28 {offsets = [0, 0], sizes = [1, 1], strides = [1, 1]} : vector<1024x1xi32> to vector<1x1xi32>
    %squeeze3A = vector.extract %slice3A[0, 0] : i32 from vector<1x1xi32>
    %slice3A_29 = vector.extract_strided_slice %get3A_28 {offsets = [1023, 0], sizes = [1, 1], strides = [1, 1]} : vector<1024x1xi32> to vector<1x1xi32>
    %squeeze3A_30 = vector.extract %slice3A_29[0, 0] : i32 from vector<1x1xi32>
    %min3A = arith.constant 63 : i32
    %min3A_31 = arith.minsi %squeeze3A_30, %min3A : i32
    %add3A_32 = arith.constant 1 : i32
    %add3A_33 = arith.addi %min3A_31, %add3A_32 : i32
    %while3A = arith.constant 0 : i32
    %while3A_34 = arith.subi %add3A_33, %squeeze3A : i32
    %while3A_35 = arith.addi %squeeze3A, %while3A_34 : i32
    %while3A_36 = arith.constant 1 : i32
    %while3A_37 = arith.divsi %while3A_34, %while3A_36 : i32
    %while3A_38 = arith.muli %while3A_37, %while3A_36 : i32
    %while3A_39 = arith.addi %squeeze3A, %while3A_38 : i32
    %while3A_40 = arith.constant 1 : i32
    %while3A_41 = scf.for %while3A_49 = %squeeze3A to %while3A_39 step %while3A_40 iter_args(%while3A_50 = %while3A) -> (i32)  : i32 {
      %eq3A_51 = vector.broadcast %while3A_49 : i32 to vector<1024x1xi32>
      %eq3A_52 = arith.cmpi eq, %get3A_28, %eq3A_51 : vector<1024x1xi32>
      %jit3A = arith.constant 0xFF800000 : f32
      %broadcast_in_dim3A = vector.shape_cast %eq3A_52 : vector<1024x1xi1> to vector<1024x1xi1>
      %broadcast_in_dim3A_53 = vector.broadcast %broadcast_in_dim3A : vector<1024x1xi1> to vector<1024x128xi1>
      %broadcast_in_dim3A_54 = vector.broadcast %jit3A : f32 to vector<1024x128xf32>
      %select_n3A = arith.select %broadcast_in_dim3A_53, %max3A_25, %broadcast_in_dim3A_54 : vector<1024x128xi1>, vector<1024x128xf32>
      %reduce_max3A = arith.constant dense<0xFF800000> : vector<128xf32>
      %reduce_max3A_55 = vector.multi_reduction <maximumf>, %select_n3A, %reduce_max3A [0] : vector<1024x128xf32> to vector<128xf32>
      %broadcast_in_dim3A_56 = vector.shape_cast %reduce_max3A_55 : vector<128xf32> to vector<1x128xf32>
      %get3A_57 = arith.index_cast %while3A_49 : i32 to index
      %get3A_58 = arith.constant 0 : index
      %get3A_59 = vector.load %arg9[%get3A_57, %get3A_58] : memref<64x128xf32, #tpu.memory_space<vmem>>, vector<1x128xf32>
      %max3A_60 = arith.maximumf %get3A_59, %broadcast_in_dim3A_56 : vector<1x128xf32>
      %swap3A = arith.index_cast %while3A_49 : i32 to index
      %swap3A_61 = arith.constant 0 : index
      %swap3A_62 = vector.load %arg9[%swap3A, %swap3A_61] : memref<64x128xf32, #tpu.memory_space<vmem>>, vector<1x128xf32>
      tpu.vector_store %arg9[%swap3A, %swap3A_61], %max3A_60 {strides = array<i32>} : memref<64x128xf32, #tpu.memory_space<vmem>>, vector<1x128xf32>,
      %while3A_63 = arith.constant 0 : i32
      scf.yield %while3A_63 : i32
    }
    %while3A_42 = arith.constant 1 : i32
    %while3A_43 = scf.for %while3A_49 = %while3A_39 to %while3A_35 step %while3A_42 iter_args(%while3A_50 = %while3A_41) -> (i32)  : i32 {
      %eq3A_51 = vector.broadcast %while3A_49 : i32 to vector<1024x1xi32>
      %eq3A_52 = arith.cmpi eq, %get3A_28, %eq3A_51 : vector<1024x1xi32>
      %jit3A = arith.constant 0xFF800000 : f32
      %broadcast_in_dim3A = vector.shape_cast %eq3A_52 : vector<1024x1xi1> to vector<1024x1xi1>
      %broadcast_in_dim3A_53 = vector.broadcast %broadcast_in_dim3A : vector<1024x1xi1> to vector<1024x128xi1>
      %broadcast_in_dim3A_54 = vector.broadcast %jit3A : f32 to vector<1024x128xf32>
      %select_n3A = arith.select %broadcast_in_dim3A_53, %max3A_25, %broadcast_in_dim3A_54 : vector<1024x128xi1>, vector<1024x128xf32>
      %reduce_max3A = arith.constant dense<0xFF800000> : vector<128xf32>
      %reduce_max3A_55 = vector.multi_reduction <maximumf>, %select_n3A, %reduce_max3A [0] : vector<1024x128xf32> to vector<128xf32>
      %broadcast_in_dim3A_56 = vector.shape_cast %reduce_max3A_55 : vector<128xf32> to vector<1x128xf32>
      %get3A_57 = arith.index_cast %while3A_49 : i32 to index
      %get3A_58 = arith.constant 0 : index
      %get3A_59 = vector.load %arg9[%get3A_57, %get3A_58] : memref<64x128xf32, #tpu.memory_space<vmem>>, vector<1x128xf32>
      %max3A_60 = arith.maximumf %get3A_59, %broadcast_in_dim3A_56 : vector<1x128xf32>
      %swap3A = arith.index_cast %while3A_49 : i32 to index
      %swap3A_61 = arith.constant 0 : index
      %swap3A_62 = vector.load %arg9[%swap3A, %swap3A_61] : memref<64x128xf32, #tpu.memory_space<vmem>>, vector<1x128xf32>
      tpu.vector_store %arg9[%swap3A, %swap3A_61], %max3A_60 {strides = array<i32>} : memref<64x128xf32, #tpu.memory_space<vmem>>, vector<1x128xf32>,
      %while3A_63 = arith.constant 0 : i32
      scf.yield %while3A_63 : i32
    }
    %eq3A_44 = arith.constant 9 : i32
    %eq3A_45 = arith.cmpi eq, %arg0, %eq3A_44 : i32
    %convert_element_type3A_46 = arith.extui %eq3A_45 : i1 to i32
    %cond3A_47 = arith.constant 0 : i32
    %cond3A_48 = arith.cmpi ne, %convert_element_type3A_46, %cond3A_47 : i32
    scf.if %cond3A_48 {
      %get3A_49 = arith.constant 0 : index
      %get3A_50 = arith.constant 0 : index
      %get3A_51 = vector.load %arg9[%get3A_49, %get3A_50] : memref<64x128xf32, #tpu.memory_space<vmem>>, vector<64x128xf32>
      %get3A_52 = arith.constant 0 : index
      %get3A_53 = arith.constant 0 : index
      %get3A_54 = vector.load %arg6[%get3A_52, %get3A_53] : memref<128x128xf32, #tpu.memory_space<vmem>>, vector<128x128xf32>
      %dot_general3A = arith.constant dense<0.000000e+00> : vector<64x128xf32>
      %dot_general3A_55 = tpu.matmul %get3A_51, %get3A_54, %dot_general3A {dimension_numbers = #tpu.dot_dimension_numbers<[1], [0], [0], [1], [0, 0, 1, 1], [], []>, transpose_lhs_hint = false} : vector<64x128xf32>, vector<128x128xf32>, vector<64x128xf32> -> vector<64x128xf32>
      %get3A_56 = arith.constant 0 : index
      %get3A_57 = arith.constant 0 : index
      %get3A_58 = vector.load %arg7[%get3A_56, %get3A_57] : memref<1x128xf32, #tpu.memory_space<vmem>>, vector<1x128xf32>
      %add3A_59 = vector.broadcast %get3A_58 : vector<1x128xf32> to vector<64x128xf32>
      %add3A_60 = arith.addf %dot_general3A_55, %add3A_59 : vector<64x128xf32>
      %iota3A = tpu.iota {dimensions = array<i32: 1>} : vector<64x128xi32>
      %lt3A = arith.constant 2 : i32
      %lt3A_61 = vector.broadcast %lt3A : i32 to vector<64x128xi32>
      %lt3A_62 = arith.cmpi slt, %iota3A, %lt3A_61 : vector<64x128xi32>
      %jit3A = arith.constant 0xFF800000 : f32
      %broadcast_in_dim3A = vector.broadcast %jit3A : f32 to vector<64x128xf32>
      %select_n3A = arith.select %lt3A_62, %add3A_60, %broadcast_in_dim3A : vector<64x128xi1>, vector<64x128xf32>
      %reduce_max3A = arith.constant dense<0xFF800000> : vector<64xf32>
      %reduce_max3A_63 = vector.multi_reduction <maximumf>, %select_n3A, %reduce_max3A [1] : vector<64x128xf32> to vector<64xf32>
      %broadcast_in_dim3A_64 = vector.shape_cast %reduce_max3A_63 : vector<64xf32> to vector<64x1xf32>
      %sub3A = vector.broadcast %broadcast_in_dim3A_64 : vector<64x1xf32> to vector<64x128xf32>
      %sub3A_65 = arith.subf %select_n3A, %sub3A : vector<64x128xf32>
      %exp3A = math.exp %sub3A_65 : vector<64x128xf32>
      %jit3A_66 = arith.constant 0.000000e+00 : f32
      %broadcast_in_dim3A_67 = vector.broadcast %jit3A_66 : f32 to vector<64x128xf32>
      %select_n3A_68 = arith.select %lt3A_62, %exp3A, %broadcast_in_dim3A_67 : vector<64x128xi1>, vector<64x128xf32>
      %reduce_sum3A = arith.constant dense<0.000000e+00> : vector<64xf32>
      %reduce_sum3A_69 = vector.multi_reduction <add>, %select_n3A_68, %reduce_sum3A [1] : vector<64x128xf32> to vector<64xf32>
      %broadcast_in_dim3A_70 = vector.shape_cast %reduce_sum3A_69 : vector<64xf32> to vector<64x1xf32>
      %sub3A_71 = vector.broadcast %broadcast_in_dim3A_64 : vector<64x1xf32> to vector<64x128xf32>
      %sub3A_72 = arith.subf %select_n3A, %sub3A_71 : vector<64x128xf32>
      %log3A = math.log %broadcast_in_dim3A_70 : vector<64x1xf32>
      %sub3A_73 = vector.broadcast %log3A : vector<64x1xf32> to vector<64x128xf32>
      %sub3A_74 = arith.subf %sub3A_72, %sub3A_73 : vector<64x128xf32>
      %swap3A = arith.constant 0 : index
      %swap3A_75 = arith.constant 0 : index
      %swap3A_76 = vector.load %arg8[%swap3A, %swap3A_75] : memref<64x128xf32, #tpu.memory_space<vmem>>, vector<64x128xf32>
      tpu.vector_store %arg8[%swap3A, %swap3A_75], %sub3A_74 {strides = array<i32>} : memref<64x128xf32, #tpu.memory_space<vmem>>, vector<64x128xf32>,
    } else {
    }
    return
  }
  func.func @transform_0(%arg0: i32) -> (i32, i32, i32) {
    %c0_i32 = arith.constant 0 : i32
    %c0_i32_0 = arith.constant 0 : i32
    %c0_i32_1 = arith.constant 0 : i32
    return %c0_i32, %arg0, %c0_i32_0 : i32, i32, i32
  }
  func.func @transform_1(%arg0: i32) -> (i32, i32) {
    %c0_i32 = arith.constant 0 : i32
    %c0_i32_0 = arith.constant 0 : i32
    return %arg0, %c0_i32 : i32, i32
  }
  func.func @transform_2(%arg0: i32) -> (i32, i32) {
    %c0_i32 = arith.constant 0 : i32
    %c0_i32_0 = arith.constant 0 : i32
    return %arg0, %c0_i32 : i32, i32
  }
  func.func @transform_3(%arg0: i32) -> (i32, i32) {
    %c0_i32 = arith.constant 0 : i32
    %c0_i32_0 = arith.constant 0 : i32
    %c0_i32_1 = arith.constant 0 : i32
    return %c0_i32, %c0_i32_0 : i32, i32
  }
  func.func @transform_4(%arg0: i32) -> (i32, i32) {
    %c0_i32 = arith.constant 0 : i32
    %c0_i32_0 = arith.constant 0 : i32
    return %arg0, %c0_i32 : i32, i32
  }
  func.func @transform_5(%arg0: i32) -> (i32, i32) {
    %c0_i32 = arith.constant 0 : i32
    %c0_i32_0 = arith.constant 0 : i32
    %c0_i32_1 = arith.constant 0 : i32
    return %c0_i32, %c0_i32_0 : i32, i32
  }
  func.func @transform_6(%arg0: i32) -> (i32, i32) {
    %c0_i32 = arith.constant 0 : i32
    %c0_i32_0 = arith.constant 0 : i32
    %c0_i32_1 = arith.constant 0 : i32
    return %c0_i32, %c0_i32_0 : i32, i32
  }
  func.func @transform_7(%arg0: i32) -> (i32, i32) {
    %c0_i32 = arith.constant 0 : i32
    %c0_i32_0 = arith.constant 0 : i32
    %c0_i32_1 = arith.constant 0 : i32
    return %c0_i32, %c0_i32_0 : i32, i32
  }
}

</mosaic_0001>

<sc_bundles>
// kernel: kernel.6.cloned.1.call-start
scs
__scs_entry_jumppad:
0x0: {  	(pc) =	sbr.rel $0x88, $3  }
0x1: {  	(tag) =	ssettag $0x0;
	lr =	simm.s32 $0x1  }
0x2: {  	[smem:$0x3F9A] =	sst lr;
	_ =	strace $0xD0000000  }
0x3: {  	_ = 	snop  }
0x4: {  	_ = 	snop  }
0x5: {  	_ = 	snop  }
0x6: {  	_ = 	snop  }
0x7: {  	_ = 	snop  }
__scs_overlays_trampoline_lowered:
0x8: {  	[smem:$0x3FA9] =	sst s0  }
0x9: {  	[smem:$0x3FAA] =	sst s1  }
0xa: {  	[smem:$0x3FAB] =	sst s2  }
0xb: {  	[smem:$0x3FAC] =	sst s3  }
0xc: {  	[smem:$0x3FAD] =	sst s4  }
0xd: {  	[smem:$0x3FAE] =	sst s5  }
0xe: {  	[smem:$0x3FAF] =	sst s6  }
0xf: {  	[smem:$0x3FB0] =	sst s7  }
0x10: {  	[smem:$0x3FB1] =	sst s8  }
0x11: {  	[smem:$0x3FB2] =	sst s9;
	s0 =	simm.s32 @!p0 $0x0  }
0x12: {  	s1 =	sld [smem:$0x3F98];
	s0 =	simm.s32 @p0 $0x1  }
0x13: {  	[smem:$0x3FB3] =	sst s0;
	s0 =	simm.s32 @!p1 $0x0  }
0x14: {  	s2 =	sld [smem:$0x3F97];
	s0 =	simm.s32 @p1 $0x1  }
0x15: {  	[smem:$0x3FB4] =	sst s0;
	s0 =	simm.s32 @!p2 $0x0  }
0x16: {  	s3 =	sld [smem:$0x3FDB];
	s0 =	simm.s32 @p2 $0x1  }
0x17: {  	s4 =	simm.s32 $0x1BF5;
	[smem:$0x3FB6] =	sst s0  }
0x18: {  	s0 =	sld [smem:$0x3F99];
	_ =	swait.ge [sflag:s4], $0x0  }
0x19: {  	s7 =	sld [smem:$0x3F9A]  }
0x1a: {  	s8 =	sadd.s32 $0xFFFFE003, lr  }
0x1b: {  	s9 =	sadd.s32 $0xFFFFFEF7, lr;
	s5 =	simm.s32 $0xFFFFFFFF;
	p2 =	slt.u32 s8, $0xFFFFF086  }
0x1c: {  	p1 =	slt.u32 s9, $0xF7A;
	s5 =	simm.s32 @!p2 $0x0  }
0x1d: {  	s5 =	simm.s32 @p1 $0x1;
	p0 =	seq.s32 s7, s2  }
0x1e: {  	s7 =	smul.u32 @!p0 $0xF7A, s2;
	p2 =	seq.s32 @!p0 s5, $0x0  }
0x1f: {  	s9 =	smul.u32 $0xF7A, s1;
	s8 =	simm.s32 @!p0 $0x1BF5;
	p2 =	por !p2, p0  }
0x20: {  	[sflag:s8] =	ssyncset.s32 @!p0 $0xFFFFF086;
	s6 =	sadd.s32 @!p0 s3, s7;
	s7 =	simm.s32 @!p0 $0x108  }
0x21: {  	s3 =	sadd.s32 s3, s9;
	s6 =	sadd.s32 @!p0 $0x88, s6;
	s7 =	simm.s32 @p2 $0x1082  }
0x22: {  	[simem:s7], [sflag:s8] =	dma.local @!p0 [hbm:s6], $0xF7A  }
0x23: {  	s9 =	sor.u32 $0xD0000000, s2;
	s6 =	simm.s32 $0x108;
	_ =	swait.ge @!p0 [sflag:s8], $0x0  }
0x24: {  	s3 =	sadd.s32 $0x88, s3;
	s6 =	simm.s32 @!p1 $0x1082;
	[sflag:s4] =	ssyncset.s32 $0xFFFFF086  }
0x25: {  	[simem:s6], [sflag:s4] =	dma.local [hbm:s3], $0xF7A  }
0x26: {  	[smem:$0x3F9A] =	sst s1;
	(tag) =	ssettag s2;
	_ =	strace s9  }
0x27: {  	s1 =	sld [smem:$0x3FAA]  }
0x28: {  	s2 =	sld [smem:$0x3FAB]  }
0x29: {  	s4 =	sld [smem:$0x3FAD]  }
0x2a: {  	p0 =	seq.s32 s5, $0x0;
	s5 =	sld [smem:$0x3FAE]  }
0x2b: {  	s6 =	sld [smem:$0x3FAF]  }
0x2c: {  	s7 =	sld [smem:$0x3FB0]  }
0x2d: {  	s3 =	simm.s32 $0x108;
	s8 =	sld [smem:$0x3FB1]  }
0x2e: {  	s3 =	simm.s32 @!p0 $0x1082;
	s9 =	sld [smem:$0x3FB2]  }
0x2f: {  	lr =	sadd.s32 s0, s3;
	s0 =	sld [smem:$0x3FA9]  }
0x30: {  	s3 =	sld [smem:$0x3FAC]  }
0x31: {  	[smem:$0x3FB5] =	sst s10  }
0x32: {  	s10 =	sld [smem:$0x3FB3];
	_ =	sdelay $0x3  }
0x33: {  	p0 =	seq.s32 s10, $0x1;
	s10 =	sld [smem:$0x3FB5];
	_ =	sdelay $0x3  }
0x34: {  	[smem:$0x3FB5] =	sst s10  }
0x35: {  	s10 =	sld [smem:$0x3FB4];
	_ =	sdelay $0x3  }
0x36: {  	p1 =	seq.s32 s10, $0x1;
	s10 =	sld [smem:$0x3FB5];
	_ =	sdelay $0x3  }
0x37: {  	[smem:$0x3FB5] =	sst s10  }
0x38: {  	s10 =	sld [smem:$0x3FB6]  }
0x39: {  	_ = 	snop;
	(pc) =	sbr.ind lr, $3  }
0x3a: {  	_ = 	snop  }
0x3b: {  	_ = 	snop  }
0x3c: {  	p2 =	seq.s32 s10, $0x1;
	s10 =	sld [smem:$0x3FB5]  }
0x3d: {  	_ =	shalt  }
0x3e: {  	_ =	shalt  }
0x3f: {  	_ =	shalt  }
0x40: {  	_ =	shalt  }
0x41: {  	_ =	shalt  }
0x42: {  	_ =	shalt  }
0x43: {  	_ =	shalt  }
0x44: {  	_ =	shalt  }
0x45: {  	_ =	shalt  }
0x46: {  	_ =	shalt  }
0x47: {  	_ =	shalt  }
0x48: {  	_ =	shalt  }
0x49: {  	_ =	shalt  }
0x4a: {  	_ =	shalt  }
0x4b: {  	_ =	shalt  }
0x4c: {  	_ =	shalt  }
0x4d: {  	_ =	shalt  }
0x4e: {  	_ =	shalt  }
0x4f: {  	_ =	shalt  }
0x50: {  	_ =	shalt  }
0x51: {  	_ =	shalt  }
0x52: {  	_ =	shalt  }
0x53: {  	_ =	shalt  }
0x54: {  	_ =	shalt  }
0x55: {  	_ =	shalt  }
0x56: {  	_ =	shalt  }
0x57: {  	_ =	shalt  }
0x58: {  	_ =	shalt  }
0x59: {  	_ =	shalt  }
0x5a: {  	_ =	shalt  }
0x5b: {  	_ =	shalt  }
0x5c: {  	_ =	shalt  }
0x5d: {  	_ =	shalt  }
0x5e: {  	_ =	shalt  }
0x5f: {  	_ =	shalt  }
0x60: {  	_ =	shalt  }
0x61: {  	_ =	shalt  }
0x62: {  	_ =	shalt  }
0x63: {  	_ =	shalt  }
0x64: {  	_ =	shalt  }
0x65: {  	_ =	shalt  }
0x66: {  	_ =	shalt  }
0x67: {  	_ =	shalt  }
0x68: {  	_ =	shalt  }
0x69: {  	_ =	shalt  }
0x6a: {  	_ =	shalt  }
0x6b: {  	_ =	shalt  }
0x6c: {  	_ =	shalt  }
0x6d: {  	_ =	shalt  }
0x6e: {  	_ =	shalt  }
0x6f: {  	_ =	shalt  }
0x70: {  	_ =	shalt  }
0x71: {  	_ =	shalt  }
0x72: {  	_ =	shalt  }
0x73: {  	_ =	shalt  }
0x74: {  	_ =	shalt  }
0x75: {  	_ =	shalt  }
0x76: {  	_ =	shalt  }
0x77: {  	_ =	shalt  }
0x78: {  	_ =	shalt  }
0x79: {  	_ =	shalt  }
0x7a: {  	_ =	shalt  }
0x7b: {  	_ =	shalt  }
0x7c: {  	_ =	shalt  }
0x7d: {  	_ =	shalt  }
0x7e: {  	_ =	shalt  }
0x7f: {  	_ =	shalt  }
0x80: {  	_ =	shalt  }
0x81: {  	_ =	shalt  }
0x82: {  	_ =	shalt  }
0x83: {  	_ =	shalt  }
0x84: {  	_ =	shalt  }
0x85: {  	_ =	shalt  }
0x86: {  	_ =	shalt  }
0x87: {  	_ =	shalt  }
.Lfunc_end0:
.L_simem_size_0:
called_computation_lowered:
.L_overlay_start_0:
0x88: {  	s2 =	sld [smem:$0x3FD9]  }
0x89: {  	s3 =	sld [smem:$0x3FFE];
	_ =	sdelay $0x1  }
0x8a: {  	s1 =	srdreg.scid  }
0x8b: {  	s0 =	sand.u32 $0x1, s1  }
0x8c: {  	s16 =	sshll.u32 s0, $0xA;
	s2 =	sadd.s32 s3, s2  }
0x8d: {  	s2 =	sadd.s32 s2, s16  }
0x8e: {  	[smem:$0x3FC1] =	sst s2  }
0x8f: {  	_ = 	snop  }
0x90: {  	(tm) =	ssettm $0x1  }
0x91: {  	s17 =	sld [smem:$0x3FFB];
	_ =	sdelay $0x3  }
0x92: {  	_ =	strace s17  }
0x93: {  	s2 =	sld [smem:$0x3FFC];
	_ =	sdelay $0x3  }
0x94: {  	_ =	strace s2  }
0x95: {  	s2 =	sld [smem:$0x3FFD];
	_ =	sdelay $0x3  }
0x96: {  	_ =	strace s2  }
0x97: {  	_ =	strace $0x8FFFFFFF  }
0x98: {  	s18 =	sld [smem:$0x3FDB];
	_ =	sdelay $0x1  }
0x99: {  	s19 =	simm.s32 $_scs_section_size  }
0x9a: {  	s4 =	simm.s32 $_size__tile_overlayer_lowered;
	s5 =	simm.s32 $_tile_overlayer_lowered  }
0x9b: {  	s22 =	simm.s32 $0x1BFF;
	s21 =	sshll.u32 s5, $0x1;
	s2 =	sadd.s32 s19, s18  }
0x9c: {  	s6 =	simm.s32 $0x0;
	s20 =	sshll.u32 s4, $0x1;
	s4 =	sadd.s32 s21, s2  }
0x9d: {  	[timem:s6], [sflag:s22] =	dma.local [hbm:s4], s20  }
0x9e: {  	_ =	swait.ge [sflag:s22], s20  }
0x9f: {  	s3 =	ssub.s32 $0x0, s20;
	[sflag:s22] =	ssyncset.done $0x0  }
0xa0: {  	[sflag:s22] =	ssyncadd.s32 s3;
	_ =	sdelay $0x1  }
0xa1: {  	s23 =	simm.s32 $0x1B8B  }
0xa2: {  	_ =	swait.ge [sflag:s23], $0x1  }
0xa3: {  	[sflag:s23] =	ssyncset.done $0x0  }
0xa4: {  	s25 =	simm.s32 $0x1B8E;
	s24 =	sld [smem:$0x3FFE];
	[sflag:s23] =	ssyncadd.s32 $0xFFFFFFFF  }
0xa5: {  	s26 =	simm.s32 $execute0_lowered;
	[smem:$0x3FD2] =	sst s25  }
0xa6: {  	s4 =	sshll.u32 s26, $0x1;
	_ =	strace $0x80000046;
	[dreg:$0x1] =	wrdreg $0xFFFFFFFF  }
0xa7: {  	s28 =	simm.s32 $_size_execute0_lowered;
	s2 =	sadd.s32 s2, s4;
	[dreg:$0x0] =	wrdreg $0x0  }
0xa8: {  	s4 =	sshll.u32 s28, $0x1;
	[dreg:$0x2] =	wrdreg s2  }
0xa9: {  	[dreg:$0x3] =	wrdreg s4  }
0xaa: {  	[dreg:$0x4] =	wrdreg $0xC0  }
0xab: {  	_ =	task [dreg:s6], $0x5FFFF  }
0xac: {  	[dreg:$0x1] =	wrdreg $0xFFFFFFFF  }
0xad: {  	[dreg:$0x0] =	wrdreg $0x60  }
0xae: {  	[dreg:$0x2] =	wrdreg s24  }
0xaf: {  	[dreg:$0x3] =	wrdreg $0x2B000  }
0xb0: {  	[dreg:$0x4] =	wrdreg $0x9  }
0xb1: {  	_ =	task.clear_ibuf [dreg:s6], $0x5FFFF;
	_ =	strace $0x90000046  }
0xb2: {  	s29 =	simm.s32 $0x9;
	_ =	strace $0x80000048  }
0xb3: {  	_ =	swait.ge [sflag:s29], $0x1  }
0xb4: {  	[sflag:s29] =	ssyncadd.s32 $0xFFFFFFFF  }
0xb5: {  	_ =	strace $0x90000048  }
0xb6: {  	_ =	sfence  }
0xb7: {  	s30 =	sld [smem:$0x0];
	_ =	sdelay $0x2  }
0xb8: {  	s31 =	sshll.u32 s1, $0xD;
	s1 =	sshrl.u32 s1, $0x2  }
0xb9: {  	s3 =	sand.u32 $0x4000, s31;
	s1 =	sadd.s32 s1, s30  }
0xba: {  	s0 =	sor.u32 s3, s0;
	s1 =	sshll.u32 s1, $0x11  }
0xbb: {  	s0 =	sor.u32 s1, s0  }
0xbc: {  	s0 =	sadd.s32 $0x8F2B, s0  }
0xbd: {  	[sflag:s0] =	ssyncadd.remote.s32 $0x1  }
0xbe: {  	_ =	sfence.sel $0xFFFF  }
0xbf: {  	[dreg:$0x0] =	wrdreg $0xFFFFFFFF;
	(pc) =	sbr.abs _section_cstart, $3  }
0xc0: {  	[dreg:$0x1] =	wrdreg $0xFFFFFFFF  }
0xc1: {  	_ =	task.clear_ibuf [dreg:s6], $0x2FFFF;
	_ =	strace $0x9FFFFFFF  }
0xc2: {  	(tm) =	ssettm $0x7FFFFFFF  }
0xc3: {  	_ =	shalt  }
tec
execute0_lowered:
.L_overlay_start_1:
0x0: {  	(tag) =	ssettag $0x1  }
0x1: {  	s0 =	srdreg.scid;
	s7 =	rddreg [dreg:$0x0]  }
0x2: {  	s2 =	rddreg [dreg:$0x1];
	s1 =	stileid.u32  }
0x3: {  	s3 =	simm.s32 $0x0;
	s10 =	simm.s32 $0x80;
	s11 =	simm.s32 $0x2800  }
0x4: {  	s14 =	simm.s32 $0x0;
	s4 =	sand.u32 $0x1, s0;
	s0 =	rddreg [dreg:$0x2]  }
0x5: {  	[smem:$0x7FF] =	sst s3;
	s9 =	smul.u32 $0x280, s1;
	s12 =	sshll.u32 s1, $0x6  }
0x6: {  	s5 =	sshll.u32 s4, $0x4;
	_ =	strace $0x80000047;
	s6 =	ssub.s32 $0x2, s4  }
0x7: {  	p0 =	seq.s32 s4, $0x1;
	s5 =	sor.u32 s1, s5;
	s8 =	sshrl.u32 s6, $0x1  }
0x8: {  	s5 =	smul.u32 $0x500, s5;
	s6 =	ssub.s32 s6, s8;
	s8 =	simm.s32 $0xC000  }
0x9: {  	s12 =	sor.u32 $0x1C01, s12;
	s8 =	simm.s32 @!p0 $0xC600;
	s6 =	smax.u32 s6, $0x1  }
0xa: {  	s5 =	sadd.s32 s5, s7;
	s7 =	sadd.s32 s8, s7;
	s8 =	simm.s32 $0x1  }
0xb: {  	s4 =	sadd.s32 $0x2000, s5;
	s5 =	sadd.s32 s9, s2;
	s9 =	sshrl.u32 s9, $0x3  }
0xc: {  	v0 =	vimm.f32 $1.000000000e+00;
	v1 =	vimm.f32 $0.0e+00;
	s7 =	sadd.s32 s7, s9;
	s9 =	simm.s32 $0x2880;
	s13 =	sshrl.u32 s5, $0x3  }
.LBB2_1:
0xd: {  	[tilespmem:s3], [sflag:$0x1] =	stream.linear.gather [hbm4b:s4+s3], $0x2800, $0x38;
	[tilespmem:$0x2D80] =	vst v63  }
0xe: {  	_ =	swait.ge [sflag:s8], $0x2800  }
0xf: {  	[sflag:s8] =	ssyncset.done $0x0  }
0x10: {  	[sflag:s8] =	ssyncadd.s32 $0xFFFFD800  }
0x11: {  	[tilespmem:$0x2800] =	vst v0  }
0x12: {  	[tilespmem:$0x2810] =	vst v0  }
0x13: {  	[tilespmem:$0x2820] =	vst v0  }
0x14: {  	[tilespmem:$0x2830] =	vst v0  }
0x15: {  	[tilespmem:$0x2840] =	vst v0  }
0x16: {  	[tilespmem:$0x2850] =	vst v0  }
0x17: {  	[tilespmem:$0x2860] =	vst v0  }
0x18: {  	[tilespmem:$0x2870] =	vst v0  }
0x19: {  	[tilespmem:$0x2880] =	vst v1  }
0x1a: {  	[tilespmem:$0x2890] =	vst v1  }
0x1b: {  	[tilespmem:$0x28A0] =	vst v1  }
0x1c: {  	[tilespmem:$0x28B0] =	vst v1  }
0x1d: {  	[tilespmem:$0x28C0] =	vst v1  }
0x1e: {  	[tilespmem:$0x28D0] =	vst v1  }
0x1f: {  	[tilespmem:$0x28E0] =	vst v1  }
0x20: {  	[tilespmem:$0x28F0] =	vst v1  }
0x21: {  	[tilespmem:$0x2900] =	vst v1  }
0x22: {  	[tilespmem:$0x2910] =	vst v1  }
0x23: {  	[tilespmem:$0x2920] =	vst v1  }
0x24: {  	[tilespmem:$0x2930] =	vst v1  }
0x25: {  	[tilespmem:$0x2940] =	vst v1  }
0x26: {  	[tilespmem:$0x2950] =	vst v1  }
0x27: {  	[tilespmem:$0x2960] =	vst v1  }
0x28: {  	[tilespmem:$0x2970] =	vst v1  }
0x29: {  	[tilespmem:$0x2980] =	vst v1  }
0x2a: {  	[tilespmem:$0x2990] =	vst v1  }
0x2b: {  	[tilespmem:$0x29A0] =	vst v1  }
0x2c: {  	[tilespmem:$0x29B0] =	vst v1  }
0x2d: {  	[tilespmem:$0x29C0] =	vst v1  }
0x2e: {  	[tilespmem:$0x29D0] =	vst v1  }
0x2f: {  	[tilespmem:$0x29E0] =	vst v1  }
0x30: {  	[tilespmem:$0x29F0] =	vst v1  }
0x31: {  	[tilespmem:$0x2A00] =	vst v1  }
0x32: {  	[tilespmem:$0x2A10] =	vst v1  }
0x33: {  	[tilespmem:$0x2A20] =	vst v1  }
0x34: {  	[tilespmem:$0x2A30] =	vst v1  }
0x35: {  	[tilespmem:$0x2A40] =	vst v1  }
0x36: {  	[tilespmem:$0x2A50] =	vst v1  }
0x37: {  	[tilespmem:$0x2A60] =	vst v1  }
0x38: {  	[tilespmem:$0x2A70] =	vst v1  }
0x39: {  	[tilespmem:$0x2A80] =	vst v1  }
0x3a: {  	[tilespmem:$0x2A90] =	vst v1  }
0x3b: {  	[tilespmem:$0x2AA0] =	vst v1  }
0x3c: {  	[tilespmem:$0x2AB0] =	vst v1  }
0x3d: {  	[tilespmem:$0x2AC0] =	vst v1  }
0x3e: {  	[tilespmem:$0x2AD0] =	vst v1  }
0x3f: {  	[tilespmem:$0x2AE0] =	vst v1  }
0x40: {  	[tilespmem:$0x2AF0] =	vst v1  }
0x41: {  	[spmem:s5] =	stream.linear.scatter [tilespmem:s9], [sflag:$0x1], $0x280, $0x38;
	[tilespmem:$0x2D80] =	vst v63  }
0x42: {  	_ =	swait.ge [sflag:s8], $0x280  }
0x43: {  	[sflag:s8] =	ssyncset.done $0x0  }
0x44: {  	[sflag:s8] =	ssyncadd.s32 $0xFFFFFD80  }
0x45: {  	s15 =	simm.s32 $0x0;
	[bflag:$0x0] =	sbarrier.arrive $0xFFFF  }
0x46: {  	[spmem:s2] =	stream.indirect.scatter.add.f32 [tilespmem:s11], [sflag:$0x1], $0x1, s15, s10, $0xb8;
	[tilespmem:$0x2D80] =	vst v63  }
0x47: {  	_ =	swait.ge [sflag:s8], $0x80  }
0x48: {  	s15 =	simm.s32 $0x200;
	[sflag:s8] =	ssyncset.done $0x0  }
.LBB2_2:
0x49: {  	s16 =	sshra.s32 s15, $0x2;
	[sflag:s8] =	ssyncadd.s32 $0xFFFFFF80;
	p0 =	sne.s32 s15, $0x9E00  }
0x4a: {  	[spmem:s2] =	stream.indirect.scatter.add.f32 [tilespmem:s11], [sflag:$0x1], $0x1, s16, s10, $0xb8;
	[tilespmem:$0x2D80] =	vst v63  }
.Ltmp0:
0x4b: {  	_ = 	snop;
	(pc) =	sbr.rel @p0 .LBB2_2-.Ltmp0, $4  }
0x4c: {  	_ = 	snop  }
0x4d: {  	s15 =	sadd.s32 $0x200, s15  }
0x4e: {  	_ =	swait.ge [sflag:s8], $0x80  }
0x4f: {  	[sflag:s8] =	ssyncset.done $0x0  }
0x50: {  	s14 =	sadd.s32 $0x1, s14  }
0x51: {  	[sflag:s8] =	ssyncadd.s32 $0xFFFFFF80;
	p0 =	sne.s32 s14, s6  }
.Ltmp1:
0x52: {  	[bflag:$0x0] =	sbarrier.arrive $0xFFFF;
	(pc) =	sbr.rel @p0 .LBB2_1-.Ltmp1, $4  }
0x53: {  	[hbm:s7], [sflag:s12] =	dma.local [spmem:s13], $0x50  }
0x54: {  	_ =	swait.ge [sflag:s8], $0x50  }
0x55: {  	[sflag:s8] =	ssyncset.done $0x0  }
0x56: {  	[sflag:s8] =	ssyncadd.s32 $0xFFFFFFB0  }
0x57: {  	_ =	sfence.sel $0x180000  }
0x58: {  	[bflag:$0x0] =	sbarrier.arrive $0xFFFF  }
0x59: {  	p0 =	sne.s32 s1, $0x0;
	_ =	strace $0x90000047  }
0x5a: {  	s0 =	sadd.s32 @!p0 $0x100000, s0;
	[bflag:$0x2] =	sbarrier.arrive $0xFFFF  }
0x5b: {  	[sflag:s0] =	ssyncadd.tile.s32 @!p0 $0x1;
	_ =	shalt  }
.Lfunc_end2:
_tile_overlayer_lowered:
.L_overlay_start_2:
0x5c: {  	(tag) =	ssettag $0x2  }
0x5d: {  	s0 =	rddreg [dreg:$0x0];
	s2 =	stileid.u32  }
0x5e: {  	s1 =	rddreg [dreg:$0x1];
	p0 =	sne.s32 s2, $0x0  }
0x5f: {  	s3 =	rddreg [dreg:$0x2];
	[bflag:$0x3] =	sbarrier.arrive $0xFFFF;
	s2 =	simm.s32 @!p0 $0x1C01  }
0x60: {  	[timem:s3], [sflag:s2] =	dma.local @!p0 [hbm:s0], s1  }
0x61: {  	s0 =	simm.s32 @!p0 $0x1  }
0x62: {  	_ =	swait.ge @!p0 [sflag:s0], s1  }
0x63: {  	s1 =	ssub.s32 @!p0 $0x0, s1;
	[sflag:s0] =	ssyncset.done @!p0 $0x0  }
0x64: {  	[sflag:s0] =	ssyncadd.s32 @!p0 s1  }
0x65: {  	[bflag:$0x3] =	sbarrier.arrive $0xFFFF  }
0x66: {  	_ =	shalt  }

// kernel: kernel.9.cloned.1.call-start
scs
__scs_entry_jumppad:
0x0: {  	(pc) =	sbr.rel $0x88, $3  }
0x1: {  	(tag) =	ssettag $0x0;
	lr =	simm.s32 $0x1  }
0x2: {  	[smem:$0x3F9A] =	sst lr;
	_ =	strace $0xD0000000  }
0x3: {  	_ = 	snop  }
0x4: {  	_ = 	snop  }
0x5: {  	_ = 	snop  }
0x6: {  	_ = 	snop  }
0x7: {  	_ = 	snop  }
__scs_overlays_trampoline_lowered:
0x8: {  	[smem:$0x3FA9] =	sst s0  }
0x9: {  	[smem:$0x3FAA] =	sst s1  }
0xa: {  	[smem:$0x3FAB] =	sst s2  }
0xb: {  	[smem:$0x3FAC] =	sst s3  }
0xc: {  	[smem:$0x3FAD] =	sst s4  }
0xd: {  	[smem:$0x3FAE] =	sst s5  }
0xe: {  	[smem:$0x3FAF] =	sst s6  }
0xf: {  	[smem:$0x3FB0] =	sst s7  }
0x10: {  	[smem:$0x3FB1] =	sst s8  }
0x11: {  	[smem:$0x3FB2] =	sst s9;
	s0 =	simm.s32 @!p0 $0x0  }
0x12: {  	s1 =	sld [smem:$0x3F98];
	s0 =	simm.s32 @p0 $0x1  }
0x13: {  	[smem:$0x3FB3] =	sst s0;
	s0 =	simm.s32 @!p1 $0x0  }
0x14: {  	s2 =	sld [smem:$0x3F97];
	s0 =	simm.s32 @p1 $0x1  }
0x15: {  	[smem:$0x3FB4] =	sst s0;
	s0 =	simm.s32 @!p2 $0x0  }
0x16: {  	s3 =	sld [smem:$0x3FDB];
	s0 =	simm.s32 @p2 $0x1  }
0x17: {  	s4 =	simm.s32 $0x1BF5;
	[smem:$0x3FB6] =	sst s0  }
0x18: {  	s0 =	sld [smem:$0x3F99];
	_ =	swait.ge [sflag:s4], $0x0  }
0x19: {  	s7 =	sld [smem:$0x3F9A]  }
0x1a: {  	s8 =	sadd.s32 $0xFFFFE003, lr  }
0x1b: {  	s9 =	sadd.s32 $0xFFFFFEF7, lr;
	s5 =	simm.s32 $0xFFFFFFFF;
	p2 =	slt.u32 s8, $0xFFFFF086  }
0x1c: {  	p1 =	slt.u32 s9, $0xF7A;
	s5 =	simm.s32 @!p2 $0x0  }
0x1d: {  	s5 =	simm.s32 @p1 $0x1;
	p0 =	seq.s32 s7, s2  }
0x1e: {  	s7 =	smul.u32 @!p0 $0xF7A, s2;
	p2 =	seq.s32 @!p0 s5, $0x0  }
0x1f: {  	s9 =	smul.u32 $0xF7A, s1;
	s8 =	simm.s32 @!p0 $0x1BF5;
	p2 =	por !p2, p0  }
0x20: {  	[sflag:s8] =	ssyncset.s32 @!p0 $0xFFFFF086;
	s6 =	sadd.s32 @!p0 s3, s7;
	s7 =	simm.s32 @!p0 $0x108  }
0x21: {  	s3 =	sadd.s32 s3, s9;
	s6 =	sadd.s32 @!p0 $0x88, s6;
	s7 =	simm.s32 @p2 $0x1082  }
0x22: {  	[simem:s7], [sflag:s8] =	dma.local @!p0 [hbm:s6], $0xF7A  }
0x23: {  	s9 =	sor.u32 $0xD0000000, s2;
	s6 =	simm.s32 $0x108;
	_ =	swait.ge @!p0 [sflag:s8], $0x0  }
0x24: {  	s3 =	sadd.s32 $0x88, s3;
	s6 =	simm.s32 @!p1 $0x1082;
	[sflag:s4] =	ssyncset.s32 $0xFFFFF086  }
0x25: {  	[simem:s6], [sflag:s4] =	dma.local [hbm:s3], $0xF7A  }
0x26: {  	[smem:$0x3F9A] =	sst s1;
	(tag) =	ssettag s2;
	_ =	strace s9  }
0x27: {  	s1 =	sld [smem:$0x3FAA]  }
0x28: {  	s2 =	sld [smem:$0x3FAB]  }
0x29: {  	s4 =	sld [smem:$0x3FAD]  }
0x2a: {  	p0 =	seq.s32 s5, $0x0;
	s5 =	sld [smem:$0x3FAE]  }
0x2b: {  	s6 =	sld [smem:$0x3FAF]  }
0x2c: {  	s7 =	sld [smem:$0x3FB0]  }
0x2d: {  	s3 =	simm.s32 $0x108;
	s8 =	sld [smem:$0x3FB1]  }
0x2e: {  	s3 =	simm.s32 @!p0 $0x1082;
	s9 =	sld [smem:$0x3FB2]  }
0x2f: {  	lr =	sadd.s32 s0, s3;
	s0 =	sld [smem:$0x3FA9]  }
0x30: {  	s3 =	sld [smem:$0x3FAC]  }
0x31: {  	[smem:$0x3FB5] =	sst s10  }
0x32: {  	s10 =	sld [smem:$0x3FB3];
	_ =	sdelay $0x3  }
0x33: {  	p0 =	seq.s32 s10, $0x1;
	s10 =	sld [smem:$0x3FB5];
	_ =	sdelay $0x3  }
0x34: {  	[smem:$0x3FB5] =	sst s10  }
0x35: {  	s10 =	sld [smem:$0x3FB4];
	_ =	sdelay $0x3  }
0x36: {  	p1 =	seq.s32 s10, $0x1;
	s10 =	sld [smem:$0x3FB5];
	_ =	sdelay $0x3  }
0x37: {  	[smem:$0x3FB5] =	sst s10  }
0x38: {  	s10 =	sld [smem:$0x3FB6]  }
0x39: {  	_ = 	snop;
	(pc) =	sbr.ind lr, $3  }
0x3a: {  	_ = 	snop  }
0x3b: {  	_ = 	snop  }
0x3c: {  	p2 =	seq.s32 s10, $0x1;
	s10 =	sld [smem:$0x3FB5]  }
0x3d: {  	_ =	shalt  }
0x3e: {  	_ =	shalt  }
0x3f: {  	_ =	shalt  }
0x40: {  	_ =	shalt  }
0x41: {  	_ =	shalt  }
0x42: {  	_ =	shalt  }
0x43: {  	_ =	shalt  }
0x44: {  	_ =	shalt  }
0x45: {  	_ =	shalt  }
0x46: {  	_ =	shalt  }
0x47: {  	_ =	shalt  }
0x48: {  	_ =	shalt  }
0x49: {  	_ =	shalt  }
0x4a: {  	_ =	shalt  }
0x4b: {  	_ =	shalt  }
0x4c: {  	_ =	shalt  }
0x4d: {  	_ =	shalt  }
0x4e: {  	_ =	shalt  }
0x4f: {  	_ =	shalt  }
0x50: {  	_ =	shalt  }
0x51: {  	_ =	shalt  }
0x52: {  	_ =	shalt  }
0x53: {  	_ =	shalt  }
0x54: {  	_ =	shalt  }
0x55: {  	_ =	shalt  }
0x56: {  	_ =	shalt  }
0x57: {  	_ =	shalt  }
0x58: {  	_ =	shalt  }
0x59: {  	_ =	shalt  }
0x5a: {  	_ =	shalt  }
0x5b: {  	_ =	shalt  }
0x5c: {  	_ =	shalt  }
0x5d: {  	_ =	shalt  }
0x5e: {  	_ =	shalt  }
0x5f: {  	_ =	shalt  }
0x60: {  	_ =	shalt  }
0x61: {  	_ =	shalt  }
0x62: {  	_ =	shalt  }
0x63: {  	_ =	shalt  }
0x64: {  	_ =	shalt  }
0x65: {  	_ =	shalt  }
0x66: {  	_ =	shalt  }
0x67: {  	_ =	shalt  }
0x68: {  	_ =	shalt  }
0x69: {  	_ =	shalt  }
0x6a: {  	_ =	shalt  }
0x6b: {  	_ =	shalt  }
0x6c: {  	_ =	shalt  }
0x6d: {  	_ =	shalt  }
0x6e: {  	_ =	shalt  }
0x6f: {  	_ =	shalt  }
0x70: {  	_ =	shalt  }
0x71: {  	_ =	shalt  }
0x72: {  	_ =	shalt  }
0x73: {  	_ =	shalt  }
0x74: {  	_ =	shalt  }
0x75: {  	_ =	shalt  }
0x76: {  	_ =	shalt  }
0x77: {  	_ =	shalt  }
0x78: {  	_ =	shalt  }
0x79: {  	_ =	shalt  }
0x7a: {  	_ =	shalt  }
0x7b: {  	_ =	shalt  }
0x7c: {  	_ =	shalt  }
0x7d: {  	_ =	shalt  }
0x7e: {  	_ =	shalt  }
0x7f: {  	_ =	shalt  }
0x80: {  	_ =	shalt  }
0x81: {  	_ =	shalt  }
0x82: {  	_ =	shalt  }
0x83: {  	_ =	shalt  }
0x84: {  	_ =	shalt  }
0x85: {  	_ =	shalt  }
0x86: {  	_ =	shalt  }
0x87: {  	_ =	shalt  }
.Lfunc_end0:
.L_simem_size_0:
called_computation.1_lowered:
.L_overlay_start_0:
0x88: {  	s2 =	sld [smem:$0x3FD9]  }
0x89: {  	s3 =	sld [smem:$0x3FFE];
	_ =	sdelay $0x1  }
0x8a: {  	s1 =	srdreg.scid  }
0x8b: {  	s0 =	sand.u32 $0x1, s1  }
0x8c: {  	s16 =	sshll.u32 s0, $0xA;
	s2 =	sadd.s32 s3, s2  }
0x8d: {  	s2 =	sadd.s32 s2, s16  }
0x8e: {  	[smem:$0x3FC1] =	sst s2  }
0x8f: {  	_ = 	snop  }
0x90: {  	(tm) =	ssettm $0x1  }
0x91: {  	s17 =	sld [smem:$0x3FFB];
	_ =	sdelay $0x3  }
0x92: {  	_ =	strace s17  }
0x93: {  	s2 =	sld [smem:$0x3FFC];
	_ =	sdelay $0x3  }
0x94: {  	_ =	strace s2  }
0x95: {  	s2 =	sld [smem:$0x3FFD];
	_ =	sdelay $0x3  }
0x96: {  	_ =	strace s2  }
0x97: {  	_ =	strace $0x8FFFFFFF  }
0x98: {  	s18 =	sld [smem:$0x3FDB];
	_ =	sdelay $0x1  }
0x99: {  	s19 =	simm.s32 $_scs_section_size  }
0x9a: {  	s4 =	simm.s32 $_size__tile_overlayer_lowered;
	s5 =	simm.s32 $_tile_overlayer_lowered  }
0x9b: {  	s22 =	simm.s32 $0x1BFF;
	s21 =	sshll.u32 s5, $0x1;
	s2 =	sadd.s32 s19, s18  }
0x9c: {  	s6 =	simm.s32 $0x0;
	s20 =	sshll.u32 s4, $0x1;
	s4 =	sadd.s32 s21, s2  }
0x9d: {  	[timem:s6], [sflag:s22] =	dma.local [hbm:s4], s20  }
0x9e: {  	_ =	swait.ge [sflag:s22], s20  }
0x9f: {  	s3 =	ssub.s32 $0x0, s20;
	[sflag:s22] =	ssyncset.done $0x0  }
0xa0: {  	[sflag:s22] =	ssyncadd.s32 s3;
	_ =	sdelay $0x1  }
0xa1: {  	s23 =	simm.s32 $0x1B8B  }
0xa2: {  	_ =	swait.ge [sflag:s23], $0x1  }
0xa3: {  	[sflag:s23] =	ssyncset.done $0x0  }
0xa4: {  	s25 =	simm.s32 $0x1B8E;
	s24 =	sld [smem:$0x3FFE];
	[sflag:s23] =	ssyncadd.s32 $0xFFFFFFFF  }
0xa5: {  	s26 =	simm.s32 $execute0_lowered;
	[smem:$0x3FD2] =	sst s25  }
0xa6: {  	s4 =	sshll.u32 s26, $0x1;
	_ =	strace $0x80000049;
	[dreg:$0x1] =	wrdreg $0xFFFFFFFF  }
0xa7: {  	s28 =	simm.s32 $_size_execute0_lowered;
	s2 =	sadd.s32 s2, s4;
	[dreg:$0x0] =	wrdreg $0x0  }
0xa8: {  	s4 =	sshll.u32 s28, $0x1;
	[dreg:$0x2] =	wrdreg s2  }
0xa9: {  	[dreg:$0x3] =	wrdreg s4  }
0xaa: {  	[dreg:$0x4] =	wrdreg $0xC0  }
0xab: {  	_ =	task [dreg:s6], $0x5FFFF  }
0xac: {  	[dreg:$0x1] =	wrdreg $0xFFFFFFFF  }
0xad: {  	[dreg:$0x0] =	wrdreg $0x60  }
0xae: {  	[dreg:$0x2] =	wrdreg s24  }
0xaf: {  	[dreg:$0x3] =	wrdreg $0xB0000  }
0xb0: {  	[dreg:$0x4] =	wrdreg $0x9  }
0xb1: {  	_ =	task.clear_ibuf [dreg:s6], $0x5FFFF;
	_ =	strace $0x90000049  }
0xb2: {  	s29 =	simm.s32 $0x9;
	_ =	strace $0x8000004B  }
0xb3: {  	_ =	swait.ge [sflag:s29], $0x1  }
0xb4: {  	[sflag:s29] =	ssyncadd.s32 $0xFFFFFFFF  }
0xb5: {  	_ =	strace $0x9000004B  }
0xb6: {  	_ =	sfence  }
0xb7: {  	s30 =	sld [smem:$0x0];
	_ =	sdelay $0x2  }
0xb8: {  	s31 =	sshll.u32 s1, $0xD;
	s1 =	sshrl.u32 s1, $0x2  }
0xb9: {  	s3 =	sand.u32 $0x4000, s31;
	s1 =	sadd.s32 s1, s30  }
0xba: {  	s0 =	sor.u32 s3, s0;
	s1 =	sshll.u32 s1, $0x11  }
0xbb: {  	s0 =	sor.u32 s1, s0  }
0xbc: {  	s0 =	sadd.s32 $0x8F2B, s0  }
0xbd: {  	[sflag:s0] =	ssyncadd.remote.s32 $0x1  }
0xbe: {  	_ =	sfence.sel $0xFFFF  }
0xbf: {  	[dreg:$0x0] =	wrdreg $0xFFFFFFFF;
	(pc) =	sbr.abs _section_cstart, $3  }
0xc0: {  	[dreg:$0x1] =	wrdreg $0xFFFFFFFF  }
0xc1: {  	_ =	task.clear_ibuf [dreg:s6], $0x2FFFF;
	_ =	strace $0x9FFFFFFF  }
0xc2: {  	(tm) =	ssettm $0x7FFFFFFF  }
0xc3: {  	_ =	shalt  }
tec
execute0_lowered:
.L_overlay_start_1:
0x0: {  	(tag) =	ssettag $0x1  }
0x1: {  	s0 =	rddreg [dreg:$0x0]  }
0x2: {  	s1 =	rddreg [dreg:$0x1];
	s2 =	srdreg.scid  }
0x3: {  	s3 =	simm.s32 $0x0;
	s9 =	stileid.u32;
	s14 =	simm.s32 $0x180  }
0x4: {  	s15 =	simm.s32 $0x200;
	s17 =	simm.s32 $0x480;
	s18 =	simm.s32 $0x280  }
0x5: {  	s19 =	simm.s32 $0x500;
	[smem:$0x7FF] =	sst s3;
	s26 =	sadd.s32 $0x2000, s0  }
0x6: {  	s20 =	simm.s32 $0x300;
	_ =	strace $0x8000004A;
	[dreg:$0x1c] =	wrdreg s26  }
0x7: {  	s22 =	simm.s32 $0x580;
	s24 =	simm.s32 $0x380;
	[dreg:$0x3] =	wrdreg s14  }
0x8: {  	s28 =	simm.s32 $0x3;
	s29 =	simm.s32 $0x4;
	[dreg:$0x4] =	wrdreg s15  }
0x9: {  	s30 =	simm.s32 $0x5;
	s31 =	simm.s32 $0x0;
	[dreg:$0x5] =	wrdreg s17  }
0xa: {  	s2 =	sand.u32 $0x1, s2;
	s6 =	smul.u32 $0x14000, s9;
	[dreg:$0x6] =	wrdreg s18  }
0xb: {  	s4 =	sadd.s32 $0x2CC00, s0;
	s12 =	sadd.s32 $0x1CC00, s0;
	[dreg:$0x7] =	wrdreg s19  }
0xc: {  	s11 =	sadd.s32 $0xCC00, s0;
	s8 =	smul.u32 $0x50000, s9;
	[dreg:$0x8] =	wrdreg s20  }
0xd: {  	s16 =	sshll.u32 s9, $0x6;
	s5 =	smul.u32 $0x140000, s2;
	[dreg:$0x9] =	wrdreg s22  }
0xe: {  	s7 =	ssub.s32 $0x2, s2;
	[dreg:$0xa] =	wrdreg s24;
	s15 =	simm.s32 $0x600  }
0xf: {  	s2 =	sshll.u32 s2, $0xF;
	s26 =	simm.s32 $0x680;
	[dreg:$0xb] =	wrdreg s15  }
0x10: {  	s14 =	sshll.u32 s9, $0xB;
	s17 =	simm.s32 $0xA00;
	[dreg:$0xc] =	wrdreg s26  }
0x11: {  	s18 =	simm.s32 $0xC80;
	s19 =	simm.s32 $0xA80;
	[dreg:$0x12] =	wrdreg s17  }
0x12: {  	s20 =	simm.s32 $0xD00;
	s22 =	simm.s32 $0xD80;
	[dreg:$0x13] =	wrdreg s18  }
0x13: {  	s24 =	simm.s32 $0xE00;
	s10 =	sshrl.u32 s7, $0x1;
	[dreg:$0x14] =	wrdreg s19  }
0x14: {  	s13 =	sshrl.u32 s8, $0x2;
	s21 =	sor.u32 s14, s2;
	[dreg:$0x15] =	wrdreg s20  }
0x15: {  	s8 =	simm.s32 $0x900;
	s15 =	simm.s32 $0x780;
	[dreg:$0x17] =	wrdreg s22  }
0x16: {  	s17 =	simm.s32 $0x1000;
	s19 =	simm.s32 $0x3800;
	[dreg:$0x19] =	wrdreg s24  }
0x17: {  	s22 =	simm.s32 $0x800;
	s26 =	simm.s32 $0xF80;
	s24 =	simm.s32 $0x8800  }
0x18: {  	s5 =	sadd.s32 s6, s5;
	s10 =	ssub.s32 s7, s10;
	s13 =	sadd.s32 s13, s1  }
0x19: {  	s23 =	sadd.s32 s12, s21;
	s25 =	sadd.s32 s11, s21;
	[dreg:$0xf] =	wrdreg s8  }
0x1a: {  	s11 =	sadd.s32 s2, s11;
	s7 =	simm.s32 $0x700;
	[dreg:$0x10] =	wrdreg s15  }
0x1b: {  	s2 =	sadd.s32 s2, s12;
	s15 =	simm.s32 $0x400;
	[dreg:$0x1b] =	wrdreg s26  }
0x1c: {  	s21 =	simm.s32 $0xB00;
	s26 =	simm.s32 $0x2;
	[dreg:$0x1d] =	wrdreg s23  }
0x1d: {  	s6 =	sshrl.u32 s5, $0x3;
	[dreg:$0x1e] =	wrdreg s25;
	s10 =	smax.u32 s10, $0x1  }
0x1e: {  	s5 =	simm.s32 $0x880;
	s11 =	sadd.s32 s14, s11;
	[dreg:$0xe] =	wrdreg s7  }
0x1f: {  	s12 =	sadd.s32 s14, s2;
	s13 =	sshrl.u32 s13, $0x3;
	s14 =	simm.s32 $0x6  }
0x20: {  	[dreg:$0x16] =	wrdreg s21;
	s23 =	simm.s32 $0xB80;
	s21 =	simm.s32 $0x6000  }
0x21: {  	s25 =	simm.s32 $0xF00;
	s0 =	sadd.s32 s6, s0;
	[dreg:$0xd] =	wrdreg s5  }
0x22: {  	s6 =	sor.u32 $0x1C06, s16;
	s16 =	simm.s32 $0x980;
	[dreg:$0x18] =	wrdreg s23  }
0x23: {  	[dreg:$0x1a] =	wrdreg s25;
	s23 =	simm.s32 $0xC00;
	s25 =	simm.s32 $0x1  }
0x24: {  	s9 =	sadd.s32 $0x54C00, s0;
	[dreg:$0x11] =	wrdreg s16;
	s16 =	simm.s32 $0x50  }
.LBB2_1:
0x25: {  	s0 =	rddreg [dreg:$0x1c]  }
0x26: {  	[spmem:s13], [sflag:s6] =	dma.local [hbm:s0], $0x2800  }
0x27: {  	_ =	swait.ge [sflag:s14], $0x2800  }
0x28: {  	[sflag:s14] =	ssyncset.done $0x0  }
0x29: {  	s20 =	rddreg [dreg:$0x1d];
	[sflag:s14] =	ssyncadd.s32 $0xFFFFD800  }
0x2a: {  	[tilespmem:s3], [sflag:$0x6] =	stream.linear.gather [hbm4b:s20+s3], $0x400, $0x38;
	[tilespmem:$0x1F000] =	vst v63  }
0x2b: {  	_ =	swait.ge [sflag:s14], $0x400  }
0x2c: {  	[sflag:s14] =	ssyncset.done $0x0  }
0x2d: {  	s2 =	rddreg [dreg:$0x1e];
	[sflag:s14] =	ssyncadd.s32 $0xFFFFFC00  }
0x2e: {  	[tilespmem:s15], [sflag:$0x6] =	stream.linear.gather [hbm4b:s2+s3], $0x400, $0x38;
	[tilespmem:$0x1F000] =	vst v63  }
0x2f: {  	_ =	swait.ge [sflag:s14], $0x400  }
0x30: {  	[sflag:s14] =	ssyncset.done $0x0  }
0x31: {  	[sflag:s14] =	ssyncadd.s32 $0xFFFFFC00  }
0x32: {  	[bflag:$0x0] =	sbarrier.arrive $0xFFFF  }
0x33: {  	[tilespmem:s17], [sflag:$0x1] =	stream.indirect.gather [hbm4b:s4+s16], $0x80, s3, s16, $0xb8;
	[tilespmem:$0x1F000] =	vst v63  }
0x34: {  	s5 =	simm.s32 $0x80  }
0x35: {  	[tilespmem:s19], [sflag:$0x2] =	stream.indirect.gather [hbm4b:s4+s16], $0x80, s5, s16, $0xb8;
	[tilespmem:$0x1F000] =	vst v63  }
0x36: {  	s7 =	simm.s32 $0x100;
	s8 =	sadd.s32 $0x0, s12  }
0x37: {  	[tilespmem:s21], [sflag:$0x3] =	stream.indirect.gather [hbm4b:s4+s16], $0x80, s7, s16, $0xb8;
	[tilespmem:$0x1F000] =	vst v63  }
0x38: {  	s0 =	sadd.s32 $0x80, s8;
	s2 =	sadd.s32 $0x0, s11  }
0x39: {  	[tilespmem:s22], [sflag:$0x5] =	stream.linear.gather [hbm4b:s0+s3], $0x400, $0x38;
	[tilespmem:$0x1F000] =	vst v63  }
0x3a: {  	s18 =	sadd.s32 $0x80, s2  }
0x3b: {  	[tilespmem:s23], [sflag:$0x5] =	stream.linear.gather [hbm4b:s18+s3], $0x400, $0x38;
	[tilespmem:$0x1F000] =	vst v63  }
0x3c: {  	s20 =	rddreg [dreg:$0x3]  }
0x3d: {  	[tilespmem:s24], [sflag:$0x4] =	stream.indirect.gather [hbm4b:s4+s16], $0x80, s20, s16, $0xb8;
	[tilespmem:$0x1F000] =	vst v63  }
0x3e: {  	_ =	swait.ge [sflag:s25], $0x2800  }
0x3f: {  	[sflag:s25] =	ssyncset.done $0x0  }
0x40: {  	[sflag:s25] =	ssyncadd.s32 $0xFFFFD800  }
0x41: {  	[spmem:s1] =	stream.indirect.scatter.add.f32 [tilespmem:s17], [sflag:$0x6], $0x80, s15, s16, $0xb8;
	[tilespmem:$0x1F000] =	vst v63  }
0x42: {  	_ =	swait.ge [sflag:s14], $0x2800  }
0x43: {  	[sflag:s14] =	ssyncset.done $0x0  }
0x44: {  	s2 =	rddreg [dreg:$0x4];
	[sflag:s14] =	ssyncadd.s32 $0xFFFFD800  }
0x45: {  	[tilespmem:s17], [sflag:$0x1] =	stream.indirect.gather [hbm4b:s4+s16], $0x80, s2, s16, $0xb8;
	[tilespmem:$0x1F000] =	vst v63  }
0x46: {  	_ =	swait.ge [sflag:s26], $0x2800  }
0x47: {  	[sflag:s26] =	ssyncset.done $0x0  }
0x48: {  	s5 =	rddreg [dreg:$0x5];
	[sflag:s26] =	ssyncadd.s32 $0xFFFFD800  }
0x49: {  	[spmem:s1] =	stream.indirect.scatter.add.f32 [tilespmem:s19], [sflag:$0x6], $0x80, s5, s16, $0xb8;
	[tilespmem:$0x1F000] =	vst v63  }
0x4a: {  	_ =	swait.ge [sflag:s14], $0x2800  }
0x4b: {  	[sflag:s14] =	ssyncset.done $0x0  }
0x4c: {  	s7 =	rddreg [dreg:$0x6];
	[sflag:s14] =	ssyncadd.s32 $0xFFFFD800  }
0x4d: {  	[tilespmem:s19], [sflag:$0x2] =	stream.indirect.gather [hbm4b:s4+s16], $0x80, s7, s16, $0xb8;
	[tilespmem:$0x1F000] =	vst v63  }
0x4e: {  	_ =	swait.ge [sflag:s28], $0x2800  }
0x4f: {  	[sflag:s28] =	ssyncset.done $0x0  }
0x50: {  	s8 =	rddreg [dreg:$0x7];
	[sflag:s28] =	ssyncadd.s32 $0xFFFFD800  }
0x51: {  	[spmem:s1] =	stream.indirect.scatter.add.f32 [tilespmem:s21], [sflag:$0x6], $0x80, s8, s16, $0xb8;
	[tilespmem:$0x1F000] =	vst v63  }
0x52: {  	_ =	swait.ge [sflag:s14], $0x2800  }
0x53: {  	[sflag:s14] =	ssyncset.done $0x0  }
0x54: {  	s18 =	rddreg [dreg:$0x8];
	[sflag:s14] =	ssyncadd.s32 $0xFFFFD800  }
0x55: {  	[tilespmem:s21], [sflag:$0x3] =	stream.indirect.gather [hbm4b:s4+s16], $0x80, s18, s16, $0xb8;
	[tilespmem:$0x1F000] =	vst v63  }
0x56: {  	_ =	swait.ge [sflag:s29], $0x2800  }
0x57: {  	[sflag:s29] =	ssyncset.done $0x0  }
0x58: {  	s20 =	rddreg [dreg:$0x9];
	[sflag:s29] =	ssyncadd.s32 $0xFFFFD800  }
0x59: {  	[spmem:s1] =	stream.indirect.scatter.add.f32 [tilespmem:s24], [sflag:$0x6], $0x80, s20, s16, $0xb8;
	[tilespmem:$0x1F000] =	vst v63  }
0x5a: {  	_ =	swait.ge [sflag:s14], $0x2800  }
0x5b: {  	[sflag:s14] =	ssyncset.done $0x0  }
0x5c: {  	s2 =	rddreg [dreg:$0xa];
	[sflag:s14] =	ssyncadd.s32 $0xFFFFD800  }
0x5d: {  	[tilespmem:s24], [sflag:$0x4] =	stream.indirect.gather [hbm4b:s4+s16], $0x80, s2, s16, $0xb8;
	[tilespmem:$0x1F000] =	vst v63  }
0x5e: {  	_ =	swait.ge [sflag:s25], $0x2800  }
0x5f: {  	[sflag:s25] =	ssyncset.done $0x0  }
0x60: {  	s5 =	rddreg [dreg:$0xb];
	[sflag:s25] =	ssyncadd.s32 $0xFFFFD800  }
0x61: {  	[spmem:s1] =	stream.indirect.scatter.add.f32 [tilespmem:s17], [sflag:$0x6], $0x80, s5, s16, $0xb8;
	[tilespmem:$0x1F000] =	vst v63  }
0x62: {  	_ =	swait.ge [sflag:s14], $0x2800  }
0x63: {  	[sflag:s14] =	ssyncset.done $0x0  }
0x64: {  	[sflag:s14] =	ssyncadd.s32 $0xFFFFD800  }
0x65: {  	_ =	swait.ge [sflag:s30], $0x400  }
0x66: {  	[sflag:s30] =	ssyncset.done $0x0  }
0x67: {  	[sflag:s30] =	ssyncadd.s32 $0xFFFFFC00  }
0x68: {  	_ =	swait.ge [sflag:s30], $0x400  }
0x69: {  	[sflag:s30] =	ssyncset.done $0x0  }
0x6a: {  	[sflag:s30] =	ssyncadd.s32 $0xFFFFFC00  }
0x6b: {  	[tilespmem:s17], [sflag:$0x1] =	stream.indirect.gather [hbm4b:s4+s16], $0x80, s22, s16, $0xb8;
	[tilespmem:$0x1F000] =	vst v63  }
0x6c: {  	_ =	swait.ge [sflag:s26], $0x2800  }
0x6d: {  	[sflag:s26] =	ssyncset.done $0x0  }
0x6e: {  	s7 =	rddreg [dreg:$0xc];
	[sflag:s26] =	ssyncadd.s32 $0xFFFFD800  }
0x6f: {  	[spmem:s1] =	stream.indirect.scatter.add.f32 [tilespmem:s19], [sflag:$0x6], $0x80, s7, s16, $0xb8;
	[tilespmem:$0x1F000] =	vst v63  }
0x70: {  	_ =	swait.ge [sflag:s14], $0x2800  }
0x71: {  	[sflag:s14] =	ssyncset.done $0x0  }
0x72: {  	s8 =	rddreg [dreg:$0xd];
	[sflag:s14] =	ssyncadd.s32 $0xFFFFD800  }
0x73: {  	[tilespmem:s19], [sflag:$0x2] =	stream.indirect.gather [hbm4b:s4+s16], $0x80, s8, s16, $0xb8;
	[tilespmem:$0x1F000] =	vst v63  }
0x74: {  	_ =	swait.ge [sflag:s28], $0x2800  }
0x75: {  	[sflag:s28] =	ssyncset.done $0x0  }
0x76: {  	s18 =	rddreg [dreg:$0xe];
	[sflag:s28] =	ssyncadd.s32 $0xFFFFD800  }
0x77: {  	[spmem:s1] =	stream.indirect.scatter.add.f32 [tilespmem:s21], [sflag:$0x6], $0x80, s18, s16, $0xb8;
	[tilespmem:$0x1F000] =	vst v63  }
0x78: {  	_ =	swait.ge [sflag:s14], $0x2800  }
0x79: {  	[sflag:s14] =	ssyncset.done $0x0  }
0x7a: {  	s20 =	rddreg [dreg:$0xf];
	[sflag:s14] =	ssyncadd.s32 $0xFFFFD800  }
0x7b: {  	[tilespmem:s21], [sflag:$0x3] =	stream.indirect.gather [hbm4b:s4+s16], $0x80, s20, s16, $0xb8;
	[tilespmem:$0x1F000] =	vst v63  }
0x7c: {  	_ =	swait.ge [sflag:s29], $0x2800  }
0x7d: {  	[sflag:s29] =	ssyncset.done $0x0  }
0x7e: {  	p0 =	por $0x0, $0x0;
	s2 =	rddreg [dreg:$0x10];
	[sflag:s29] =	ssyncadd.s32 $0xFFFFD800  }
0x7f: {  	[spmem:s1] =	stream.indirect.scatter.add.f32 [tilespmem:s24], [sflag:$0x6], $0x80, s2, s16, $0xb8;
	[tilespmem:$0x1F000] =	vst v63  }
0x80: {  	s0 =	sadd.s32 @!p0 $0x0, s12;
	_ =	swait.ge [sflag:s14], $0x2800  }
0x81: {  	s18 =	sadd.s32 @!p0 $0x100, s0;
	[sflag:s14] =	ssyncset.done $0x0  }
0x82: {  	s0 =	simm.s32 @!p0 $0x0;
	s2 =	sadd.s32 @!p0 $0x0, s11;
	[sflag:s14] =	ssyncadd.s32 $0xFFFFD800  }
0x83: {  	[tilespmem:s0], [sflag:$0x5] =	stream.linear.gather @!p0 [hbm4b:s18+s0], $0x400, $0x38;
	[tilespmem:$0x1F000] =	vst v63  }
0x84: {  	s2 =	sadd.s32 @!p0 $0x100, s2;
	s18 =	simm.s32 @!p0 $0x400  }
0x85: {  	[tilespmem:s18], [sflag:$0x5] =	stream.linear.gather @!p0 [hbm4b:s2+s0], $0x400, $0x38;
	[tilespmem:$0x1F000] =	vst v63  }
0x86: {  	s20 =	rddreg [dreg:$0x11]  }
0x87: {  	[tilespmem:s24], [sflag:$0x4] =	stream.indirect.gather [hbm4b:s4+s16], $0x80, s20, s16, $0xb8;
	[tilespmem:$0x1F000] =	vst v63  }
0x88: {  	_ =	swait.ge [sflag:s25], $0x2800  }
0x89: {  	[sflag:s25] =	ssyncset.done $0x0  }
0x8a: {  	[sflag:s25] =	ssyncadd.s32 $0xFFFFD800  }
0x8b: {  	[spmem:s1] =	stream.indirect.scatter.add.f32 [tilespmem:s17], [sflag:$0x6], $0x80, s23, s16, $0xb8;
	[tilespmem:$0x1F000] =	vst v63  }
0x8c: {  	_ =	swait.ge [sflag:s14], $0x2800  }
0x8d: {  	[sflag:s14] =	ssyncset.done $0x0  }
0x8e: {  	s5 =	rddreg [dreg:$0x12];
	[sflag:s14] =	ssyncadd.s32 $0xFFFFD800  }
0x8f: {  	[tilespmem:s17], [sflag:$0x1] =	stream.indirect.gather [hbm4b:s4+s16], $0x80, s5, s16, $0xb8;
	[tilespmem:$0x1F000] =	vst v63  }
0x90: {  	_ =	swait.ge [sflag:s26], $0x2800  }
0x91: {  	[sflag:s26] =	ssyncset.done $0x0  }
0x92: {  	s7 =	rddreg [dreg:$0x13];
	[sflag:s26] =	ssyncadd.s32 $0xFFFFD800  }
0x93: {  	[spmem:s1] =	stream.indirect.scatter.add.f32 [tilespmem:s19], [sflag:$0x6], $0x80, s7, s16, $0xb8;
	[tilespmem:$0x1F000] =	vst v63  }
0x94: {  	_ =	swait.ge [sflag:s14], $0x2800  }
0x95: {  	[sflag:s14] =	ssyncset.done $0x0  }
0x96: {  	s8 =	rddreg [dreg:$0x14];
	[sflag:s14] =	ssyncadd.s32 $0xFFFFD800  }
0x97: {  	[tilespmem:s19], [sflag:$0x2] =	stream.indirect.gather [hbm4b:s4+s16], $0x80, s8, s16, $0xb8;
	[tilespmem:$0x1F000] =	vst v63  }
0x98: {  	_ =	swait.ge [sflag:s28], $0x2800  }
0x99: {  	[sflag:s28] =	ssyncset.done $0x0  }
0x9a: {  	s18 =	rddreg [dreg:$0x15];
	[sflag:s28] =	ssyncadd.s32 $0xFFFFD800  }
0x9b: {  	[spmem:s1] =	stream.indirect.scatter.add.f32 [tilespmem:s21], [sflag:$0x6], $0x80, s18, s16, $0xb8;
	[tilespmem:$0x1F000] =	vst v63  }
0x9c: {  	_ =	swait.ge [sflag:s14], $0x2800  }
0x9d: {  	[sflag:s14] =	ssyncset.done $0x0  }
0x9e: {  	s20 =	rddreg [dreg:$0x16];
	[sflag:s14] =	ssyncadd.s32 $0xFFFFD800  }
0x9f: {  	[tilespmem:s21], [sflag:$0x3] =	stream.indirect.gather [hbm4b:s4+s16], $0x80, s20, s16, $0xb8;
	[tilespmem:$0x1F000] =	vst v63  }
0xa0: {  	_ =	swait.ge [sflag:s29], $0x2800  }
0xa1: {  	[sflag:s29] =	ssyncset.done $0x0  }
0xa2: {  	s5 =	rddreg [dreg:$0x17];
	[sflag:s29] =	ssyncadd.s32 $0xFFFFD800  }
0xa3: {  	[spmem:s1] =	stream.indirect.scatter.add.f32 [tilespmem:s24], [sflag:$0x6], $0x80, s5, s16, $0xb8;
	[tilespmem:$0x1F000] =	vst v63  }
0xa4: {  	_ =	swait.ge [sflag:s14], $0x2800  }
0xa5: {  	[sflag:s14] =	ssyncset.done $0x0  }
0xa6: {  	s7 =	rddreg [dreg:$0x18];
	[sflag:s14] =	ssyncadd.s32 $0xFFFFD800  }
0xa7: {  	[tilespmem:s24], [sflag:$0x4] =	stream.indirect.gather [hbm4b:s4+s16], $0x80, s7, s16, $0xb8;
	[tilespmem:$0x1F000] =	vst v63  }
0xa8: {  	_ =	swait.ge [sflag:s25], $0x2800  }
0xa9: {  	[sflag:s25] =	ssyncset.done $0x0  }
0xaa: {  	s8 =	rddreg [dreg:$0x19];
	[sflag:s25] =	ssyncadd.s32 $0xFFFFD800  }
0xab: {  	[spmem:s1] =	stream.indirect.scatter.add.f32 [tilespmem:s17], [sflag:$0x6], $0x80, s8, s16, $0xb8;
	[tilespmem:$0x1F000] =	vst v63  }
0xac: {  	_ =	swait.ge [sflag:s14], $0x2800  }
0xad: {  	[sflag:s14] =	ssyncset.done $0x0  }
0xae: {  	s2 =	simm.s32 @p0 $0x2;
	[sflag:s14] =	ssyncadd.s32 $0xFFFFD800  }
0xaf: {  	_ =	swait.ge @p0 [sflag:s2], $0x2800  }
0xb0: {  	s18 =	simm.s32 @p0 $0x3800;
	[sflag:s2] =	ssyncset.done @p0 $0x0  }
0xb1: {  	s20 =	simm.s32 @p0 $0xE80;
	[sflag:s2] =	ssyncadd.s32 @p0 $0xFFFFD800;
	s2 =	simm.s32 @p0 $0x50  }
0xb2: {  	[spmem:s1] =	stream.indirect.scatter.add.f32 @p0 [tilespmem:s18], [sflag:$0x6], $0x80, s20, s2, $0xb8;
	[tilespmem:$0x1F000] =	vst v63  }
0xb3: {  	s2 =	simm.s32 @p0 $0x6  }
0xb4: {  	_ =	swait.ge @p0 [sflag:s2], $0x2800  }
0xb5: {  	[sflag:s2] =	ssyncset.done @p0 $0x0  }
0xb6: {  	[sflag:s2] =	ssyncadd.s32 @p0 $0xFFFFD800;
	s2 =	simm.s32 @!p0 $0x5  }
0xb7: {  	_ =	swait.ge @!p0 [sflag:s2], $0x400  }
0xb8: {  	[sflag:s2] =	ssyncset.done @!p0 $0x0  }
0xb9: {  	[sflag:s2] =	ssyncadd.s32 @!p0 $0xFFFFFC00  }
0xba: {  	_ =	swait.ge @!p0 [sflag:s2], $0x400  }
0xbb: {  	[sflag:s2] =	ssyncset.done @!p0 $0x0  }
0xbc: {  	s18 =	simm.s32 @!p0 $0x1000;
	[sflag:s2] =	ssyncadd.s32 @!p0 $0xFFFFFC00;
	s2 =	simm.s32 @!p0 $0x50  }
0xbd: {  	[tilespmem:s18], [sflag:$0x1] =	stream.indirect.gather @!p0 [hbm4b:s4+s2], $0x80, s0, s2, $0xb8;
	[tilespmem:$0x1F000] =	vst v63  }
0xbe: {  	s0 =	simm.s32 @!p0 $0x2  }
0xbf: {  	_ =	swait.ge @!p0 [sflag:s0], $0x2800  }
0xc0: {  	[sflag:s0] =	ssyncset.done @!p0 $0x0  }
0xc1: {  	s18 =	simm.s32 @!p0 $0x3800;
	[sflag:s0] =	ssyncadd.s32 @!p0 $0xFFFFD800;
	s0 =	simm.s32 @!p0 $0xE80  }
0xc2: {  	[spmem:s1] =	stream.indirect.scatter.add.f32 @!p0 [tilespmem:s18], [sflag:$0x6], $0x80, s0, s2, $0xb8;
	[tilespmem:$0x1F000] =	vst v63  }
0xc3: {  	s0 =	simm.s32 @!p0 $0x6  }
0xc4: {  	_ =	swait.ge @!p0 [sflag:s0], $0x2800  }
0xc5: {  	[sflag:s0] =	ssyncset.done @!p0 $0x0  }
0xc6: {  	[sflag:s0] =	ssyncadd.s32 @!p0 $0xFFFFD800;
	s0 =	simm.s32 @!p0 $0x80  }
0xc7: {  	[tilespmem:s18], [sflag:$0x2] =	stream.indirect.gather @!p0 [hbm4b:s4+s2], $0x80, s0, s2, $0xb8;
	[tilespmem:$0x1F000] =	vst v63  }
0xc8: {  	_ =	swait.ge [sflag:s28], $0x2800  }
0xc9: {  	[sflag:s28] =	ssyncset.done $0x0  }
0xca: {  	s18 =	rddreg [dreg:$0x1a];
	[sflag:s28] =	ssyncadd.s32 $0xFFFFD800  }
0xcb: {  	[spmem:s1] =	stream.indirect.scatter.add.f32 [tilespmem:s21], [sflag:$0x6], $0x80, s18, s16, $0xb8;
	[tilespmem:$0x1F000] =	vst v63  }
0xcc: {  	_ =	swait.ge [sflag:s14], $0x2800  }
0xcd: {  	[sflag:s14] =	ssyncset.done $0x0  }
0xce: {  	s0 =	simm.s32 @!p0 $0x100;
	s18 =	simm.s32 @!p0 $0x6000;
	[sflag:s14] =	ssyncadd.s32 $0xFFFFD800  }
0xcf: {  	[tilespmem:s18], [sflag:$0x3] =	stream.indirect.gather @!p0 [hbm4b:s4+s2], $0x80, s0, s2, $0xb8;
	[tilespmem:$0x1F000] =	vst v63  }
0xd0: {  	_ =	swait.ge [sflag:s29], $0x2800  }
0xd1: {  	[sflag:s29] =	ssyncset.done $0x0  }
0xd2: {  	s20 =	rddreg [dreg:$0x1b];
	[sflag:s29] =	ssyncadd.s32 $0xFFFFD800  }
0xd3: {  	[spmem:s1] =	stream.indirect.scatter.add.f32 [tilespmem:s24], [sflag:$0x6], $0x80, s20, s16, $0xb8;
	[tilespmem:$0x1F000] =	vst v63  }
0xd4: {  	s0 =	simm.s32 $0x100;
	_ =	swait.ge [sflag:s14], $0x2800  }
0xd5: {  	s2 =	simm.s32 $0x200;
	s18 =	sadd.s32 $0x100, s12;
	[sflag:s14] =	ssyncset.done $0x0  }
.LBB2_2:
0xd6: {  	s20 =	sadd.s32 $0x80, s18;
	s5 =	sadd.s32 s0, s11;
	[sflag:s14] =	ssyncadd.s32 $0xFFFFD800  }
0xd7: {  	[tilespmem:s22], [sflag:$0x5] =	stream.linear.gather [hbm4b:s20+s3], $0x400, $0x38;
	[tilespmem:$0x1F000] =	vst v63  }
0xd8: {  	s5 =	sadd.s32 $0x80, s5  }
0xd9: {  	[tilespmem:s23], [sflag:$0x5] =	stream.linear.gather [hbm4b:s5+s3], $0x400, $0x38;
	[tilespmem:$0x1F000] =	vst v63  }
0xda: {  	s8 =	rddreg [dreg:$0x3]  }
0xdb: {  	[tilespmem:s24], [sflag:$0x4] =	stream.indirect.gather [hbm4b:s4+s16], $0x80, s8, s16, $0xb8;
	[tilespmem:$0x1F000] =	vst v63  }
0xdc: {  	_ =	swait.ge [sflag:s25], $0x2800  }
0xdd: {  	[sflag:s25] =	ssyncset.done $0x0  }
0xde: {  	[sflag:s25] =	ssyncadd.s32 $0xFFFFD800  }
0xdf: {  	[spmem:s1] =	stream.indirect.scatter.add.f32 [tilespmem:s17], [sflag:$0x6], $0x80, s15, s16, $0xb8;
	[tilespmem:$0x1F000] =	vst v63  }
0xe0: {  	_ =	swait.ge [sflag:s14], $0x2800  }
0xe1: {  	[sflag:s14] =	ssyncset.done $0x0  }
0xe2: {  	s20 =	rddreg [dreg:$0x4];
	[sflag:s14] =	ssyncadd.s32 $0xFFFFD800  }
0xe3: {  	[tilespmem:s17], [sflag:$0x1] =	stream.indirect.gather [hbm4b:s4+s16], $0x80, s20, s16, $0xb8;
	[tilespmem:$0x1F000] =	vst v63  }
0xe4: {  	_ =	swait.ge [sflag:s26], $0x2800  }
0xe5: {  	[sflag:s26] =	ssyncset.done $0x0  }
0xe6: {  	s7 =	rddreg [dreg:$0x5];
	[sflag:s26] =	ssyncadd.s32 $0xFFFFD800  }
0xe7: {  	[spmem:s1] =	stream.indirect.scatter.add.f32 [tilespmem:s19], [sflag:$0x6], $0x80, s7, s16, $0xb8;
	[tilespmem:$0x1F000] =	vst v63  }
0xe8: {  	_ =	swait.ge [sflag:s14], $0x2800  }
0xe9: {  	[sflag:s14] =	ssyncset.done $0x0  }
0xea: {  	s8 =	rddreg [dreg:$0x6];
	[sflag:s14] =	ssyncadd.s32 $0xFFFFD800  }
0xeb: {  	[tilespmem:s19], [sflag:$0x2] =	stream.indirect.gather [hbm4b:s4+s16], $0x80, s8, s16, $0xb8;
	[tilespmem:$0x1F000] =	vst v63  }
0xec: {  	_ =	swait.ge [sflag:s28], $0x2800  }
0xed: {  	[sflag:s28] =	ssyncset.done $0x0  }
0xee: {  	s20 =	rddreg [dreg:$0x7];
	[sflag:s28] =	ssyncadd.s32 $0xFFFFD800  }
0xef: {  	[spmem:s1] =	stream.indirect.scatter.add.f32 [tilespmem:s21], [sflag:$0x6], $0x80, s20, s16, $0xb8;
	[tilespmem:$0x1F000] =	vst v63  }
0xf0: {  	_ =	swait.ge [sflag:s14], $0x2800  }
0xf1: {  	[sflag:s14] =	ssyncset.done $0x0  }
0xf2: {  	s7 =	rddreg [dreg:$0x8];
	[sflag:s14] =	ssyncadd.s32 $0xFFFFD800  }
0xf3: {  	[tilespmem:s21], [sflag:$0x3] =	stream.indirect.gather [hbm4b:s4+s16], $0x80, s7, s16, $0xb8;
	[tilespmem:$0x1F000] =	vst v63  }
0xf4: {  	_ =	swait.ge [sflag:s29], $0x2800  }
0xf5: {  	[sflag:s29] =	ssyncset.done $0x0  }
0xf6: {  	s8 =	rddreg [dreg:$0x9];
	[sflag:s29] =	ssyncadd.s32 $0xFFFFD800  }
0xf7: {  	[spmem:s1] =	stream.indirect.scatter.add.f32 [tilespmem:s24], [sflag:$0x6], $0x80, s8, s16, $0xb8;
	[tilespmem:$0x1F000] =	vst v63  }
0xf8: {  	_ =	swait.ge [sflag:s14], $0x2800  }
0xf9: {  	[sflag:s14] =	ssyncset.done $0x0  }
0xfa: {  	s20 =	rddreg [dreg:$0xa];
	[sflag:s14] =	ssyncadd.s32 $0xFFFFD800  }
0xfb: {  	[tilespmem:s24], [sflag:$0x4] =	stream.indirect.gather [hbm4b:s4+s16], $0x80, s20, s16, $0xb8;
	[tilespmem:$0x1F000] =	vst v63  }
0xfc: {  	_ =	swait.ge [sflag:s25], $0x2800  }
0xfd: {  	[sflag:s25] =	ssyncset.done $0x0  }
0xfe: {  	s7 =	rddreg [dreg:$0xb];
	[sflag:s25] =	ssyncadd.s32 $0xFFFFD800  }
0xff: {  	[spmem:s1] =	stream.indirect.scatter.add.f32 [tilespmem:s17], [sflag:$0x6], $0x80, s7, s16, $0xb8;
	[tilespmem:$0x1F000] =	vst v63  }
0x100: {  	_ =	swait.ge [sflag:s14], $0x2800  }
0x101: {  	[sflag:s14] =	ssyncset.done $0x0  }
0x102: {  	[sflag:s14] =	ssyncadd.s32 $0xFFFFD800  }
0x103: {  	_ =	swait.ge [sflag:s30], $0x400  }
0x104: {  	[sflag:s30] =	ssyncset.done $0x0  }
0x105: {  	[sflag:s30] =	ssyncadd.s32 $0xFFFFFC00  }
0x106: {  	_ =	swait.ge [sflag:s30], $0x400  }
0x107: {  	[sflag:s30] =	ssyncset.done $0x0  }
0x108: {  	[sflag:s30] =	ssyncadd.s32 $0xFFFFFC00  }
0x109: {  	[tilespmem:s17], [sflag:$0x1] =	stream.indirect.gather [hbm4b:s4+s16], $0x80, s22, s16, $0xb8;
	[tilespmem:$0x1F000] =	vst v63  }
0x10a: {  	_ =	swait.ge [sflag:s26], $0x2800  }
0x10b: {  	[sflag:s26] =	ssyncset.done $0x0  }
0x10c: {  	s8 =	rddreg [dreg:$0xc];
	[sflag:s26] =	ssyncadd.s32 $0xFFFFD800  }
0x10d: {  	[spmem:s1] =	stream.indirect.scatter.add.f32 [tilespmem:s19], [sflag:$0x6], $0x80, s8, s16, $0xb8;
	[tilespmem:$0x1F000] =	vst v63  }
0x10e: {  	_ =	swait.ge [sflag:s14], $0x2800  }
0x10f: {  	[sflag:s14] =	ssyncset.done $0x0  }
0x110: {  	s20 =	rddreg [dreg:$0xd];
	[sflag:s14] =	ssyncadd.s32 $0xFFFFD800  }
0x111: {  	[tilespmem:s19], [sflag:$0x2] =	stream.indirect.gather [hbm4b:s4+s16], $0x80, s20, s16, $0xb8;
	[tilespmem:$0x1F000] =	vst v63  }
0x112: {  	_ =	swait.ge [sflag:s28], $0x2800  }
0x113: {  	[sflag:s28] =	ssyncset.done $0x0  }
0x114: {  	s7 =	rddreg [dreg:$0xe];
	[sflag:s28] =	ssyncadd.s32 $0xFFFFD800  }
0x115: {  	[spmem:s1] =	stream.indirect.scatter.add.f32 [tilespmem:s21], [sflag:$0x6], $0x80, s7, s16, $0xb8;
	[tilespmem:$0x1F000] =	vst v63  }
0x116: {  	_ =	swait.ge [sflag:s14], $0x2800  }
0x117: {  	[sflag:s14] =	ssyncset.done $0x0  }
0x118: {  	s8 =	rddreg [dreg:$0xf];
	[sflag:s14] =	ssyncadd.s32 $0xFFFFD800  }
0x119: {  	[tilespmem:s21], [sflag:$0x3] =	stream.indirect.gather [hbm4b:s4+s16], $0x80, s8, s16, $0xb8;
	[tilespmem:$0x1F000] =	vst v63  }
0x11a: {  	_ =	swait.ge [sflag:s29], $0x2800  }
0x11b: {  	[sflag:s29] =	ssyncset.done $0x0  }
0x11c: {  	s20 =	rddreg [dreg:$0x10];
	[sflag:s29] =	ssyncadd.s32 $0xFFFFD800  }
0x11d: {  	[spmem:s1] =	stream.indirect.scatter.add.f32 [tilespmem:s24], [sflag:$0x6], $0x80, s20, s16, $0xb8;
	[tilespmem:$0x1F000] =	vst v63  }
0x11e: {  	p1 =	seq.s32 s0, $0x700;
	_ =	swait.ge [sflag:s14], $0x2800  }
0x11f: {  	s5 =	sadd.s32 @!p1 s0, s12;
	s0 =	sadd.s32 @!p1 s0, s11;
	[sflag:s14] =	ssyncset.done $0x0  }
0x120: {  	s5 =	sadd.s32 @!p1 $0x100, s5;
	s20 =	simm.s32 @!p1 $0x0;
	[sflag:s14] =	ssyncadd.s32 $0xFFFFD800  }
0x121: {  	[tilespmem:s20], [sflag:$0x5] =	stream.linear.gather @!p1 [hbm4b:s5+s20], $0x400, $0x38;
	[tilespmem:$0x1F000] =	vst v63  }
0x122: {  	s0 =	sadd.s32 @!p1 $0x100, s0;
	s5 =	simm.s32 @!p1 $0x400  }
0x123: {  	[tilespmem:s5], [sflag:$0x5] =	stream.linear.gather @!p1 [hbm4b:s0+s20], $0x400, $0x38;
	[tilespmem:$0x1F000] =	vst v63  }
0x124: {  	s7 =	rddreg [dreg:$0x11]  }
0x125: {  	[tilespmem:s24], [sflag:$0x4] =	stream.indirect.gather [hbm4b:s4+s16], $0x80, s7, s16, $0xb8;
	[tilespmem:$0x1F000] =	vst v63  }
0x126: {  	_ =	swait.ge [sflag:s25], $0x2800  }
0x127: {  	[sflag:s25] =	ssyncset.done $0x0  }
0x128: {  	[sflag:s25] =	ssyncadd.s32 $0xFFFFD800  }
0x129: {  	[spmem:s1] =	stream.indirect.scatter.add.f32 [tilespmem:s17], [sflag:$0x6], $0x80, s23, s16, $0xb8;
	[tilespmem:$0x1F000] =	vst v63  }
0x12a: {  	_ =	swait.ge [sflag:s14], $0x2800  }
0x12b: {  	[sflag:s14] =	ssyncset.done $0x0  }
0x12c: {  	s7 =	rddreg [dreg:$0x12];
	[sflag:s14] =	ssyncadd.s32 $0xFFFFD800  }
0x12d: {  	[tilespmem:s17], [sflag:$0x1] =	stream.indirect.gather [hbm4b:s4+s16], $0x80, s7, s16, $0xb8;
	[tilespmem:$0x1F000] =	vst v63  }
0x12e: {  	_ =	swait.ge [sflag:s26], $0x2800  }
0x12f: {  	[sflag:s26] =	ssyncset.done $0x0  }
0x130: {  	s8 =	rddreg [dreg:$0x13];
	[sflag:s26] =	ssyncadd.s32 $0xFFFFD800  }
0x131: {  	[spmem:s1] =	stream.indirect.scatter.add.f32 [tilespmem:s19], [sflag:$0x6], $0x80, s8, s16, $0xb8;
	[tilespmem:$0x1F000] =	vst v63  }
0x132: {  	_ =	swait.ge [sflag:s14], $0x2800  }
0x133: {  	s18 =	smov.u32 s2;
	[sflag:s14] =	ssyncset.done $0x0  }
0x134: {  	s0 =	smov.u32 s18;
	s18 =	rddreg [dreg:$0x14];
	[sflag:s14] =	ssyncadd.s32 $0xFFFFD800  }
0x135: {  	[tilespmem:s19], [sflag:$0x2] =	stream.indirect.gather [hbm4b:s4+s16], $0x80, s18, s16, $0xb8;
	[tilespmem:$0x1F000] =	vst v63  }
0x136: {  	_ =	swait.ge [sflag:s28], $0x2800  }
0x137: {  	[sflag:s28] =	ssyncset.done $0x0  }
0x138: {  	s7 =	rddreg [dreg:$0x15];
	[sflag:s28] =	ssyncadd.s32 $0xFFFFD800  }
0x139: {  	[spmem:s1] =	stream.indirect.scatter.add.f32 [tilespmem:s21], [sflag:$0x6], $0x80, s7, s16, $0xb8;
	[tilespmem:$0x1F000] =	vst v63  }
0x13a: {  	_ =	swait.ge [sflag:s14], $0x2800  }
0x13b: {  	[sflag:s14] =	ssyncset.done $0x0  }
0x13c: {  	s8 =	rddreg [dreg:$0x16];
	[sflag:s14] =	ssyncadd.s32 $0xFFFFD800  }
0x13d: {  	[tilespmem:s21], [sflag:$0x3] =	stream.indirect.gather [hbm4b:s4+s16], $0x80, s8, s16, $0xb8;
	[tilespmem:$0x1F000] =	vst v63  }
0x13e: {  	_ =	swait.ge [sflag:s29], $0x2800  }
0x13f: {  	[sflag:s29] =	ssyncset.done $0x0  }
0x140: {  	s18 =	rddreg [dreg:$0x17];
	[sflag:s29] =	ssyncadd.s32 $0xFFFFD800  }
0x141: {  	[spmem:s1] =	stream.indirect.scatter.add.f32 [tilespmem:s24], [sflag:$0x6], $0x80, s18, s16, $0xb8;
	[tilespmem:$0x1F000] =	vst v63  }
0x142: {  	_ =	swait.ge [sflag:s14], $0x2800  }
0x143: {  	[sflag:s14] =	ssyncset.done $0x0  }
0x144: {  	s7 =	rddreg [dreg:$0x18];
	[sflag:s14] =	ssyncadd.s32 $0xFFFFD800  }
0x145: {  	[tilespmem:s24], [sflag:$0x4] =	stream.indirect.gather [hbm4b:s4+s16], $0x80, s7, s16, $0xb8;
	[tilespmem:$0x1F000] =	vst v63  }
0x146: {  	_ =	swait.ge [sflag:s25], $0x2800  }
0x147: {  	[sflag:s25] =	ssyncset.done $0x0  }
0x148: {  	s8 =	rddreg [dreg:$0x19];
	[sflag:s25] =	ssyncadd.s32 $0xFFFFD800  }
0x149: {  	[spmem:s1] =	stream.indirect.scatter.add.f32 [tilespmem:s17], [sflag:$0x6], $0x80, s8, s16, $0xb8;
	[tilespmem:$0x1F000] =	vst v63  }
0x14a: {  	_ =	swait.ge [sflag:s14], $0x2800  }
0x14b: {  	[sflag:s14] =	ssyncset.done $0x0  }
0x14c: {  	s5 =	simm.s32 @p1 $0x2;
	[sflag:s14] =	ssyncadd.s32 $0xFFFFD800  }
0x14d: {  	_ =	swait.ge @p1 [sflag:s5], $0x2800  }
0x14e: {  	s18 =	simm.s32 @p1 $0x6;
	s7 =	simm.s32 @p1 $0x3800;
	[sflag:s5] =	ssyncset.done @p1 $0x0  }
0x14f: {  	s8 =	simm.s32 @p1 $0xE80;
	[sflag:s5] =	ssyncadd.s32 @p1 $0xFFFFD800;
	s5 =	simm.s32 @p1 $0x50  }
0x150: {  	[spmem:s1] =	stream.indirect.scatter.add.f32 @p1 [tilespmem:s7], [sflag:$0x6], $0x80, s8, s5, $0xb8;
	[tilespmem:$0x1F000] =	vst v63  }
0x151: {  	_ =	swait.ge @p1 [sflag:s18], $0x2800  }
0x152: {  	[sflag:s18] =	ssyncset.done @p1 $0x0  }
0x153: {  	s5 =	simm.s32 @!p1 $0x5;
	[sflag:s18] =	ssyncadd.s32 @p1 $0xFFFFD800  }
0x154: {  	_ =	swait.ge @!p1 [sflag:s5], $0x400  }
0x155: {  	[sflag:s5] =	ssyncset.done @!p1 $0x0  }
0x156: {  	[sflag:s5] =	ssyncadd.s32 @!p1 $0xFFFFFC00  }
0x157: {  	_ =	swait.ge @!p1 [sflag:s5], $0x400  }
0x158: {  	s7 =	simm.s32 @!p1 $0x2;
	[sflag:s5] =	ssyncset.done @!p1 $0x0  }
0x159: {  	s8 =	simm.s32 @!p1 $0x1000;
	[sflag:s5] =	ssyncadd.s32 @!p1 $0xFFFFFC00;
	s5 =	simm.s32 @!p1 $0x50  }
0x15a: {  	[tilespmem:s8], [sflag:$0x1] =	stream.indirect.gather @!p1 [hbm4b:s4+s5], $0x80, s20, s5, $0xb8;
	[tilespmem:$0x1F000] =	vst v63  }
0x15b: {  	_ =	swait.ge @!p1 [sflag:s7], $0x2800  }
0x15c: {  	s18 =	simm.s32 @!p1 $0x3800;
	[sflag:s7] =	ssyncset.done @!p1 $0x0  }
0x15d: {  	s8 =	simm.s32 @!p1 $0x6;
	[sflag:s7] =	ssyncadd.s32 @!p1 $0xFFFFD800;
	s7 =	simm.s32 @!p1 $0xE80  }
0x15e: {  	[spmem:s1] =	stream.indirect.scatter.add.f32 @!p1 [tilespmem:s18], [sflag:$0x6], $0x80, s7, s5, $0xb8;
	[tilespmem:$0x1F000] =	vst v63  }
0x15f: {  	_ =	swait.ge @!p1 [sflag:s8], $0x2800  }
0x160: {  	[sflag:s8] =	ssyncset.done @!p1 $0x0  }
0x161: {  	s7 =	simm.s32 @!p1 $0x80;
	[sflag:s8] =	ssyncadd.s32 @!p1 $0xFFFFD800  }
0x162: {  	[tilespmem:s18], [sflag:$0x2] =	stream.indirect.gather @!p1 [hbm4b:s4+s5], $0x80, s7, s5, $0xb8;
	[tilespmem:$0x1F000] =	vst v63  }
0x163: {  	_ =	swait.ge [sflag:s28], $0x2800  }
0x164: {  	[sflag:s28] =	ssyncset.done $0x0  }
0x165: {  	s18 =	rddreg [dreg:$0x1a];
	[sflag:s28] =	ssyncadd.s32 $0xFFFFD800  }
0x166: {  	[spmem:s1] =	stream.indirect.scatter.add.f32 [tilespmem:s21], [sflag:$0x6], $0x80, s18, s16, $0xb8;
	[tilespmem:$0x1F000] =	vst v63  }
0x167: {  	_ =	swait.ge [sflag:s14], $0x2800  }
0x168: {  	s2 =	sadd.s32 $0x100, s2;
	[sflag:s14] =	ssyncset.done $0x0  }
0x169: {  	s8 =	simm.s32 @!p1 $0x6000;
	s7 =	simm.s32 @!p1 $0x100;
	[sflag:s14] =	ssyncadd.s32 $0xFFFFD800  }
0x16a: {  	[tilespmem:s8], [sflag:$0x3] =	stream.indirect.gather @!p1 [hbm4b:s4+s5], $0x80, s7, s5, $0xb8;
	[tilespmem:$0x1F000] =	vst v63  }
0x16b: {  	p0 =	sne.s32 s2, $0x800;
	_ =	swait.ge [sflag:s29], $0x2800  }
.Ltmp0:
0x16c: {  	[sflag:s29] =	ssyncset.done $0x0;
	(pc) =	sbr.rel @p0 .LBB2_2-.Ltmp0, $4  }
0x16d: {  	s20 =	rddreg [dreg:$0x1b];
	[sflag:s29] =	ssyncadd.s32 $0xFFFFD800  }
0x16e: {  	[spmem:s1] =	stream.indirect.scatter.add.f32 [tilespmem:s24], [sflag:$0x6], $0x80, s20, s16, $0xb8;
	[tilespmem:$0x1F000] =	vst v63  }
0x16f: {  	_ =	swait.ge [sflag:s14], $0x2800  }
0x170: {  	s18 =	sadd.s32 s0, s12;
	[sflag:s14] =	ssyncset.done $0x0  }
0x171: {  	s2 =	sadd.s32 $0x80, s18;
	s5 =	sadd.s32 s0, s11;
	[sflag:s14] =	ssyncadd.s32 $0xFFFFD800  }
0x172: {  	[tilespmem:s22], [sflag:$0x5] =	stream.linear.gather [hbm4b:s2+s3], $0x400, $0x38;
	[tilespmem:$0x1F000] =	vst v63  }
0x173: {  	s5 =	sadd.s32 $0x80, s5  }
0x174: {  	[tilespmem:s23], [sflag:$0x5] =	stream.linear.gather [hbm4b:s5+s3], $0x400, $0x38;
	[tilespmem:$0x1F000] =	vst v63  }
0x175: {  	s7 =	rddreg [dreg:$0x3]  }
0x176: {  	[tilespmem:s24], [sflag:$0x4] =	stream.indirect.gather [hbm4b:s4+s16], $0x80, s7, s16, $0xb8;
	[tilespmem:$0x1F000] =	vst v63  }
0x177: {  	_ =	swait.ge [sflag:s25], $0x2800  }
0x178: {  	[sflag:s25] =	ssyncset.done $0x0  }
0x179: {  	[sflag:s25] =	ssyncadd.s32 $0xFFFFD800  }
0x17a: {  	[spmem:s1] =	stream.indirect.scatter.add.f32 [tilespmem:s17], [sflag:$0x6], $0x80, s15, s16, $0xb8;
	[tilespmem:$0x1F000] =	vst v63  }
0x17b: {  	_ =	swait.ge [sflag:s14], $0x2800  }
0x17c: {  	[sflag:s14] =	ssyncset.done $0x0  }
0x17d: {  	s8 =	rddreg [dreg:$0x4];
	[sflag:s14] =	ssyncadd.s32 $0xFFFFD800  }
0x17e: {  	[tilespmem:s17], [sflag:$0x1] =	stream.indirect.gather [hbm4b:s4+s16], $0x80, s8, s16, $0xb8;
	[tilespmem:$0x1F000] =	vst v63  }
0x17f: {  	_ =	swait.ge [sflag:s26], $0x2800  }
0x180: {  	[sflag:s26] =	ssyncset.done $0x0  }
0x181: {  	s18 =	rddreg [dreg:$0x5];
	[sflag:s26] =	ssyncadd.s32 $0xFFFFD800  }
0x182: {  	[spmem:s1] =	stream.indirect.scatter.add.f32 [tilespmem:s19], [sflag:$0x6], $0x80, s18, s16, $0xb8;
	[tilespmem:$0x1F000] =	vst v63  }
0x183: {  	_ =	swait.ge [sflag:s14], $0x2800  }
0x184: {  	[sflag:s14] =	ssyncset.done $0x0  }
0x185: {  	s20 =	rddreg [dreg:$0x6];
	[sflag:s14] =	ssyncadd.s32 $0xFFFFD800  }
0x186: {  	[tilespmem:s19], [sflag:$0x2] =	stream.indirect.gather [hbm4b:s4+s16], $0x80, s20, s16, $0xb8;
	[tilespmem:$0x1F000] =	vst v63  }
0x187: {  	_ =	swait.ge [sflag:s28], $0x2800  }
0x188: {  	[sflag:s28] =	ssyncset.done $0x0  }
0x189: {  	s5 =	rddreg [dreg:$0x7];
	[sflag:s28] =	ssyncadd.s32 $0xFFFFD800  }
0x18a: {  	[spmem:s1] =	stream.indirect.scatter.add.f32 [tilespmem:s21], [sflag:$0x6], $0x80, s5, s16, $0xb8;
	[tilespmem:$0x1F000] =	vst v63  }
0x18b: {  	_ =	swait.ge [sflag:s14], $0x2800  }
0x18c: {  	[sflag:s14] =	ssyncset.done $0x0  }
0x18d: {  	s7 =	rddreg [dreg:$0x8];
	[sflag:s14] =	ssyncadd.s32 $0xFFFFD800  }
0x18e: {  	[tilespmem:s21], [sflag:$0x3] =	stream.indirect.gather [hbm4b:s4+s16], $0x80, s7, s16, $0xb8;
	[tilespmem:$0x1F000] =	vst v63  }
0x18f: {  	_ =	swait.ge [sflag:s29], $0x2800  }
0x190: {  	[sflag:s29] =	ssyncset.done $0x0  }
0x191: {  	s8 =	rddreg [dreg:$0x9];
	[sflag:s29] =	ssyncadd.s32 $0xFFFFD800  }
0x192: {  	[spmem:s1] =	stream.indirect.scatter.add.f32 [tilespmem:s24], [sflag:$0x6], $0x80, s8, s16, $0xb8;
	[tilespmem:$0x1F000] =	vst v63  }
0x193: {  	_ =	swait.ge [sflag:s14], $0x2800  }
0x194: {  	[sflag:s14] =	ssyncset.done $0x0  }
0x195: {  	s18 =	rddreg [dreg:$0xa];
	[sflag:s14] =	ssyncadd.s32 $0xFFFFD800  }
0x196: {  	[tilespmem:s24], [sflag:$0x4] =	stream.indirect.gather [hbm4b:s4+s16], $0x80, s18, s16, $0xb8;
	[tilespmem:$0x1F000] =	vst v63  }
0x197: {  	_ =	swait.ge [sflag:s25], $0x2800  }
0x198: {  	[sflag:s25] =	ssyncset.done $0x0  }
0x199: {  	s20 =	rddreg [dreg:$0xb];
	[sflag:s25] =	ssyncadd.s32 $0xFFFFD800  }
0x19a: {  	[spmem:s1] =	stream.indirect.scatter.add.f32 [tilespmem:s17], [sflag:$0x6], $0x80, s20, s16, $0xb8;
	[tilespmem:$0x1F000] =	vst v63  }
0x19b: {  	_ =	swait.ge [sflag:s14], $0x2800  }
0x19c: {  	[sflag:s14] =	ssyncset.done $0x0  }
0x19d: {  	[sflag:s14] =	ssyncadd.s32 $0xFFFFD800  }
0x19e: {  	_ =	swait.ge [sflag:s30], $0x400  }
0x19f: {  	[sflag:s30] =	ssyncset.done $0x0  }
0x1a0: {  	[sflag:s30] =	ssyncadd.s32 $0xFFFFFC00  }
0x1a1: {  	_ =	swait.ge [sflag:s30], $0x400  }
0x1a2: {  	[sflag:s30] =	ssyncset.done $0x0  }
0x1a3: {  	[sflag:s30] =	ssyncadd.s32 $0xFFFFFC00  }
0x1a4: {  	[tilespmem:s17], [sflag:$0x1] =	stream.indirect.gather [hbm4b:s4+s16], $0x80, s22, s16, $0xb8;
	[tilespmem:$0x1F000] =	vst v63  }
0x1a5: {  	_ =	swait.ge [sflag:s26], $0x2800  }
0x1a6: {  	[sflag:s26] =	ssyncset.done $0x0  }
0x1a7: {  	s5 =	rddreg [dreg:$0xc];
	[sflag:s26] =	ssyncadd.s32 $0xFFFFD800  }
0x1a8: {  	[spmem:s1] =	stream.indirect.scatter.add.f32 [tilespmem:s19], [sflag:$0x6], $0x80, s5, s16, $0xb8;
	[tilespmem:$0x1F000] =	vst v63  }
0x1a9: {  	_ =	swait.ge [sflag:s14], $0x2800  }
0x1aa: {  	[sflag:s14] =	ssyncset.done $0x0  }
0x1ab: {  	s7 =	rddreg [dreg:$0xd];
	[sflag:s14] =	ssyncadd.s32 $0xFFFFD800  }
0x1ac: {  	[tilespmem:s19], [sflag:$0x2] =	stream.indirect.gather [hbm4b:s4+s16], $0x80, s7, s16, $0xb8;
	[tilespmem:$0x1F000] =	vst v63  }
0x1ad: {  	_ =	swait.ge [sflag:s28], $0x2800  }
0x1ae: {  	[sflag:s28] =	ssyncset.done $0x0  }
0x1af: {  	s8 =	rddreg [dreg:$0xe];
	[sflag:s28] =	ssyncadd.s32 $0xFFFFD800  }
0x1b0: {  	[spmem:s1] =	stream.indirect.scatter.add.f32 [tilespmem:s21], [sflag:$0x6], $0x80, s8, s16, $0xb8;
	[tilespmem:$0x1F000] =	vst v63  }
0x1b1: {  	_ =	swait.ge [sflag:s14], $0x2800  }
0x1b2: {  	[sflag:s14] =	ssyncset.done $0x0  }
0x1b3: {  	s18 =	rddreg [dreg:$0xf];
	[sflag:s14] =	ssyncadd.s32 $0xFFFFD800  }
0x1b4: {  	[tilespmem:s21], [sflag:$0x3] =	stream.indirect.gather [hbm4b:s4+s16], $0x80, s18, s16, $0xb8;
	[tilespmem:$0x1F000] =	vst v63  }
0x1b5: {  	_ =	swait.ge [sflag:s29], $0x2800  }
0x1b6: {  	[sflag:s29] =	ssyncset.done $0x0  }
0x1b7: {  	p0 =	seq.s32 s0, $0x700;
	s20 =	rddreg [dreg:$0x10];
	[sflag:s29] =	ssyncadd.s32 $0xFFFFD800  }
0x1b8: {  	[spmem:s1] =	stream.indirect.scatter.add.f32 [tilespmem:s24], [sflag:$0x6], $0x80, s20, s16, $0xb8;
	[tilespmem:$0x1F000] =	vst v63  }
0x1b9: {  	s2 =	sadd.s32 @!p0 s0, s12;
	_ =	swait.ge [sflag:s14], $0x2800  }
0x1ba: {  	s2 =	sadd.s32 @!p0 $0x100, s2;
	[sflag:s14] =	ssyncset.done $0x0  }
0x1bb: {  	s5 =	sadd.s32 @!p0 s0, s11;
	s0 =	simm.s32 @!p0 $0x0;
	[sflag:s14] =	ssyncadd.s32 $0xFFFFD800  }
0x1bc: {  	[tilespmem:s0], [sflag:$0x5] =	stream.linear.gather @!p0 [hbm4b:s2+s0], $0x400, $0x38;
	[tilespmem:$0x1F000] =	vst v63  }
0x1bd: {  	s2 =	sadd.s32 @!p0 $0x100, s5;
	s5 =	simm.s32 @!p0 $0x400  }
0x1be: {  	[tilespmem:s5], [sflag:$0x5] =	stream.linear.gather @!p0 [hbm4b:s2+s0], $0x400, $0x38;
	[tilespmem:$0x1F000] =	vst v63  }
0x1bf: {  	s7 =	rddreg [dreg:$0x11]  }
0x1c0: {  	[tilespmem:s24], [sflag:$0x4] =	stream.indirect.gather [hbm4b:s4+s16], $0x80, s7, s16, $0xb8;
	[tilespmem:$0x1F000] =	vst v63  }
0x1c1: {  	_ =	swait.ge [sflag:s25], $0x2800  }
0x1c2: {  	[sflag:s25] =	ssyncset.done $0x0  }
0x1c3: {  	[sflag:s25] =	ssyncadd.s32 $0xFFFFD800  }
0x1c4: {  	[spmem:s1] =	stream.indirect.scatter.add.f32 [tilespmem:s17], [sflag:$0x6], $0x80, s23, s16, $0xb8;
	[tilespmem:$0x1F000] =	vst v63  }
0x1c5: {  	_ =	swait.ge [sflag:s14], $0x2800  }
0x1c6: {  	[sflag:s14] =	ssyncset.done $0x0  }
0x1c7: {  	s5 =	rddreg [dreg:$0x12];
	[sflag:s14] =	ssyncadd.s32 $0xFFFFD800  }
0x1c8: {  	[tilespmem:s17], [sflag:$0x1] =	stream.indirect.gather [hbm4b:s4+s16], $0x80, s5, s16, $0xb8;
	[tilespmem:$0x1F000] =	vst v63  }
0x1c9: {  	_ =	swait.ge [sflag:s26], $0x2800  }
0x1ca: {  	[sflag:s26] =	ssyncset.done $0x0  }
0x1cb: {  	s7 =	rddreg [dreg:$0x13];
	[sflag:s26] =	ssyncadd.s32 $0xFFFFD800  }
0x1cc: {  	[spmem:s1] =	stream.indirect.scatter.add.f32 [tilespmem:s19], [sflag:$0x6], $0x80, s7, s16, $0xb8;
	[tilespmem:$0x1F000] =	vst v63  }
0x1cd: {  	_ =	swait.ge [sflag:s14], $0x2800  }
0x1ce: {  	[sflag:s14] =	ssyncset.done $0x0  }
0x1cf: {  	s8 =	rddreg [dreg:$0x14];
	[sflag:s14] =	ssyncadd.s32 $0xFFFFD800  }
0x1d0: {  	[tilespmem:s19], [sflag:$0x2] =	stream.indirect.gather [hbm4b:s4+s16], $0x80, s8, s16, $0xb8;
	[tilespmem:$0x1F000] =	vst v63  }
0x1d1: {  	_ =	swait.ge [sflag:s28], $0x2800  }
0x1d2: {  	[sflag:s28] =	ssyncset.done $0x0  }
0x1d3: {  	s18 =	rddreg [dreg:$0x15];
	[sflag:s28] =	ssyncadd.s32 $0xFFFFD800  }
0x1d4: {  	[spmem:s1] =	stream.indirect.scatter.add.f32 [tilespmem:s21], [sflag:$0x6], $0x80, s18, s16, $0xb8;
	[tilespmem:$0x1F000] =	vst v63  }
0x1d5: {  	_ =	swait.ge [sflag:s14], $0x2800  }
0x1d6: {  	[sflag:s14] =	ssyncset.done $0x0  }
0x1d7: {  	s20 =	rddreg [dreg:$0x16];
	[sflag:s14] =	ssyncadd.s32 $0xFFFFD800  }
0x1d8: {  	[tilespmem:s21], [sflag:$0x3] =	stream.indirect.gather [hbm4b:s4+s16], $0x80, s20, s16, $0xb8;
	[tilespmem:$0x1F000] =	vst v63  }
0x1d9: {  	_ =	swait.ge [sflag:s29], $0x2800  }
0x1da: {  	[sflag:s29] =	ssyncset.done $0x0  }
0x1db: {  	s5 =	rddreg [dreg:$0x17];
	[sflag:s29] =	ssyncadd.s32 $0xFFFFD800  }
0x1dc: {  	[spmem:s1] =	stream.indirect.scatter.add.f32 [tilespmem:s24], [sflag:$0x6], $0x80, s5, s16, $0xb8;
	[tilespmem:$0x1F000] =	vst v63  }
0x1dd: {  	_ =	swait.ge [sflag:s14], $0x2800  }
0x1de: {  	[sflag:s14] =	ssyncset.done $0x0  }
0x1df: {  	s7 =	rddreg [dreg:$0x18];
	[sflag:s14] =	ssyncadd.s32 $0xFFFFD800  }
0x1e0: {  	[tilespmem:s24], [sflag:$0x4] =	stream.indirect.gather [hbm4b:s4+s16], $0x80, s7, s16, $0xb8;
	[tilespmem:$0x1F000] =	vst v63  }
0x1e1: {  	_ =	swait.ge [sflag:s25], $0x2800  }
0x1e2: {  	[sflag:s25] =	ssyncset.done $0x0  }
0x1e3: {  	s8 =	rddreg [dreg:$0x19];
	[sflag:s25] =	ssyncadd.s32 $0xFFFFD800  }
0x1e4: {  	[spmem:s1] =	stream.indirect.scatter.add.f32 [tilespmem:s17], [sflag:$0x6], $0x80, s8, s16, $0xb8;
	[tilespmem:$0x1F000] =	vst v63  }
0x1e5: {  	_ =	swait.ge [sflag:s14], $0x2800  }
0x1e6: {  	[sflag:s14] =	ssyncset.done $0x0  }
0x1e7: {  	s2 =	simm.s32 @p0 $0x2;
	[sflag:s14] =	ssyncadd.s32 $0xFFFFD800  }
0x1e8: {  	_ =	swait.ge @p0 [sflag:s2], $0x2800  }
0x1e9: {  	s5 =	simm.s32 @p0 $0x3800;
	[sflag:s2] =	ssyncset.done @p0 $0x0  }
0x1ea: {  	s7 =	simm.s32 @p0 $0xE80;
	[sflag:s2] =	ssyncadd.s32 @p0 $0xFFFFD800;
	s2 =	simm.s32 @p0 $0x50  }
0x1eb: {  	[spmem:s1] =	stream.indirect.scatter.add.f32 @p0 [tilespmem:s5], [sflag:$0x6], $0x80, s7, s2, $0xb8;
	[tilespmem:$0x1F000] =	vst v63  }
0x1ec: {  	s2 =	simm.s32 @p0 $0x6  }
0x1ed: {  	_ =	swait.ge @p0 [sflag:s2], $0x2800  }
0x1ee: {  	[sflag:s2] =	ssyncset.done @p0 $0x0  }
0x1ef: {  	[sflag:s2] =	ssyncadd.s32 @p0 $0xFFFFD800;
	s2 =	simm.s32 @!p0 $0x5  }
0x1f0: {  	_ =	swait.ge @!p0 [sflag:s2], $0x400  }
0x1f1: {  	[sflag:s2] =	ssyncset.done @!p0 $0x0  }
0x1f2: {  	[sflag:s2] =	ssyncadd.s32 @!p0 $0xFFFFFC00  }
0x1f3: {  	_ =	swait.ge @!p0 [sflag:s2], $0x400  }
0x1f4: {  	[sflag:s2] =	ssyncset.done @!p0 $0x0  }
0x1f5: {  	s5 =	simm.s32 @!p0 $0x1000;
	[sflag:s2] =	ssyncadd.s32 @!p0 $0xFFFFFC00;
	s2 =	simm.s32 @!p0 $0x50  }
0x1f6: {  	[tilespmem:s5], [sflag:$0x1] =	stream.indirect.gather @!p0 [hbm4b:s4+s2], $0x80, s0, s2, $0xb8;
	[tilespmem:$0x1F000] =	vst v63  }
0x1f7: {  	s0 =	simm.s32 @!p0 $0x2  }
0x1f8: {  	_ =	swait.ge @!p0 [sflag:s0], $0x2800  }
0x1f9: {  	[sflag:s0] =	ssyncset.done @!p0 $0x0  }
0x1fa: {  	s5 =	simm.s32 @!p0 $0x3800;
	[sflag:s0] =	ssyncadd.s32 @!p0 $0xFFFFD800;
	s0 =	simm.s32 @!p0 $0xE80  }
0x1fb: {  	[spmem:s1] =	stream.indirect.scatter.add.f32 @!p0 [tilespmem:s5], [sflag:$0x6], $0x80, s0, s2, $0xb8;
	[tilespmem:$0x1F000] =	vst v63  }
0x1fc: {  	s0 =	simm.s32 @!p0 $0x6  }
0x1fd: {  	_ =	swait.ge @!p0 [sflag:s0], $0x2800  }
0x1fe: {  	[sflag:s0] =	ssyncset.done @!p0 $0x0  }
0x1ff: {  	[sflag:s0] =	ssyncadd.s32 @!p0 $0xFFFFD800;
	s0 =	simm.s32 @!p0 $0x80  }
0x200: {  	[tilespmem:s5], [sflag:$0x2] =	stream.indirect.gather @!p0 [hbm4b:s4+s2], $0x80, s0, s2, $0xb8;
	[tilespmem:$0x1F000] =	vst v63  }
0x201: {  	_ =	swait.ge [sflag:s28], $0x2800  }
0x202: {  	[sflag:s28] =	ssyncset.done $0x0  }
0x203: {  	s18 =	rddreg [dreg:$0x1a];
	[sflag:s28] =	ssyncadd.s32 $0xFFFFD800  }
0x204: {  	[spmem:s1] =	stream.indirect.scatter.add.f32 [tilespmem:s21], [sflag:$0x6], $0x80, s18, s16, $0xb8;
	[tilespmem:$0x1F000] =	vst v63  }
0x205: {  	_ =	swait.ge [sflag:s14], $0x2800  }
0x206: {  	[sflag:s14] =	ssyncset.done $0x0  }
0x207: {  	s0 =	simm.s32 @!p0 $0x100;
	s5 =	simm.s32 @!p0 $0x6000;
	[sflag:s14] =	ssyncadd.s32 $0xFFFFD800  }
0x208: {  	[tilespmem:s5], [sflag:$0x3] =	stream.indirect.gather @!p0 [hbm4b:s4+s2], $0x80, s0, s2, $0xb8;
	[tilespmem:$0x1F000] =	vst v63  }
0x209: {  	_ =	swait.ge [sflag:s29], $0x2800  }
0x20a: {  	[sflag:s29] =	ssyncset.done $0x0  }
0x20b: {  	s20 =	rddreg [dreg:$0x1b];
	[sflag:s29] =	ssyncadd.s32 $0xFFFFD800  }
0x20c: {  	[spmem:s1] =	stream.indirect.scatter.add.f32 [tilespmem:s24], [sflag:$0x6], $0x80, s20, s16, $0xb8;
	[tilespmem:$0x1F000] =	vst v63  }
0x20d: {  	_ =	swait.ge [sflag:s14], $0x2800  }
0x20e: {  	s31 =	sadd.s32 $0x1, s31;
	[sflag:s14] =	ssyncset.done $0x0  }
0x20f: {  	p0 =	sne.s32 s31, s10;
	[sflag:s14] =	ssyncadd.s32 $0xFFFFD800  }
.Ltmp1:
0x210: {  	[bflag:$0x0] =	sbarrier.arrive $0xFFFF;
	(pc) =	sbr.rel @p0 .LBB2_1-.Ltmp1, $4  }
0x211: {  	[hbm:s9], [sflag:s6] =	dma.local [spmem:s13], $0x2800  }
0x212: {  	_ =	swait.ge [sflag:s14], $0x2800  }
0x213: {  	[sflag:s14] =	ssyncset.done $0x0  }
0x214: {  	[sflag:s14] =	ssyncadd.s32 $0xFFFFD800  }
0x215: {  	_ =	sfence.sel $0x180000  }
0x216: {  	[bflag:$0x0] =	sbarrier.arrive $0xFFFF  }
0x217: {  	_ =	strace $0x9000004A  }
0x218: {  	s0 =	stileid.u32;
	[bflag:$0x2] =	sbarrier.arrive $0xFFFF  }
0x219: {  	p0 =	sne.s32 s0, $0x0;
	s0 =	rddreg [dreg:$0x2]  }
0x21a: {  	s0 =	sadd.s32 @!p0 $0x100000, s0  }
0x21b: {  	[sflag:s0] =	ssyncadd.tile.s32 @!p0 $0x1;
	_ =	shalt  }
.Lfunc_end2:
_tile_overlayer_lowered:
.L_overlay_start_2:
0x21c: {  	(tag) =	ssettag $0x2  }
0x21d: {  	s0 =	rddreg [dreg:$0x0];
	s2 =	stileid.u32  }
0x21e: {  	s1 =	rddreg [dreg:$0x1];
	p0 =	sne.s32 s2, $0x0  }
0x21f: {  	s3 =	rddreg [dreg:$0x2];
	[bflag:$0x3] =	sbarrier.arrive $0xFFFF;
	s2 =	simm.s32 @!p0 $0x1C06  }
0x220: {  	[timem:s3], [sflag:s2] =	dma.local @!p0 [hbm:s0], s1  }
0x221: {  	s0 =	simm.s32 @!p0 $0x6  }
0x222: {  	_ =	swait.ge @!p0 [sflag:s0], s1  }
0x223: {  	s1 =	ssub.s32 @!p0 $0x0, s1;
	[sflag:s0] =	ssyncset.done @!p0 $0x0  }
0x224: {  	[sflag:s0] =	ssyncadd.s32 @!p0 s1  }
0x225: {  	[bflag:$0x3] =	sbarrier.arrive $0xFFFF  }
0x226: {  	_ =	shalt  }

</sc_bundles>
